<compile_context>
chip_gen: v7x
topology: tpu7x:2x2x1
jax: 0.10.2.dev20260603
libtpu: 0.0.44.dev20260713+nightly
codegen_flags: <defaults>
</compile_context>

<pallas_src>
import functools

import jax
import jax.numpy as jnp
from jax import lax
from jax.experimental import pallas as pl
from jax.experimental.pallas import tpu as pltpu
from jax.experimental.pallas import tpu_sc as plsc

VOCAB = 1000000
ENC = 64
BATCH = 16384

NUM_CORES = 2
NUM_SUBCORES = 16
LANES = 16
NW = NUM_CORES * NUM_SUBCORES
BPW = BATCH // NW
CHUNK = 128
NCHUNK = BPW // CHUNK
PITCH = LANES + 1

_mesh = plsc.VectorSubcoreMesh(core_axis_name="c", subcore_axis_name="s")

TBLK = 256
TGRID = -(-VOCAB // TBLK)


def _pad_pack_body(x_ref, o_ref):
    t = x_ref[...].T
    o_ref[...] = jnp.concatenate([t, jnp.zeros_like(t)], axis=1)


_pack_tc = pl.pallas_call(
    _pad_pack_body,
    grid=(TGRID,),
    in_specs=[pl.BlockSpec((ENC, TBLK), lambda i: (0, i))],
    out_specs=pl.BlockSpec((TBLK, 2 * ENC), lambda i: (i, 0)),
    out_shape=jax.ShapeDtypeStruct((VOCAB, 2 * ENC), jnp.float32),
)


@functools.partial(
    pl.kernel,
    mesh=_mesh,
    compiler_params=pltpu.CompilerParams(needs_layout_passes=False),
    out_type=jax.ShapeDtypeStruct((BATCH,), jnp.float32),
    scratch_types=[
        pltpu.VMEM((NCHUNK, CHUNK), jnp.int32),
        pltpu.VMEM((NCHUNK, CHUNK), jnp.int32),
        pltpu.VMEM((BPW // 2, 128), jnp.float32),
        pltpu.VMEM((BPW // 2, 128), jnp.float32),
        pltpu.VMEM((BPW,), jnp.float32),
        pltpu.VMEM((LANES * PITCH,), jnp.float32),
        pltpu.SemaphoreType.DMA,
        pltpu.SemaphoreType.DMA,
    ],
)
def _genre2vec_sc(rows_a_hbm, rows_b_hbm, emb_hbm, ctx_hbm, out_hbm,
                  ia_v, ib_v, ra_v, rb_v, o_v, ps_v, sem_a, sem_b):
    wid = lax.axis_index("s") * NUM_CORES + lax.axis_index("c")
    base = wid * BPW

    pltpu.sync_copy(rows_a_hbm.at[wid], ia_v)
    pltpu.sync_copy(rows_b_hbm.at[wid], ib_v)

    lane_iota = lax.iota(jnp.int32, LANES)
    pitch_iota = lane_iota * PITCH

    for h in range(2):
        copies = []
        for j in range(NCHUNK // 2):
            jj = h * (NCHUNK // 2) + j
            copies.append(pltpu.async_copy(
                emb_hbm.at[ia_v.at[jj]], ra_v.at[pl.ds(j * CHUNK, CHUNK)],
                sem_a))
            copies.append(pltpu.async_copy(
                ctx_hbm.at[ib_v.at[jj]], rb_v.at[pl.ds(j * CHUNK, CHUNK)],
                sem_b))
        for cp in copies:
            cp.wait()

        def group_body(g, _):
            loc0 = g * LANES
            row0 = h * (BPW // 2) + loc0
            for rl in range(LANES):
                r = loc0 + rl
                pr = (ra_v[r, pl.ds(0, 16)] * rb_v[r, pl.ds(0, 16)]
                      + ra_v[r, pl.ds(16, 16)] * rb_v[r, pl.ds(16, 16)]
                      + ra_v[r, pl.ds(32, 16)] * rb_v[r, pl.ds(32, 16)]
                      + ra_v[r, pl.ds(48, 16)] * rb_v[r, pl.ds(48, 16)])
                ps_v[pl.ds(rl * PITCH, LANES)] = pr
            acc = plsc.load_gather(ps_v, [pitch_iota])
            for c in range(1, LANES):
                acc = acc + plsc.load_gather(ps_v, [pitch_iota + c])
            o_v[pl.ds(row0, LANES)] = 1.0 / (1.0 + jnp.exp(-acc))
            return 0

        lax.fori_loop(0, BPW // 2 // LANES, group_body, 0)

    pltpu.sync_copy(o_v, out_hbm.at[pl.ds(base, BPW)])


def kernel(input_genres, context_genres, embedding_table, context_table):
    ia = input_genres.astype(jnp.int32)
    ib = context_genres.astype(jnp.int32)
    rows_a = ia.reshape(NW, NCHUNK, CHUNK)
    rows_b = ib.reshape(NW, NCHUNK, CHUNK)
    emb_p = _pack_tc(embedding_table.T)
    ctx_p = jnp.pad(context_table, ((0, 0), (0, 128 - ENC)))
    return _genre2vec_sc(rows_a, rows_b, emb_p, ctx_p)

# --- scband reference (transcript-rebuilt; emitter-appended) ---
"""Pipeline reference for scband-genre2-vec-74242804679181 (READ-ONLY COPY).

The authoritative reference and input builder live on the scoring server;
editing this copy changes nothing except your own understanding.
"""

import jax, jax.numpy as jnp
import numpy as np

VOCAB = 1000000
ENC = 64
BATCH = 16384

def setup_inputs(seed: int = 0) -> dict:
    key = jax.random.key(seed)
    k1, k2, k3, k4 = jax.random.split(key, 4)
    input_genres = jax.random.randint(k1, (BATCH,), 0, VOCAB, dtype=jnp.int64) if jax.config.jax_enable_x64 else jax.random.randint(k1, (BATCH,), 0, VOCAB, dtype=jnp.int32)
    context_genres = jax.random.randint(k2, (BATCH,), 0, VOCAB, dtype=jnp.int64) if jax.config.jax_enable_x64 else jax.random.randint(k2, (BATCH,), 0, VOCAB, dtype=jnp.int32)
    embedding_table = jax.random.normal(k3, (VOCAB, ENC), dtype=jnp.float32)
    context_table = jax.random.normal(k4, (VOCAB, ENC), dtype=jnp.float32)
    return {
        "input_genres": input_genres,
        "context_genres": context_genres,
        "embedding_table": embedding_table,
        "context_table": context_table,
    }

def reference(input_genres, context_genres, embedding_table, context_table):
    # a = self.embedding(input_genres)
    a = jnp.take(embedding_table, input_genres, axis=0)
    # b = self.context(context_genres)
    b = jnp.take(context_table, context_genres, axis=0)
    # dot = torch.sum(a * b, dim=1)
    dot = jnp.sum(a * b, axis=1)
    # return torch.sigmoid(dot)
    return jax.nn.sigmoid(dot)

if __name__ == "__main__":
    import jax
    _d = setup_inputs()
    print(jax.jit(kernel)(*tuple(_d.values())))

</pallas_src>

<mosaic_0001>
#map = affine_map<(d0, d1) -> (0, 0, 0)>
#map1 = affine_map<(d0, d1) -> (0, 0)>
#map2 = affine_map<(d0, d1) -> (0)>
module attributes {stable_mosaic.version = 14 : i64} {
  func.func @_genre2vec_sc(%arg0: i32, %arg1: i32, %arg2: memref<32x4x128xi32, #tpu.memory_space<hbm>>, %arg3: memref<32x4x128xi32, #tpu.memory_space<hbm>>, %arg4: memref<1000000x128xf32, #tpu.memory_space<hbm>>, %arg5: memref<1000000x128xf32, #tpu.memory_space<hbm>>, %arg6: memref<16384xf32, #tpu.memory_space<hbm>>, %arg7: memref<4x128xi32, #tpu.memory_space<vmem>>, %arg8: memref<4x128xi32, #tpu.memory_space<vmem>>, %arg9: memref<256x128xf32, #tpu.memory_space<vmem>>, %arg10: memref<256x128xf32, #tpu.memory_space<vmem>>, %arg11: memref<512xf32, #tpu.memory_space<vmem>>, %arg12: memref<272xf32, #tpu.memory_space<vmem>>, %arg13: memref<!tpu.dma_semaphore, #tpu.memory_space<semaphore_mem>>, %arg14: memref<!tpu.dma_semaphore, #tpu.memory_space<semaphore_mem>>) attributes {dimension_semantics = [#tpu.dimension_semantics<core_parallel>, #tpu.dimension_semantics<subcore_parallel>], iteration_bounds = array<i64: 2, 16>, scalar_prefetch = 0 : i64, scratch_operands = 8 : i64, tpu.core_type = #tpu.core_type<sc_vector_subcore>, window_params = [{transform_indices = #map}, {transform_indices = #map}, {transform_indices = #map1}, {transform_indices = #map1}, {transform_indices = #map2}]} {
    %mul3A = arith.constant 2 : i32
    %mul3A_0 = arith.muli %arg1, %mul3A : i32
    %add3A = arith.addi %mul3A_0, %arg0 : i32
    %mul3A_1 = arith.constant 512 : i32
    %mul3A_2 = arith.muli %add3A, %mul3A_1 : i32
    "tpu.region"() ({
      %run_scoped3A = tpu.sem_alloc : memref<!tpu.dma_semaphore, #tpu.memory_space<semaphore_mem>>
      %dma_start3A_177 = arith.constant 0 : i32
      %dma_start3A_178 = arith.constant 0 : i32
      %dma_start3A_179 = tpu.memref_slice %arg2[%add3A, %dma_start3A_177, %dma_start3A_178] : memref<32x4x128xi32, #tpu.memory_space<hbm>> -> memref<1x4x128xi32, #tpu.memory_space<hbm>>
      %dma_start3A_180 = tpu.memref_squeeze %dma_start3A_179 : memref<1x4x128xi32, #tpu.memory_space<hbm>> -> memref<4x128xi32, #tpu.memory_space<hbm>>
      %dma_start3A_181 = arith.constant 0 : i32
      %dma_start3A_182 = arith.constant 0 : i32
      %dma_start3A_183 = tpu.memref_slice %arg2[%add3A, %dma_start3A_181, %dma_start3A_182] : memref<32x4x128xi32, #tpu.memory_space<hbm>> -> memref<1x4x128xi32, #tpu.memory_space<hbm>>
      %dma_start3A_184 = tpu.memref_squeeze %dma_start3A_183 : memref<1x4x128xi32, #tpu.memory_space<hbm>> -> memref<4x128xi32, #tpu.memory_space<hbm>>
      tpu.enqueue_dma source(%dma_start3A_184 : memref<4x128xi32, #tpu.memory_space<hbm>>) target(%arg7 : memref<4x128xi32, #tpu.memory_space<vmem>>) target_semaphore(%run_scoped3A : memref<!tpu.dma_semaphore, #tpu.memory_space<semaphore_mem>>)
      %dma_wait3A_185 = arith.constant 0 : i32
      %dma_wait3A_186 = arith.constant 0 : i32
      %dma_wait3A_187 = tpu.memref_slice %arg2[%add3A, %dma_wait3A_185, %dma_wait3A_186] : memref<32x4x128xi32, #tpu.memory_space<hbm>> -> memref<1x4x128xi32, #tpu.memory_space<hbm>>
      %dma_wait3A_188 = tpu.memref_squeeze %dma_wait3A_187 : memref<1x4x128xi32, #tpu.memory_space<hbm>> -> memref<4x128xi32, #tpu.memory_space<hbm>>
      %dma_wait3A_189 = arith.constant 0 : i32
      %dma_wait3A_190 = arith.constant 0 : i32
      %dma_wait3A_191 = tpu.memref_slice %arg2[%add3A, %dma_wait3A_189, %dma_wait3A_190] : memref<32x4x128xi32, #tpu.memory_space<hbm>> -> memref<1x4x128xi32, #tpu.memory_space<hbm>>
      %dma_wait3A_192 = tpu.memref_squeeze %dma_wait3A_191 : memref<1x4x128xi32, #tpu.memory_space<hbm>> -> memref<4x128xi32, #tpu.memory_space<hbm>>
      tpu.wait_dma2 semaphore(%run_scoped3A : memref<!tpu.dma_semaphore, #tpu.memory_space<semaphore_mem>>) src(%dma_wait3A_192 : memref<4x128xi32, #tpu.memory_space<hbm>>) dst(%arg7 : memref<4x128xi32, #tpu.memory_space<vmem>>)
      tpu.yield
    }) : () -> ()
    "tpu.region"() ({
      %run_scoped3A = tpu.sem_alloc : memref<!tpu.dma_semaphore, #tpu.memory_space<semaphore_mem>>
      %dma_start3A_177 = arith.constant 0 : i32
      %dma_start3A_178 = arith.constant 0 : i32
      %dma_start3A_179 = tpu.memref_slice %arg3[%add3A, %dma_start3A_177, %dma_start3A_178] : memref<32x4x128xi32, #tpu.memory_space<hbm>> -> memref<1x4x128xi32, #tpu.memory_space<hbm>>
      %dma_start3A_180 = tpu.memref_squeeze %dma_start3A_179 : memref<1x4x128xi32, #tpu.memory_space<hbm>> -> memref<4x128xi32, #tpu.memory_space<hbm>>
      %dma_start3A_181 = arith.constant 0 : i32
      %dma_start3A_182 = arith.constant 0 : i32
      %dma_start3A_183 = tpu.memref_slice %arg3[%add3A, %dma_start3A_181, %dma_start3A_182] : memref<32x4x128xi32, #tpu.memory_space<hbm>> -> memref<1x4x128xi32, #tpu.memory_space<hbm>>
      %dma_start3A_184 = tpu.memref_squeeze %dma_start3A_183 : memref<1x4x128xi32, #tpu.memory_space<hbm>> -> memref<4x128xi32, #tpu.memory_space<hbm>>
      tpu.enqueue_dma source(%dma_start3A_184 : memref<4x128xi32, #tpu.memory_space<hbm>>) target(%arg8 : memref<4x128xi32, #tpu.memory_space<vmem>>) target_semaphore(%run_scoped3A : memref<!tpu.dma_semaphore, #tpu.memory_space<semaphore_mem>>)
      %dma_wait3A_185 = arith.constant 0 : i32
      %dma_wait3A_186 = arith.constant 0 : i32
      %dma_wait3A_187 = tpu.memref_slice %arg3[%add3A, %dma_wait3A_185, %dma_wait3A_186] : memref<32x4x128xi32, #tpu.memory_space<hbm>> -> memref<1x4x128xi32, #tpu.memory_space<hbm>>
      %dma_wait3A_188 = tpu.memref_squeeze %dma_wait3A_187 : memref<1x4x128xi32, #tpu.memory_space<hbm>> -> memref<4x128xi32, #tpu.memory_space<hbm>>
      %dma_wait3A_189 = arith.constant 0 : i32
      %dma_wait3A_190 = arith.constant 0 : i32
      %dma_wait3A_191 = tpu.memref_slice %arg3[%add3A, %dma_wait3A_189, %dma_wait3A_190] : memref<32x4x128xi32, #tpu.memory_space<hbm>> -> memref<1x4x128xi32, #tpu.memory_space<hbm>>
      %dma_wait3A_192 = tpu.memref_squeeze %dma_wait3A_191 : memref<1x4x128xi32, #tpu.memory_space<hbm>> -> memref<4x128xi32, #tpu.memory_space<hbm>>
      tpu.wait_dma2 semaphore(%run_scoped3A : memref<!tpu.dma_semaphore, #tpu.memory_space<semaphore_mem>>) src(%dma_wait3A_192 : memref<4x128xi32, #tpu.memory_space<hbm>>) dst(%arg8 : memref<4x128xi32, #tpu.memory_space<vmem>>)
      tpu.yield
    }) : () -> ()
    %iota3A = tpu.iota {dimensions = array<i32: 0>} : vector<16xi32>
    %mul3A_3 = arith.constant 17 : i32
    %mul3A_4 = vector.broadcast %mul3A_3 : i32 to vector<16xi32>
    %mul3A_5 = arith.muli %iota3A, %mul3A_4 : vector<16xi32>
    %dma_start3A = arith.constant 0 : i32
    %dma_start3A_6 = arith.constant 0 : i32
    %dma_start3A_7 = arith.constant 0 : i32
    %dma_start3A_8 = tpu.memref_slice %arg9[%dma_start3A_6, %dma_start3A_7] : memref<256x128xf32, #tpu.memory_space<vmem>> -> memref<128x128xf32, #tpu.memory_space<vmem>>
    %dma_start3A_9 = arith.constant 0 : i32
    %dma_start3A_10 = tpu.memref_slice %arg7[%dma_start3A, %dma_start3A_9] : memref<4x128xi32, #tpu.memory_space<vmem>> -> memref<1x128xi32, #tpu.memory_space<vmem>>
    %dma_start3A_11 = tpu.memref_squeeze %dma_start3A_10 : memref<1x128xi32, #tpu.memory_space<vmem>> -> memref<128xi32, #tpu.memory_space<vmem>>
    %dma_start3A_12 = arith.constant 0 : i32
    %dma_start3A_13 = arith.constant 0 : i32
    %dma_start3A_14 = tpu.memref_slice %arg4[%dma_start3A_12, %dma_start3A_13] : memref<1000000x128xf32, #tpu.memory_space<hbm>> -> memref<1000000x128xf32, #tpu.memory_space<hbm>>
    tpu.enqueue_indirect_dma source(%dma_start3A_14 : memref<1000000x128xf32, #tpu.memory_space<hbm>>) target(%dma_start3A_8 : memref<128x128xf32, #tpu.memory_space<vmem>>) offsets(%dma_start3A_11 : memref<128xi32, #tpu.memory_space<vmem>>) semaphore(%arg13 : memref<!tpu.dma_semaphore, #tpu.memory_space<semaphore_mem>>)
    %dma_start3A_15 = arith.constant 0 : i32
    %dma_start3A_16 = arith.constant 0 : i32
    %dma_start3A_17 = arith.constant 0 : i32
    %dma_start3A_18 = tpu.memref_slice %arg10[%dma_start3A_16, %dma_start3A_17] : memref<256x128xf32, #tpu.memory_space<vmem>> -> memref<128x128xf32, #tpu.memory_space<vmem>>
    %dma_start3A_19 = arith.constant 0 : i32
    %dma_start3A_20 = tpu.memref_slice %arg8[%dma_start3A_15, %dma_start3A_19] : memref<4x128xi32, #tpu.memory_space<vmem>> -> memref<1x128xi32, #tpu.memory_space<vmem>>
    %dma_start3A_21 = tpu.memref_squeeze %dma_start3A_20 : memref<1x128xi32, #tpu.memory_space<vmem>> -> memref<128xi32, #tpu.memory_space<vmem>>
    %dma_start3A_22 = arith.constant 0 : i32
    %dma_start3A_23 = arith.constant 0 : i32
    %dma_start3A_24 = tpu.memref_slice %arg5[%dma_start3A_22, %dma_start3A_23] : memref<1000000x128xf32, #tpu.memory_space<hbm>> -> memref<1000000x128xf32, #tpu.memory_space<hbm>>
    tpu.enqueue_indirect_dma source(%dma_start3A_24 : memref<1000000x128xf32, #tpu.memory_space<hbm>>) target(%dma_start3A_18 : memref<128x128xf32, #tpu.memory_space<vmem>>) offsets(%dma_start3A_21 : memref<128xi32, #tpu.memory_space<vmem>>) semaphore(%arg14 : memref<!tpu.dma_semaphore, #tpu.memory_space<semaphore_mem>>)
    %dma_start3A_25 = arith.constant 1 : i32
    %dma_start3A_26 = arith.constant 128 : i32
    %dma_start3A_27 = arith.constant 0 : i32
    %dma_start3A_28 = tpu.memref_slice %arg9[%dma_start3A_26, %dma_start3A_27] : memref<256x128xf32, #tpu.memory_space<vmem>> -> memref<128x128xf32, #tpu.memory_space<vmem>>
    %dma_start3A_29 = arith.constant 0 : i32
    %dma_start3A_30 = tpu.memref_slice %arg7[%dma_start3A_25, %dma_start3A_29] : memref<4x128xi32, #tpu.memory_space<vmem>> -> memref<1x128xi32, #tpu.memory_space<vmem>>
    %dma_start3A_31 = tpu.memref_squeeze %dma_start3A_30 : memref<1x128xi32, #tpu.memory_space<vmem>> -> memref<128xi32, #tpu.memory_space<vmem>>
    %dma_start3A_32 = arith.constant 0 : i32
    %dma_start3A_33 = arith.constant 0 : i32
    %dma_start3A_34 = tpu.memref_slice %arg4[%dma_start3A_32, %dma_start3A_33] : memref<1000000x128xf32, #tpu.memory_space<hbm>> -> memref<1000000x128xf32, #tpu.memory_space<hbm>>
    tpu.enqueue_indirect_dma source(%dma_start3A_34 : memref<1000000x128xf32, #tpu.memory_space<hbm>>) target(%dma_start3A_28 : memref<128x128xf32, #tpu.memory_space<vmem>>) offsets(%dma_start3A_31 : memref<128xi32, #tpu.memory_space<vmem>>) semaphore(%arg13 : memref<!tpu.dma_semaphore, #tpu.memory_space<semaphore_mem>>)
    %dma_start3A_35 = arith.constant 1 : i32
    %dma_start3A_36 = arith.constant 128 : i32
    %dma_start3A_37 = arith.constant 0 : i32
    %dma_start3A_38 = tpu.memref_slice %arg10[%dma_start3A_36, %dma_start3A_37] : memref<256x128xf32, #tpu.memory_space<vmem>> -> memref<128x128xf32, #tpu.memory_space<vmem>>
    %dma_start3A_39 = arith.constant 0 : i32
    %dma_start3A_40 = tpu.memref_slice %arg8[%dma_start3A_35, %dma_start3A_39] : memref<4x128xi32, #tpu.memory_space<vmem>> -> memref<1x128xi32, #tpu.memory_space<vmem>>
    %dma_start3A_41 = tpu.memref_squeeze %dma_start3A_40 : memref<1x128xi32, #tpu.memory_space<vmem>> -> memref<128xi32, #tpu.memory_space<vmem>>
    %dma_start3A_42 = arith.constant 0 : i32
    %dma_start3A_43 = arith.constant 0 : i32
    %dma_start3A_44 = tpu.memref_slice %arg5[%dma_start3A_42, %dma_start3A_43] : memref<1000000x128xf32, #tpu.memory_space<hbm>> -> memref<1000000x128xf32, #tpu.memory_space<hbm>>
    tpu.enqueue_indirect_dma source(%dma_start3A_44 : memref<1000000x128xf32, #tpu.memory_space<hbm>>) target(%dma_start3A_38 : memref<128x128xf32, #tpu.memory_space<vmem>>) offsets(%dma_start3A_41 : memref<128xi32, #tpu.memory_space<vmem>>) semaphore(%arg14 : memref<!tpu.dma_semaphore, #tpu.memory_space<semaphore_mem>>)
    %dma_wait3A = arith.constant 0 : i32
    %dma_wait3A_45 = arith.constant 0 : i32
    %dma_wait3A_46 = arith.constant 0 : i32
    %dma_wait3A_47 = tpu.memref_slice %arg9[%dma_wait3A_45, %dma_wait3A_46] : memref<256x128xf32, #tpu.memory_space<vmem>> -> memref<128x128xf32, #tpu.memory_space<vmem>>
    %dma_wait3A_48 = arith.constant 0 : i32
    %dma_wait3A_49 = tpu.memref_slice %arg7[%dma_wait3A, %dma_wait3A_48] : memref<4x128xi32, #tpu.memory_space<vmem>> -> memref<1x128xi32, #tpu.memory_space<vmem>>
    %dma_wait3A_50 = tpu.memref_squeeze %dma_wait3A_49 : memref<1x128xi32, #tpu.memory_space<vmem>> -> memref<128xi32, #tpu.memory_space<vmem>>
    %dma_wait3A_51 = arith.constant 0 : i32
    %dma_wait3A_52 = arith.constant 0 : i32
    %dma_wait3A_53 = tpu.memref_slice %arg4[%dma_wait3A_51, %dma_wait3A_52] : memref<1000000x128xf32, #tpu.memory_space<hbm>> -> memref<1000000x128xf32, #tpu.memory_space<hbm>>
    tpu.wait_indirect_dma semaphore(%arg13 : memref<!tpu.dma_semaphore, #tpu.memory_space<semaphore_mem>>) src(%dma_wait3A_53 : memref<1000000x128xf32, #tpu.memory_space<hbm>>) dst(%dma_wait3A_47 : memref<128x128xf32, #tpu.memory_space<vmem>>)
    %dma_wait3A_54 = arith.constant 0 : i32
    %dma_wait3A_55 = arith.constant 0 : i32
    %dma_wait3A_56 = arith.constant 0 : i32
    %dma_wait3A_57 = tpu.memref_slice %arg10[%dma_wait3A_55, %dma_wait3A_56] : memref<256x128xf32, #tpu.memory_space<vmem>> -> memref<128x128xf32, #tpu.memory_space<vmem>>
    %dma_wait3A_58 = arith.constant 0 : i32
    %dma_wait3A_59 = tpu.memref_slice %arg8[%dma_wait3A_54, %dma_wait3A_58] : memref<4x128xi32, #tpu.memory_space<vmem>> -> memref<1x128xi32, #tpu.memory_space<vmem>>
    %dma_wait3A_60 = tpu.memref_squeeze %dma_wait3A_59 : memref<1x128xi32, #tpu.memory_space<vmem>> -> memref<128xi32, #tpu.memory_space<vmem>>
    %dma_wait3A_61 = arith.constant 0 : i32
    %dma_wait3A_62 = arith.constant 0 : i32
    %dma_wait3A_63 = tpu.memref_slice %arg5[%dma_wait3A_61, %dma_wait3A_62] : memref<1000000x128xf32, #tpu.memory_space<hbm>> -> memref<1000000x128xf32, #tpu.memory_space<hbm>>
    tpu.wait_indirect_dma semaphore(%arg14 : memref<!tpu.dma_semaphore, #tpu.memory_space<semaphore_mem>>) src(%dma_wait3A_63 : memref<1000000x128xf32, #tpu.memory_space<hbm>>) dst(%dma_wait3A_57 : memref<128x128xf32, #tpu.memory_space<vmem>>)
    %dma_wait3A_64 = arith.constant 1 : i32
    %dma_wait3A_65 = arith.constant 128 : i32
    %dma_wait3A_66 = arith.constant 0 : i32
    %dma_wait3A_67 = tpu.memref_slice %arg9[%dma_wait3A_65, %dma_wait3A_66] : memref<256x128xf32, #tpu.memory_space<vmem>> -> memref<128x128xf32, #tpu.memory_space<vmem>>
    %dma_wait3A_68 = arith.constant 0 : i32
    %dma_wait3A_69 = tpu.memref_slice %arg7[%dma_wait3A_64, %dma_wait3A_68] : memref<4x128xi32, #tpu.memory_space<vmem>> -> memref<1x128xi32, #tpu.memory_space<vmem>>
    %dma_wait3A_70 = tpu.memref_squeeze %dma_wait3A_69 : memref<1x128xi32, #tpu.memory_space<vmem>> -> memref<128xi32, #tpu.memory_space<vmem>>
    %dma_wait3A_71 = arith.constant 0 : i32
    %dma_wait3A_72 = arith.constant 0 : i32
    %dma_wait3A_73 = tpu.memref_slice %arg4[%dma_wait3A_71, %dma_wait3A_72] : memref<1000000x128xf32, #tpu.memory_space<hbm>> -> memref<1000000x128xf32, #tpu.memory_space<hbm>>
    tpu.wait_indirect_dma semaphore(%arg13 : memref<!tpu.dma_semaphore, #tpu.memory_space<semaphore_mem>>) src(%dma_wait3A_73 : memref<1000000x128xf32, #tpu.memory_space<hbm>>) dst(%dma_wait3A_67 : memref<128x128xf32, #tpu.memory_space<vmem>>)
    %dma_wait3A_74 = arith.constant 1 : i32
    %dma_wait3A_75 = arith.constant 128 : i32
    %dma_wait3A_76 = arith.constant 0 : i32
    %dma_wait3A_77 = tpu.memref_slice %arg10[%dma_wait3A_75, %dma_wait3A_76] : memref<256x128xf32, #tpu.memory_space<vmem>> -> memref<128x128xf32, #tpu.memory_space<vmem>>
    %dma_wait3A_78 = arith.constant 0 : i32
    %dma_wait3A_79 = tpu.memref_slice %arg8[%dma_wait3A_74, %dma_wait3A_78] : memref<4x128xi32, #tpu.memory_space<vmem>> -> memref<1x128xi32, #tpu.memory_space<vmem>>
    %dma_wait3A_80 = tpu.memref_squeeze %dma_wait3A_79 : memref<1x128xi32, #tpu.memory_space<vmem>> -> memref<128xi32, #tpu.memory_space<vmem>>
    %dma_wait3A_81 = arith.constant 0 : i32
    %dma_wait3A_82 = arith.constant 0 : i32
    %dma_wait3A_83 = tpu.memref_slice %arg5[%dma_wait3A_81, %dma_wait3A_82] : memref<1000000x128xf32, #tpu.memory_space<hbm>> -> memref<1000000x128xf32, #tpu.memory_space<hbm>>
    tpu.wait_indirect_dma semaphore(%arg14 : memref<!tpu.dma_semaphore, #tpu.memory_space<semaphore_mem>>) src(%dma_wait3A_83 : memref<1000000x128xf32, #tpu.memory_space<hbm>>) dst(%dma_wait3A_77 : memref<128x128xf32, #tpu.memory_space<vmem>>)
    %scan3A = arith.constant 0 : i32
    %scan3A_84 = arith.constant 0 : i32
    %scan3A_85 = arith.constant 16 : i32
    %scan3A_86 = arith.addi %scan3A_84, %scan3A_85 : i32
    %scan3A_87 = arith.constant 1 : i32
    %scan3A_88 = scf.for %scan3A_177 = %scan3A_84 to %scan3A_86 step %scan3A_87 iter_args(%scan3A_178 = %scan3A) -> (i32)  : i32 {
      %mul3A_179 = arith.constant 16 : i32
      %mul3A_180 = arith.muli %scan3A_177, %mul3A_179 : i32
      %add3A_181 = arith.constant 0 : i32
      %add3A_182 = arith.addi %add3A_181, %mul3A_180 : i32
      %add3A_183 = arith.constant 0 : i32
      %add3A_184 = arith.addi %mul3A_180, %add3A_183 : i32
      %get3A = arith.index_cast %add3A_184 : i32 to index
      %get3A_185 = arith.constant 0 : index
      %get3A_186 = tpu.vector_load %arg9[%get3A, %get3A_185] {strides = array<i32>} : memref<256x128xf32, #tpu.memory_space<vmem>>, vector<16xf32>,
      %get3A_187 = arith.index_cast %add3A_184 : i32 to index
      %get3A_188 = arith.constant 0 : index
      %get3A_189 = tpu.vector_load %arg10[%get3A_187, %get3A_188] {strides = array<i32>} : memref<256x128xf32, #tpu.memory_space<vmem>>, vector<16xf32>,
      %mul3A_190 = arith.mulf %get3A_186, %get3A_189 : vector<16xf32>
      %get3A_191 = arith.index_cast %add3A_184 : i32 to index
      %get3A_192 = arith.constant 16 : index
      %get3A_193 = tpu.vector_load %arg9[%get3A_191, %get3A_192] {strides = array<i32>} : memref<256x128xf32, #tpu.memory_space<vmem>>, vector<16xf32>,
      %get3A_194 = arith.index_cast %add3A_184 : i32 to index
      %get3A_195 = arith.constant 16 : index
      %get3A_196 = tpu.vector_load %arg10[%get3A_194, %get3A_195] {strides = array<i32>} : memref<256x128xf32, #tpu.memory_space<vmem>>, vector<16xf32>,
      %mul3A_197 = arith.mulf %get3A_193, %get3A_196 : vector<16xf32>
      %add3A_198 = arith.addf %mul3A_190, %mul3A_197 : vector<16xf32>
      %get3A_199 = arith.index_cast %add3A_184 : i32 to index
      %get3A_200 = arith.constant 32 : index
      %get3A_201 = tpu.vector_load %arg9[%get3A_199, %get3A_200] {strides = array<i32>} : memref<256x128xf32, #tpu.memory_space<vmem>>, vector<16xf32>,
      %get3A_202 = arith.index_cast %add3A_184 : i32 to index
      %get3A_203 = arith.constant 32 : index
      %get3A_204 = tpu.vector_load %arg10[%get3A_202, %get3A_203] {strides = array<i32>} : memref<256x128xf32, #tpu.memory_space<vmem>>, vector<16xf32>,
      %mul3A_205 = arith.mulf %get3A_201, %get3A_204 : vector<16xf32>
      %add3A_206 = arith.addf %add3A_198, %mul3A_205 : vector<16xf32>
      %get3A_207 = arith.index_cast %add3A_184 : i32 to index
      %get3A_208 = arith.constant 48 : index
      %get3A_209 = tpu.vector_load %arg9[%get3A_207, %get3A_208] {strides = array<i32>} : memref<256x128xf32, #tpu.memory_space<vmem>>, vector<16xf32>,
      %get3A_210 = arith.index_cast %add3A_184 : i32 to index
      %get3A_211 = arith.constant 48 : index
      %get3A_212 = tpu.vector_load %arg10[%get3A_210, %get3A_211] {strides = array<i32>} : memref<256x128xf32, #tpu.memory_space<vmem>>, vector<16xf32>,
      %mul3A_213 = arith.mulf %get3A_209, %get3A_212 : vector<16xf32>
      %add3A_214 = arith.addf %add3A_206, %mul3A_213 : vector<16xf32>
      %swap3A = arith.constant 0 : index
      %swap3A_215 = tpu.vector_load %arg12[%swap3A] {strides = array<i32>} : memref<272xf32, #tpu.memory_space<vmem>>, vector<16xf32>,
      tpu.vector_store %arg12[%swap3A], %add3A_214 {strides = array<i32>} : memref<272xf32, #tpu.memory_space<vmem>>, vector<16xf32>,
      %add3A_216 = arith.constant 1 : i32
      %add3A_217 = arith.addi %mul3A_180, %add3A_216 : i32
      %get3A_218 = arith.index_cast %add3A_217 : i32 to index
      %get3A_219 = arith.constant 0 : index
      %get3A_220 = tpu.vector_load %arg9[%get3A_218, %get3A_219] {strides = array<i32>} : memref<256x128xf32, #tpu.memory_space<vmem>>, vector<16xf32>,
      %get3A_221 = arith.index_cast %add3A_217 : i32 to index
      %get3A_222 = arith.constant 0 : index
      %get3A_223 = tpu.vector_load %arg10[%get3A_221, %get3A_222] {strides = array<i32>} : memref<256x128xf32, #tpu.memory_space<vmem>>, vector<16xf32>,
      %mul3A_224 = arith.mulf %get3A_220, %get3A_223 : vector<16xf32>
      %get3A_225 = arith.index_cast %add3A_217 : i32 to index
      %get3A_226 = arith.constant 16 : index
      %get3A_227 = tpu.vector_load %arg9[%get3A_225, %get3A_226] {strides = array<i32>} : memref<256x128xf32, #tpu.memory_space<vmem>>, vector<16xf32>,
      %get3A_228 = arith.index_cast %add3A_217 : i32 to index
      %get3A_229 = arith.constant 16 : index
      %get3A_230 = tpu.vector_load %arg10[%get3A_228, %get3A_229] {strides = array<i32>} : memref<256x128xf32, #tpu.memory_space<vmem>>, vector<16xf32>,
      %mul3A_231 = arith.mulf %get3A_227, %get3A_230 : vector<16xf32>
      %add3A_232 = arith.addf %mul3A_224, %mul3A_231 : vector<16xf32>
      %get3A_233 = arith.index_cast %add3A_217 : i32 to index
      %get3A_234 = arith.constant 32 : index
      %get3A_235 = tpu.vector_load %arg9[%get3A_233, %get3A_234] {strides = array<i32>} : memref<256x128xf32, #tpu.memory_space<vmem>>, vector<16xf32>,
      %get3A_236 = arith.index_cast %add3A_217 : i32 to index
      %get3A_237 = arith.constant 32 : index
      %get3A_238 = tpu.vector_load %arg10[%get3A_236, %get3A_237] {strides = array<i32>} : memref<256x128xf32, #tpu.memory_space<vmem>>, vector<16xf32>,
      %mul3A_239 = arith.mulf %get3A_235, %get3A_238 : vector<16xf32>
      %add3A_240 = arith.addf %add3A_232, %mul3A_239 : vector<16xf32>
      %get3A_241 = arith.index_cast %add3A_217 : i32 to index
      %get3A_242 = arith.constant 48 : index
      %get3A_243 = tpu.vector_load %arg9[%get3A_241, %get3A_242] {strides = array<i32>} : memref<256x128xf32, #tpu.memory_space<vmem>>, vector<16xf32>,
      %get3A_244 = arith.index_cast %add3A_217 : i32 to index
      %get3A_245 = arith.constant 48 : index
      %get3A_246 = tpu.vector_load %arg10[%get3A_244, %get3A_245] {strides = array<i32>} : memref<256x128xf32, #tpu.memory_space<vmem>>, vector<16xf32>,
      %mul3A_247 = arith.mulf %get3A_243, %get3A_246 : vector<16xf32>
      %add3A_248 = arith.addf %add3A_240, %mul3A_247 : vector<16xf32>
      %swap3A_249 = arith.constant 17 : index
      %swap3A_250 = tpu.vector_load %arg12[%swap3A_249] {strides = array<i32>} : memref<272xf32, #tpu.memory_space<vmem>>, vector<16xf32>,
      tpu.vector_store %arg12[%swap3A_249], %add3A_248 {strides = array<i32>} : memref<272xf32, #tpu.memory_space<vmem>>, vector<16xf32>,
      %add3A_251 = arith.constant 2 : i32
      %add3A_252 = arith.addi %mul3A_180, %add3A_251 : i32
      %get3A_253 = arith.index_cast %add3A_252 : i32 to index
      %get3A_254 = arith.constant 0 : index
      %get3A_255 = tpu.vector_load %arg9[%get3A_253, %get3A_254] {strides = array<i32>} : memref<256x128xf32, #tpu.memory_space<vmem>>, vector<16xf32>,
      %get3A_256 = arith.index_cast %add3A_252 : i32 to index
      %get3A_257 = arith.constant 0 : index
      %get3A_258 = tpu.vector_load %arg10[%get3A_256, %get3A_257] {strides = array<i32>} : memref<256x128xf32, #tpu.memory_space<vmem>>, vector<16xf32>,
      %mul3A_259 = arith.mulf %get3A_255, %get3A_258 : vector<16xf32>
      %get3A_260 = arith.index_cast %add3A_252 : i32 to index
      %get3A_261 = arith.constant 16 : index
      %get3A_262 = tpu.vector_load %arg9[%get3A_260, %get3A_261] {strides = array<i32>} : memref<256x128xf32, #tpu.memory_space<vmem>>, vector<16xf32>,
      %get3A_263 = arith.index_cast %add3A_252 : i32 to index
      %get3A_264 = arith.constant 16 : index
      %get3A_265 = tpu.vector_load %arg10[%get3A_263, %get3A_264] {strides = array<i32>} : memref<256x128xf32, #tpu.memory_space<vmem>>, vector<16xf32>,
      %mul3A_266 = arith.mulf %get3A_262, %get3A_265 : vector<16xf32>
      %add3A_267 = arith.addf %mul3A_259, %mul3A_266 : vector<16xf32>
      %get3A_268 = arith.index_cast %add3A_252 : i32 to index
      %get3A_269 = arith.constant 32 : index
      %get3A_270 = tpu.vector_load %arg9[%get3A_268, %get3A_269] {strides = array<i32>} : memref<256x128xf32, #tpu.memory_space<vmem>>, vector<16xf32>,
      %get3A_271 = arith.index_cast %add3A_252 : i32 to index
      %get3A_272 = arith.constant 32 : index
      %get3A_273 = tpu.vector_load %arg10[%get3A_271, %get3A_272] {strides = array<i32>} : memref<256x128xf32, #tpu.memory_space<vmem>>, vector<16xf32>,
      %mul3A_274 = arith.mulf %get3A_270, %get3A_273 : vector<16xf32>
      %add3A_275 = arith.addf %add3A_267, %mul3A_274 : vector<16xf32>
      %get3A_276 = arith.index_cast %add3A_252 : i32 to index
      %get3A_277 = arith.constant 48 : index
      %get3A_278 = tpu.vector_load %arg9[%get3A_276, %get3A_277] {strides = array<i32>} : memref<256x128xf32, #tpu.memory_space<vmem>>, vector<16xf32>,
      %get3A_279 = arith.index_cast %add3A_252 : i32 to index
      %get3A_280 = arith.constant 48 : index
      %get3A_281 = tpu.vector_load %arg10[%get3A_279, %get3A_280] {strides = array<i32>} : memref<256x128xf32, #tpu.memory_space<vmem>>, vector<16xf32>,
      %mul3A_282 = arith.mulf %get3A_278, %get3A_281 : vector<16xf32>
      %add3A_283 = arith.addf %add3A_275, %mul3A_282 : vector<16xf32>
      %swap3A_284 = arith.constant 34 : index
      %swap3A_285 = tpu.vector_load %arg12[%swap3A_284] {strides = array<i32>} : memref<272xf32, #tpu.memory_space<vmem>>, vector<16xf32>,
      tpu.vector_store %arg12[%swap3A_284], %add3A_283 {strides = array<i32>} : memref<272xf32, #tpu.memory_space<vmem>>, vector<16xf32>,
      %add3A_286 = arith.constant 3 : i32
      %add3A_287 = arith.addi %mul3A_180, %add3A_286 : i32
      %get3A_288 = arith.index_cast %add3A_287 : i32 to index
      %get3A_289 = arith.constant 0 : index
      %get3A_290 = tpu.vector_load %arg9[%get3A_288, %get3A_289] {strides = array<i32>} : memref<256x128xf32, #tpu.memory_space<vmem>>, vector<16xf32>,
      %get3A_291 = arith.index_cast %add3A_287 : i32 to index
      %get3A_292 = arith.constant 0 : index
      %get3A_293 = tpu.vector_load %arg10[%get3A_291, %get3A_292] {strides = array<i32>} : memref<256x128xf32, #tpu.memory_space<vmem>>, vector<16xf32>,
      %mul3A_294 = arith.mulf %get3A_290, %get3A_293 : vector<16xf32>
      %get3A_295 = arith.index_cast %add3A_287 : i32 to index
      %get3A_296 = arith.constant 16 : index
      %get3A_297 = tpu.vector_load %arg9[%get3A_295, %get3A_296] {strides = array<i32>} : memref<256x128xf32, #tpu.memory_space<vmem>>, vector<16xf32>,
      %get3A_298 = arith.index_cast %add3A_287 : i32 to index
      %get3A_299 = arith.constant 16 : index
      %get3A_300 = tpu.vector_load %arg10[%get3A_298, %get3A_299] {strides = array<i32>} : memref<256x128xf32, #tpu.memory_space<vmem>>, vector<16xf32>,
      %mul3A_301 = arith.mulf %get3A_297, %get3A_300 : vector<16xf32>
      %add3A_302 = arith.addf %mul3A_294, %mul3A_301 : vector<16xf32>
      %get3A_303 = arith.index_cast %add3A_287 : i32 to index
      %get3A_304 = arith.constant 32 : index
      %get3A_305 = tpu.vector_load %arg9[%get3A_303, %get3A_304] {strides = array<i32>} : memref<256x128xf32, #tpu.memory_space<vmem>>, vector<16xf32>,
      %get3A_306 = arith.index_cast %add3A_287 : i32 to index
      %get3A_307 = arith.constant 32 : index
      %get3A_308 = tpu.vector_load %arg10[%get3A_306, %get3A_307] {strides = array<i32>} : memref<256x128xf32, #tpu.memory_space<vmem>>, vector<16xf32>,
      %mul3A_309 = arith.mulf %get3A_305, %get3A_308 : vector<16xf32>
      %add3A_310 = arith.addf %add3A_302, %mul3A_309 : vector<16xf32>
      %get3A_311 = arith.index_cast %add3A_287 : i32 to index
      %get3A_312 = arith.constant 48 : index
      %get3A_313 = tpu.vector_load %arg9[%get3A_311, %get3A_312] {strides = array<i32>} : memref<256x128xf32, #tpu.memory_space<vmem>>, vector<16xf32>,
      %get3A_314 = arith.index_cast %add3A_287 : i32 to index
      %get3A_315 = arith.constant 48 : index
      %get3A_316 = tpu.vector_load %arg10[%get3A_314, %get3A_315] {strides = array<i32>} : memref<256x128xf32, #tpu.memory_space<vmem>>, vector<16xf32>,
      %mul3A_317 = arith.mulf %get3A_313, %get3A_316 : vector<16xf32>
      %add3A_318 = arith.addf %add3A_310, %mul3A_317 : vector<16xf32>
      %swap3A_319 = arith.constant 51 : index
      %swap3A_320 = tpu.vector_load %arg12[%swap3A_319] {strides = array<i32>} : memref<272xf32, #tpu.memory_space<vmem>>, vector<16xf32>,
      tpu.vector_store %arg12[%swap3A_319], %add3A_318 {strides = array<i32>} : memref<272xf32, #tpu.memory_space<vmem>>, vector<16xf32>,
      %add3A_321 = arith.constant 4 : i32
      %add3A_322 = arith.addi %mul3A_180, %add3A_321 : i32
      %get3A_323 = arith.index_cast %add3A_322 : i32 to index
      %get3A_324 = arith.constant 0 : index
      %get3A_325 = tpu.vector_load %arg9[%get3A_323, %get3A_324] {strides = array<i32>} : memref<256x128xf32, #tpu.memory_space<vmem>>, vector<16xf32>,
      %get3A_326 = arith.index_cast %add3A_322 : i32 to index
      %get3A_327 = arith.constant 0 : index
      %get3A_328 = tpu.vector_load %arg10[%get3A_326, %get3A_327] {strides = array<i32>} : memref<256x128xf32, #tpu.memory_space<vmem>>, vector<16xf32>,
      %mul3A_329 = arith.mulf %get3A_325, %get3A_328 : vector<16xf32>
      %get3A_330 = arith.index_cast %add3A_322 : i32 to index
      %get3A_331 = arith.constant 16 : index
      %get3A_332 = tpu.vector_load %arg9[%get3A_330, %get3A_331] {strides = array<i32>} : memref<256x128xf32, #tpu.memory_space<vmem>>, vector<16xf32>,
      %get3A_333 = arith.index_cast %add3A_322 : i32 to index
      %get3A_334 = arith.constant 16 : index
      %get3A_335 = tpu.vector_load %arg10[%get3A_333, %get3A_334] {strides = array<i32>} : memref<256x128xf32, #tpu.memory_space<vmem>>, vector<16xf32>,
      %mul3A_336 = arith.mulf %get3A_332, %get3A_335 : vector<16xf32>
      %add3A_337 = arith.addf %mul3A_329, %mul3A_336 : vector<16xf32>
      %get3A_338 = arith.index_cast %add3A_322 : i32 to index
      %get3A_339 = arith.constant 32 : index
      %get3A_340 = tpu.vector_load %arg9[%get3A_338, %get3A_339] {strides = array<i32>} : memref<256x128xf32, #tpu.memory_space<vmem>>, vector<16xf32>,
      %get3A_341 = arith.index_cast %add3A_322 : i32 to index
      %get3A_342 = arith.constant 32 : index
      %get3A_343 = tpu.vector_load %arg10[%get3A_341, %get3A_342] {strides = array<i32>} : memref<256x128xf32, #tpu.memory_space<vmem>>, vector<16xf32>,
      %mul3A_344 = arith.mulf %get3A_340, %get3A_343 : vector<16xf32>
      %add3A_345 = arith.addf %add3A_337, %mul3A_344 : vector<16xf32>
      %get3A_346 = arith.index_cast %add3A_322 : i32 to index
      %get3A_347 = arith.constant 48 : index
      %get3A_348 = tpu.vector_load %arg9[%get3A_346, %get3A_347] {strides = array<i32>} : memref<256x128xf32, #tpu.memory_space<vmem>>, vector<16xf32>,
      %get3A_349 = arith.index_cast %add3A_322 : i32 to index
      %get3A_350 = arith.constant 48 : index
      %get3A_351 = tpu.vector_load %arg10[%get3A_349, %get3A_350] {strides = array<i32>} : memref<256x128xf32, #tpu.memory_space<vmem>>, vector<16xf32>,
      %mul3A_352 = arith.mulf %get3A_348, %get3A_351 : vector<16xf32>
      %add3A_353 = arith.addf %add3A_345, %mul3A_352 : vector<16xf32>
      %swap3A_354 = arith.constant 68 : index
      %swap3A_355 = tpu.vector_load %arg12[%swap3A_354] {strides = array<i32>} : memref<272xf32, #tpu.memory_space<vmem>>, vector<16xf32>,
      tpu.vector_store %arg12[%swap3A_354], %add3A_353 {strides = array<i32>} : memref<272xf32, #tpu.memory_space<vmem>>, vector<16xf32>,
      %add3A_356 = arith.constant 5 : i32
      %add3A_357 = arith.addi %mul3A_180, %add3A_356 : i32
      %get3A_358 = arith.index_cast %add3A_357 : i32 to index
      %get3A_359 = arith.constant 0 : index
      %get3A_360 = tpu.vector_load %arg9[%get3A_358, %get3A_359] {strides = array<i32>} : memref<256x128xf32, #tpu.memory_space<vmem>>, vector<16xf32>,
      %get3A_361 = arith.index_cast %add3A_357 : i32 to index
      %get3A_362 = arith.constant 0 : index
      %get3A_363 = tpu.vector_load %arg10[%get3A_361, %get3A_362] {strides = array<i32>} : memref<256x128xf32, #tpu.memory_space<vmem>>, vector<16xf32>,
      %mul3A_364 = arith.mulf %get3A_360, %get3A_363 : vector<16xf32>
      %get3A_365 = arith.index_cast %add3A_357 : i32 to index
      %get3A_366 = arith.constant 16 : index
      %get3A_367 = tpu.vector_load %arg9[%get3A_365, %get3A_366] {strides = array<i32>} : memref<256x128xf32, #tpu.memory_space<vmem>>, vector<16xf32>,
      %get3A_368 = arith.index_cast %add3A_357 : i32 to index
      %get3A_369 = arith.constant 16 : index
      %get3A_370 = tpu.vector_load %arg10[%get3A_368, %get3A_369] {strides = array<i32>} : memref<256x128xf32, #tpu.memory_space<vmem>>, vector<16xf32>,
      %mul3A_371 = arith.mulf %get3A_367, %get3A_370 : vector<16xf32>
      %add3A_372 = arith.addf %mul3A_364, %mul3A_371 : vector<16xf32>
      %get3A_373 = arith.index_cast %add3A_357 : i32 to index
      %get3A_374 = arith.constant 32 : index
      %get3A_375 = tpu.vector_load %arg9[%get3A_373, %get3A_374] {strides = array<i32>} : memref<256x128xf32, #tpu.memory_space<vmem>>, vector<16xf32>,
      %get3A_376 = arith.index_cast %add3A_357 : i32 to index
      %get3A_377 = arith.constant 32 : index
      %get3A_378 = tpu.vector_load %arg10[%get3A_376, %get3A_377] {strides = array<i32>} : memref<256x128xf32, #tpu.memory_space<vmem>>, vector<16xf32>,
      %mul3A_379 = arith.mulf %get3A_375, %get3A_378 : vector<16xf32>
      %add3A_380 = arith.addf %add3A_372, %mul3A_379 : vector<16xf32>
      %get3A_381 = arith.index_cast %add3A_357 : i32 to index
      %get3A_382 = arith.constant 48 : index
      %get3A_383 = tpu.vector_load %arg9[%get3A_381, %get3A_382] {strides = array<i32>} : memref<256x128xf32, #tpu.memory_space<vmem>>, vector<16xf32>,
      %get3A_384 = arith.index_cast %add3A_357 : i32 to index
      %get3A_385 = arith.constant 48 : index
      %get3A_386 = tpu.vector_load %arg10[%get3A_384, %get3A_385] {strides = array<i32>} : memref<256x128xf32, #tpu.memory_space<vmem>>, vector<16xf32>,
      %mul3A_387 = arith.mulf %get3A_383, %get3A_386 : vector<16xf32>
      %add3A_388 = arith.addf %add3A_380, %mul3A_387 : vector<16xf32>
      %swap3A_389 = arith.constant 85 : index
      %swap3A_390 = tpu.vector_load %arg12[%swap3A_389] {strides = array<i32>} : memref<272xf32, #tpu.memory_space<vmem>>, vector<16xf32>,
      tpu.vector_store %arg12[%swap3A_389], %add3A_388 {strides = array<i32>} : memref<272xf32, #tpu.memory_space<vmem>>, vector<16xf32>,
      %add3A_391 = arith.constant 6 : i32
      %add3A_392 = arith.addi %mul3A_180, %add3A_391 : i32
      %get3A_393 = arith.index_cast %add3A_392 : i32 to index
      %get3A_394 = arith.constant 0 : index
      %get3A_395 = tpu.vector_load %arg9[%get3A_393, %get3A_394] {strides = array<i32>} : memref<256x128xf32, #tpu.memory_space<vmem>>, vector<16xf32>,
      %get3A_396 = arith.index_cast %add3A_392 : i32 to index
      %get3A_397 = arith.constant 0 : index
      %get3A_398 = tpu.vector_load %arg10[%get3A_396, %get3A_397] {strides = array<i32>} : memref<256x128xf32, #tpu.memory_space<vmem>>, vector<16xf32>,
      %mul3A_399 = arith.mulf %get3A_395, %get3A_398 : vector<16xf32>
      %get3A_400 = arith.index_cast %add3A_392 : i32 to index
      %get3A_401 = arith.constant 16 : index
      %get3A_402 = tpu.vector_load %arg9[%get3A_400, %get3A_401] {strides = array<i32>} : memref<256x128xf32, #tpu.memory_space<vmem>>, vector<16xf32>,
      %get3A_403 = arith.index_cast %add3A_392 : i32 to index
      %get3A_404 = arith.constant 16 : index
      %get3A_405 = tpu.vector_load %arg10[%get3A_403, %get3A_404] {strides = array<i32>} : memref<256x128xf32, #tpu.memory_space<vmem>>, vector<16xf32>,
      %mul3A_406 = arith.mulf %get3A_402, %get3A_405 : vector<16xf32>
      %add3A_407 = arith.addf %mul3A_399, %mul3A_406 : vector<16xf32>
      %get3A_408 = arith.index_cast %add3A_392 : i32 to index
      %get3A_409 = arith.constant 32 : index
      %get3A_410 = tpu.vector_load %arg9[%get3A_408, %get3A_409] {strides = array<i32>} : memref<256x128xf32, #tpu.memory_space<vmem>>, vector<16xf32>,
      %get3A_411 = arith.index_cast %add3A_392 : i32 to index
      %get3A_412 = arith.constant 32 : index
      %get3A_413 = tpu.vector_load %arg10[%get3A_411, %get3A_412] {strides = array<i32>} : memref<256x128xf32, #tpu.memory_space<vmem>>, vector<16xf32>,
      %mul3A_414 = arith.mulf %get3A_410, %get3A_413 : vector<16xf32>
      %add3A_415 = arith.addf %add3A_407, %mul3A_414 : vector<16xf32>
      %get3A_416 = arith.index_cast %add3A_392 : i32 to index
      %get3A_417 = arith.constant 48 : index
      %get3A_418 = tpu.vector_load %arg9[%get3A_416, %get3A_417] {strides = array<i32>} : memref<256x128xf32, #tpu.memory_space<vmem>>, vector<16xf32>,
      %get3A_419 = arith.index_cast %add3A_392 : i32 to index
      %get3A_420 = arith.constant 48 : index
      %get3A_421 = tpu.vector_load %arg10[%get3A_419, %get3A_420] {strides = array<i32>} : memref<256x128xf32, #tpu.memory_space<vmem>>, vector<16xf32>,
      %mul3A_422 = arith.mulf %get3A_418, %get3A_421 : vector<16xf32>
      %add3A_423 = arith.addf %add3A_415, %mul3A_422 : vector<16xf32>
      %swap3A_424 = arith.constant 102 : index
      %swap3A_425 = tpu.vector_load %arg12[%swap3A_424] {strides = array<i32>} : memref<272xf32, #tpu.memory_space<vmem>>, vector<16xf32>,
      tpu.vector_store %arg12[%swap3A_424], %add3A_423 {strides = array<i32>} : memref<272xf32, #tpu.memory_space<vmem>>, vector<16xf32>,
      %add3A_426 = arith.constant 7 : i32
      %add3A_427 = arith.addi %mul3A_180, %add3A_426 : i32
      %get3A_428 = arith.index_cast %add3A_427 : i32 to index
      %get3A_429 = arith.constant 0 : index
      %get3A_430 = tpu.vector_load %arg9[%get3A_428, %get3A_429] {strides = array<i32>} : memref<256x128xf32, #tpu.memory_space<vmem>>, vector<16xf32>,
      %get3A_431 = arith.index_cast %add3A_427 : i32 to index
      %get3A_432 = arith.constant 0 : index
      %get3A_433 = tpu.vector_load %arg10[%get3A_431, %get3A_432] {strides = array<i32>} : memref<256x128xf32, #tpu.memory_space<vmem>>, vector<16xf32>,
      %mul3A_434 = arith.mulf %get3A_430, %get3A_433 : vector<16xf32>
      %get3A_435 = arith.index_cast %add3A_427 : i32 to index
      %get3A_436 = arith.constant 16 : index
      %get3A_437 = tpu.vector_load %arg9[%get3A_435, %get3A_436] {strides = array<i32>} : memref<256x128xf32, #tpu.memory_space<vmem>>, vector<16xf32>,
      %get3A_438 = arith.index_cast %add3A_427 : i32 to index
      %get3A_439 = arith.constant 16 : index
      %get3A_440 = tpu.vector_load %arg10[%get3A_438, %get3A_439] {strides = array<i32>} : memref<256x128xf32, #tpu.memory_space<vmem>>, vector<16xf32>,
      %mul3A_441 = arith.mulf %get3A_437, %get3A_440 : vector<16xf32>
      %add3A_442 = arith.addf %mul3A_434, %mul3A_441 : vector<16xf32>
      %get3A_443 = arith.index_cast %add3A_427 : i32 to index
      %get3A_444 = arith.constant 32 : index
      %get3A_445 = tpu.vector_load %arg9[%get3A_443, %get3A_444] {strides = array<i32>} : memref<256x128xf32, #tpu.memory_space<vmem>>, vector<16xf32>,
      %get3A_446 = arith.index_cast %add3A_427 : i32 to index
      %get3A_447 = arith.constant 32 : index
      %get3A_448 = tpu.vector_load %arg10[%get3A_446, %get3A_447] {strides = array<i32>} : memref<256x128xf32, #tpu.memory_space<vmem>>, vector<16xf32>,
      %mul3A_449 = arith.mulf %get3A_445, %get3A_448 : vector<16xf32>
      %add3A_450 = arith.addf %add3A_442, %mul3A_449 : vector<16xf32>
      %get3A_451 = arith.index_cast %add3A_427 : i32 to index
      %get3A_452 = arith.constant 48 : index
      %get3A_453 = tpu.vector_load %arg9[%get3A_451, %get3A_452] {strides = array<i32>} : memref<256x128xf32, #tpu.memory_space<vmem>>, vector<16xf32>,
      %get3A_454 = arith.index_cast %add3A_427 : i32 to index
      %get3A_455 = arith.constant 48 : index
      %get3A_456 = tpu.vector_load %arg10[%get3A_454, %get3A_455] {strides = array<i32>} : memref<256x128xf32, #tpu.memory_space<vmem>>, vector<16xf32>,
      %mul3A_457 = arith.mulf %get3A_453, %get3A_456 : vector<16xf32>
      %add3A_458 = arith.addf %add3A_450, %mul3A_457 : vector<16xf32>
      %swap3A_459 = arith.constant 119 : index
      %swap3A_460 = tpu.vector_load %arg12[%swap3A_459] {strides = array<i32>} : memref<272xf32, #tpu.memory_space<vmem>>, vector<16xf32>,
      tpu.vector_store %arg12[%swap3A_459], %add3A_458 {strides = array<i32>} : memref<272xf32, #tpu.memory_space<vmem>>, vector<16xf32>,
      %add3A_461 = arith.constant 8 : i32
      %add3A_462 = arith.addi %mul3A_180, %add3A_461 : i32
      %get3A_463 = arith.index_cast %add3A_462 : i32 to index
      %get3A_464 = arith.constant 0 : index
      %get3A_465 = tpu.vector_load %arg9[%get3A_463, %get3A_464] {strides = array<i32>} : memref<256x128xf32, #tpu.memory_space<vmem>>, vector<16xf32>,
      %get3A_466 = arith.index_cast %add3A_462 : i32 to index
      %get3A_467 = arith.constant 0 : index
      %get3A_468 = tpu.vector_load %arg10[%get3A_466, %get3A_467] {strides = array<i32>} : memref<256x128xf32, #tpu.memory_space<vmem>>, vector<16xf32>,
      %mul3A_469 = arith.mulf %get3A_465, %get3A_468 : vector<16xf32>
      %get3A_470 = arith.index_cast %add3A_462 : i32 to index
      %get3A_471 = arith.constant 16 : index
      %get3A_472 = tpu.vector_load %arg9[%get3A_470, %get3A_471] {strides = array<i32>} : memref<256x128xf32, #tpu.memory_space<vmem>>, vector<16xf32>,
      %get3A_473 = arith.index_cast %add3A_462 : i32 to index
      %get3A_474 = arith.constant 16 : index
      %get3A_475 = tpu.vector_load %arg10[%get3A_473, %get3A_474] {strides = array<i32>} : memref<256x128xf32, #tpu.memory_space<vmem>>, vector<16xf32>,
      %mul3A_476 = arith.mulf %get3A_472, %get3A_475 : vector<16xf32>
      %add3A_477 = arith.addf %mul3A_469, %mul3A_476 : vector<16xf32>
      %get3A_478 = arith.index_cast %add3A_462 : i32 to index
      %get3A_479 = arith.constant 32 : index
      %get3A_480 = tpu.vector_load %arg9[%get3A_478, %get3A_479] {strides = array<i32>} : memref<256x128xf32, #tpu.memory_space<vmem>>, vector<16xf32>,
      %get3A_481 = arith.index_cast %add3A_462 : i32 to index
      %get3A_482 = arith.constant 32 : index
      %get3A_483 = tpu.vector_load %arg10[%get3A_481, %get3A_482] {strides = array<i32>} : memref<256x128xf32, #tpu.memory_space<vmem>>, vector<16xf32>,
      %mul3A_484 = arith.mulf %get3A_480, %get3A_483 : vector<16xf32>
      %add3A_485 = arith.addf %add3A_477, %mul3A_484 : vector<16xf32>
      %get3A_486 = arith.index_cast %add3A_462 : i32 to index
      %get3A_487 = arith.constant 48 : index
      %get3A_488 = tpu.vector_load %arg9[%get3A_486, %get3A_487] {strides = array<i32>} : memref<256x128xf32, #tpu.memory_space<vmem>>, vector<16xf32>,
      %get3A_489 = arith.index_cast %add3A_462 : i32 to index
      %get3A_490 = arith.constant 48 : index
      %get3A_491 = tpu.vector_load %arg10[%get3A_489, %get3A_490] {strides = array<i32>} : memref<256x128xf32, #tpu.memory_space<vmem>>, vector<16xf32>,
      %mul3A_492 = arith.mulf %get3A_488, %get3A_491 : vector<16xf32>
      %add3A_493 = arith.addf %add3A_485, %mul3A_492 : vector<16xf32>
      %swap3A_494 = arith.constant 136 : index
      %swap3A_495 = tpu.vector_load %arg12[%swap3A_494] {strides = array<i32>} : memref<272xf32, #tpu.memory_space<vmem>>, vector<16xf32>,
      tpu.vector_store %arg12[%swap3A_494], %add3A_493 {strides = array<i32>} : memref<272xf32, #tpu.memory_space<vmem>>, vector<16xf32>,
      %add3A_496 = arith.constant 9 : i32
      %add3A_497 = arith.addi %mul3A_180, %add3A_496 : i32
      %get3A_498 = arith.index_cast %add3A_497 : i32 to index
      %get3A_499 = arith.constant 0 : index
      %get3A_500 = tpu.vector_load %arg9[%get3A_498, %get3A_499] {strides = array<i32>} : memref<256x128xf32, #tpu.memory_space<vmem>>, vector<16xf32>,
      %get3A_501 = arith.index_cast %add3A_497 : i32 to index
      %get3A_502 = arith.constant 0 : index
      %get3A_503 = tpu.vector_load %arg10[%get3A_501, %get3A_502] {strides = array<i32>} : memref<256x128xf32, #tpu.memory_space<vmem>>, vector<16xf32>,
      %mul3A_504 = arith.mulf %get3A_500, %get3A_503 : vector<16xf32>
      %get3A_505 = arith.index_cast %add3A_497 : i32 to index
      %get3A_506 = arith.constant 16 : index
      %get3A_507 = tpu.vector_load %arg9[%get3A_505, %get3A_506] {strides = array<i32>} : memref<256x128xf32, #tpu.memory_space<vmem>>, vector<16xf32>,
      %get3A_508 = arith.index_cast %add3A_497 : i32 to index
      %get3A_509 = arith.constant 16 : index
      %get3A_510 = tpu.vector_load %arg10[%get3A_508, %get3A_509] {strides = array<i32>} : memref<256x128xf32, #tpu.memory_space<vmem>>, vector<16xf32>,
      %mul3A_511 = arith.mulf %get3A_507, %get3A_510 : vector<16xf32>
      %add3A_512 = arith.addf %mul3A_504, %mul3A_511 : vector<16xf32>
      %get3A_513 = arith.index_cast %add3A_497 : i32 to index
      %get3A_514 = arith.constant 32 : index
      %get3A_515 = tpu.vector_load %arg9[%get3A_513, %get3A_514] {strides = array<i32>} : memref<256x128xf32, #tpu.memory_space<vmem>>, vector<16xf32>,
      %get3A_516 = arith.index_cast %add3A_497 : i32 to index
      %get3A_517 = arith.constant 32 : index
      %get3A_518 = tpu.vector_load %arg10[%get3A_516, %get3A_517] {strides = array<i32>} : memref<256x128xf32, #tpu.memory_space<vmem>>, vector<16xf32>,
      %mul3A_519 = arith.mulf %get3A_515, %get3A_518 : vector<16xf32>
      %add3A_520 = arith.addf %add3A_512, %mul3A_519 : vector<16xf32>
      %get3A_521 = arith.index_cast %add3A_497 : i32 to index
      %get3A_522 = arith.constant 48 : index
      %get3A_523 = tpu.vector_load %arg9[%get3A_521, %get3A_522] {strides = array<i32>} : memref<256x128xf32, #tpu.memory_space<vmem>>, vector<16xf32>,
      %get3A_524 = arith.index_cast %add3A_497 : i32 to index
      %get3A_525 = arith.constant 48 : index
      %get3A_526 = tpu.vector_load %arg10[%get3A_524, %get3A_525] {strides = array<i32>} : memref<256x128xf32, #tpu.memory_space<vmem>>, vector<16xf32>,
      %mul3A_527 = arith.mulf %get3A_523, %get3A_526 : vector<16xf32>
      %add3A_528 = arith.addf %add3A_520, %mul3A_527 : vector<16xf32>
      %swap3A_529 = arith.constant 153 : index
      %swap3A_530 = tpu.vector_load %arg12[%swap3A_529] {strides = array<i32>} : memref<272xf32, #tpu.memory_space<vmem>>, vector<16xf32>,
      tpu.vector_store %arg12[%swap3A_529], %add3A_528 {strides = array<i32>} : memref<272xf32, #tpu.memory_space<vmem>>, vector<16xf32>,
      %add3A_531 = arith.constant 10 : i32
      %add3A_532 = arith.addi %mul3A_180, %add3A_531 : i32
      %get3A_533 = arith.index_cast %add3A_532 : i32 to index
      %get3A_534 = arith.constant 0 : index
      %get3A_535 = tpu.vector_load %arg9[%get3A_533, %get3A_534] {strides = array<i32>} : memref<256x128xf32, #tpu.memory_space<vmem>>, vector<16xf32>,
      %get3A_536 = arith.index_cast %add3A_532 : i32 to index
      %get3A_537 = arith.constant 0 : index
      %get3A_538 = tpu.vector_load %arg10[%get3A_536, %get3A_537] {strides = array<i32>} : memref<256x128xf32, #tpu.memory_space<vmem>>, vector<16xf32>,
      %mul3A_539 = arith.mulf %get3A_535, %get3A_538 : vector<16xf32>
      %get3A_540 = arith.index_cast %add3A_532 : i32 to index
      %get3A_541 = arith.constant 16 : index
      %get3A_542 = tpu.vector_load %arg9[%get3A_540, %get3A_541] {strides = array<i32>} : memref<256x128xf32, #tpu.memory_space<vmem>>, vector<16xf32>,
      %get3A_543 = arith.index_cast %add3A_532 : i32 to index
      %get3A_544 = arith.constant 16 : index
      %get3A_545 = tpu.vector_load %arg10[%get3A_543, %get3A_544] {strides = array<i32>} : memref<256x128xf32, #tpu.memory_space<vmem>>, vector<16xf32>,
      %mul3A_546 = arith.mulf %get3A_542, %get3A_545 : vector<16xf32>
      %add3A_547 = arith.addf %mul3A_539, %mul3A_546 : vector<16xf32>
      %get3A_548 = arith.index_cast %add3A_532 : i32 to index
      %get3A_549 = arith.constant 32 : index
      %get3A_550 = tpu.vector_load %arg9[%get3A_548, %get3A_549] {strides = array<i32>} : memref<256x128xf32, #tpu.memory_space<vmem>>, vector<16xf32>,
      %get3A_551 = arith.index_cast %add3A_532 : i32 to index
      %get3A_552 = arith.constant 32 : index
      %get3A_553 = tpu.vector_load %arg10[%get3A_551, %get3A_552] {strides = array<i32>} : memref<256x128xf32, #tpu.memory_space<vmem>>, vector<16xf32>,
      %mul3A_554 = arith.mulf %get3A_550, %get3A_553 : vector<16xf32>
      %add3A_555 = arith.addf %add3A_547, %mul3A_554 : vector<16xf32>
      %get3A_556 = arith.index_cast %add3A_532 : i32 to index
      %get3A_557 = arith.constant 48 : index
      %get3A_558 = tpu.vector_load %arg9[%get3A_556, %get3A_557] {strides = array<i32>} : memref<256x128xf32, #tpu.memory_space<vmem>>, vector<16xf32>,
      %get3A_559 = arith.index_cast %add3A_532 : i32 to index
      %get3A_560 = arith.constant 48 : index
      %get3A_561 = tpu.vector_load %arg10[%get3A_559, %get3A_560] {strides = array<i32>} : memref<256x128xf32, #tpu.memory_space<vmem>>, vector<16xf32>,
      %mul3A_562 = arith.mulf %get3A_558, %get3A_561 : vector<16xf32>
      %add3A_563 = arith.addf %add3A_555, %mul3A_562 : vector<16xf32>
      %swap3A_564 = arith.constant 170 : index
      %swap3A_565 = tpu.vector_load %arg12[%swap3A_564] {strides = array<i32>} : memref<272xf32, #tpu.memory_space<vmem>>, vector<16xf32>,
      tpu.vector_store %arg12[%swap3A_564], %add3A_563 {strides = array<i32>} : memref<272xf32, #tpu.memory_space<vmem>>, vector<16xf32>,
      %add3A_566 = arith.constant 11 : i32
      %add3A_567 = arith.addi %mul3A_180, %add3A_566 : i32
      %get3A_568 = arith.index_cast %add3A_567 : i32 to index
      %get3A_569 = arith.constant 0 : index
      %get3A_570 = tpu.vector_load %arg9[%get3A_568, %get3A_569] {strides = array<i32>} : memref<256x128xf32, #tpu.memory_space<vmem>>, vector<16xf32>,
      %get3A_571 = arith.index_cast %add3A_567 : i32 to index
      %get3A_572 = arith.constant 0 : index
      %get3A_573 = tpu.vector_load %arg10[%get3A_571, %get3A_572] {strides = array<i32>} : memref<256x128xf32, #tpu.memory_space<vmem>>, vector<16xf32>,
      %mul3A_574 = arith.mulf %get3A_570, %get3A_573 : vector<16xf32>
      %get3A_575 = arith.index_cast %add3A_567 : i32 to index
      %get3A_576 = arith.constant 16 : index
      %get3A_577 = tpu.vector_load %arg9[%get3A_575, %get3A_576] {strides = array<i32>} : memref<256x128xf32, #tpu.memory_space<vmem>>, vector<16xf32>,
      %get3A_578 = arith.index_cast %add3A_567 : i32 to index
      %get3A_579 = arith.constant 16 : index
      %get3A_580 = tpu.vector_load %arg10[%get3A_578, %get3A_579] {strides = array<i32>} : memref<256x128xf32, #tpu.memory_space<vmem>>, vector<16xf32>,
      %mul3A_581 = arith.mulf %get3A_577, %get3A_580 : vector<16xf32>
      %add3A_582 = arith.addf %mul3A_574, %mul3A_581 : vector<16xf32>
      %get3A_583 = arith.index_cast %add3A_567 : i32 to index
      %get3A_584 = arith.constant 32 : index
      %get3A_585 = tpu.vector_load %arg9[%get3A_583, %get3A_584] {strides = array<i32>} : memref<256x128xf32, #tpu.memory_space<vmem>>, vector<16xf32>,
      %get3A_586 = arith.index_cast %add3A_567 : i32 to index
      %get3A_587 = arith.constant 32 : index
      %get3A_588 = tpu.vector_load %arg10[%get3A_586, %get3A_587] {strides = array<i32>} : memref<256x128xf32, #tpu.memory_space<vmem>>, vector<16xf32>,
      %mul3A_589 = arith.mulf %get3A_585, %get3A_588 : vector<16xf32>
      %add3A_590 = arith.addf %add3A_582, %mul3A_589 : vector<16xf32>
      %get3A_591 = arith.index_cast %add3A_567 : i32 to index
      %get3A_592 = arith.constant 48 : index
      %get3A_593 = tpu.vector_load %arg9[%get3A_591, %get3A_592] {strides = array<i32>} : memref<256x128xf32, #tpu.memory_space<vmem>>, vector<16xf32>,
      %get3A_594 = arith.index_cast %add3A_567 : i32 to index
      %get3A_595 = arith.constant 48 : index
      %get3A_596 = tpu.vector_load %arg10[%get3A_594, %get3A_595] {strides = array<i32>} : memref<256x128xf32, #tpu.memory_space<vmem>>, vector<16xf32>,
      %mul3A_597 = arith.mulf %get3A_593, %get3A_596 : vector<16xf32>
      %add3A_598 = arith.addf %add3A_590, %mul3A_597 : vector<16xf32>
      %swap3A_599 = arith.constant 187 : index
      %swap3A_600 = tpu.vector_load %arg12[%swap3A_599] {strides = array<i32>} : memref<272xf32, #tpu.memory_space<vmem>>, vector<16xf32>,
      tpu.vector_store %arg12[%swap3A_599], %add3A_598 {strides = array<i32>} : memref<272xf32, #tpu.memory_space<vmem>>, vector<16xf32>,
      %add3A_601 = arith.constant 12 : i32
      %add3A_602 = arith.addi %mul3A_180, %add3A_601 : i32
      %get3A_603 = arith.index_cast %add3A_602 : i32 to index
      %get3A_604 = arith.constant 0 : index
      %get3A_605 = tpu.vector_load %arg9[%get3A_603, %get3A_604] {strides = array<i32>} : memref<256x128xf32, #tpu.memory_space<vmem>>, vector<16xf32>,
      %get3A_606 = arith.index_cast %add3A_602 : i32 to index
      %get3A_607 = arith.constant 0 : index
      %get3A_608 = tpu.vector_load %arg10[%get3A_606, %get3A_607] {strides = array<i32>} : memref<256x128xf32, #tpu.memory_space<vmem>>, vector<16xf32>,
      %mul3A_609 = arith.mulf %get3A_605, %get3A_608 : vector<16xf32>
      %get3A_610 = arith.index_cast %add3A_602 : i32 to index
      %get3A_611 = arith.constant 16 : index
      %get3A_612 = tpu.vector_load %arg9[%get3A_610, %get3A_611] {strides = array<i32>} : memref<256x128xf32, #tpu.memory_space<vmem>>, vector<16xf32>,
      %get3A_613 = arith.index_cast %add3A_602 : i32 to index
      %get3A_614 = arith.constant 16 : index
      %get3A_615 = tpu.vector_load %arg10[%get3A_613, %get3A_614] {strides = array<i32>} : memref<256x128xf32, #tpu.memory_space<vmem>>, vector<16xf32>,
      %mul3A_616 = arith.mulf %get3A_612, %get3A_615 : vector<16xf32>
      %add3A_617 = arith.addf %mul3A_609, %mul3A_616 : vector<16xf32>
      %get3A_618 = arith.index_cast %add3A_602 : i32 to index
      %get3A_619 = arith.constant 32 : index
      %get3A_620 = tpu.vector_load %arg9[%get3A_618, %get3A_619] {strides = array<i32>} : memref<256x128xf32, #tpu.memory_space<vmem>>, vector<16xf32>,
      %get3A_621 = arith.index_cast %add3A_602 : i32 to index
      %get3A_622 = arith.constant 32 : index
      %get3A_623 = tpu.vector_load %arg10[%get3A_621, %get3A_622] {strides = array<i32>} : memref<256x128xf32, #tpu.memory_space<vmem>>, vector<16xf32>,
      %mul3A_624 = arith.mulf %get3A_620, %get3A_623 : vector<16xf32>
      %add3A_625 = arith.addf %add3A_617, %mul3A_624 : vector<16xf32>
      %get3A_626 = arith.index_cast %add3A_602 : i32 to index
      %get3A_627 = arith.constant 48 : index
      %get3A_628 = tpu.vector_load %arg9[%get3A_626, %get3A_627] {strides = array<i32>} : memref<256x128xf32, #tpu.memory_space<vmem>>, vector<16xf32>,
      %get3A_629 = arith.index_cast %add3A_602 : i32 to index
      %get3A_630 = arith.constant 48 : index
      %get3A_631 = tpu.vector_load %arg10[%get3A_629, %get3A_630] {strides = array<i32>} : memref<256x128xf32, #tpu.memory_space<vmem>>, vector<16xf32>,
      %mul3A_632 = arith.mulf %get3A_628, %get3A_631 : vector<16xf32>
      %add3A_633 = arith.addf %add3A_625, %mul3A_632 : vector<16xf32>
      %swap3A_634 = arith.constant 204 : index
      %swap3A_635 = tpu.vector_load %arg12[%swap3A_634] {strides = array<i32>} : memref<272xf32, #tpu.memory_space<vmem>>, vector<16xf32>,
      tpu.vector_store %arg12[%swap3A_634], %add3A_633 {strides = array<i32>} : memref<272xf32, #tpu.memory_space<vmem>>, vector<16xf32>,
      %add3A_636 = arith.constant 13 : i32
      %add3A_637 = arith.addi %mul3A_180, %add3A_636 : i32
      %get3A_638 = arith.index_cast %add3A_637 : i32 to index
      %get3A_639 = arith.constant 0 : index
      %get3A_640 = tpu.vector_load %arg9[%get3A_638, %get3A_639] {strides = array<i32>} : memref<256x128xf32, #tpu.memory_space<vmem>>, vector<16xf32>,
      %get3A_641 = arith.index_cast %add3A_637 : i32 to index
      %get3A_642 = arith.constant 0 : index
      %get3A_643 = tpu.vector_load %arg10[%get3A_641, %get3A_642] {strides = array<i32>} : memref<256x128xf32, #tpu.memory_space<vmem>>, vector<16xf32>,
      %mul3A_644 = arith.mulf %get3A_640, %get3A_643 : vector<16xf32>
      %get3A_645 = arith.index_cast %add3A_637 : i32 to index
      %get3A_646 = arith.constant 16 : index
      %get3A_647 = tpu.vector_load %arg9[%get3A_645, %get3A_646] {strides = array<i32>} : memref<256x128xf32, #tpu.memory_space<vmem>>, vector<16xf32>,
      %get3A_648 = arith.index_cast %add3A_637 : i32 to index
      %get3A_649 = arith.constant 16 : index
      %get3A_650 = tpu.vector_load %arg10[%get3A_648, %get3A_649] {strides = array<i32>} : memref<256x128xf32, #tpu.memory_space<vmem>>, vector<16xf32>,
      %mul3A_651 = arith.mulf %get3A_647, %get3A_650 : vector<16xf32>
      %add3A_652 = arith.addf %mul3A_644, %mul3A_651 : vector<16xf32>
      %get3A_653 = arith.index_cast %add3A_637 : i32 to index
      %get3A_654 = arith.constant 32 : index
      %get3A_655 = tpu.vector_load %arg9[%get3A_653, %get3A_654] {strides = array<i32>} : memref<256x128xf32, #tpu.memory_space<vmem>>, vector<16xf32>,
      %get3A_656 = arith.index_cast %add3A_637 : i32 to index
      %get3A_657 = arith.constant 32 : index
      %get3A_658 = tpu.vector_load %arg10[%get3A_656, %get3A_657] {strides = array<i32>} : memref<256x128xf32, #tpu.memory_space<vmem>>, vector<16xf32>,
      %mul3A_659 = arith.mulf %get3A_655, %get3A_658 : vector<16xf32>
      %add3A_660 = arith.addf %add3A_652, %mul3A_659 : vector<16xf32>
      %get3A_661 = arith.index_cast %add3A_637 : i32 to index
      %get3A_662 = arith.constant 48 : index
      %get3A_663 = tpu.vector_load %arg9[%get3A_661, %get3A_662] {strides = array<i32>} : memref<256x128xf32, #tpu.memory_space<vmem>>, vector<16xf32>,
      %get3A_664 = arith.index_cast %add3A_637 : i32 to index
      %get3A_665 = arith.constant 48 : index
      %get3A_666 = tpu.vector_load %arg10[%get3A_664, %get3A_665] {strides = array<i32>} : memref<256x128xf32, #tpu.memory_space<vmem>>, vector<16xf32>,
      %mul3A_667 = arith.mulf %get3A_663, %get3A_666 : vector<16xf32>
      %add3A_668 = arith.addf %add3A_660, %mul3A_667 : vector<16xf32>
      %swap3A_669 = arith.constant 221 : index
      %swap3A_670 = tpu.vector_load %arg12[%swap3A_669] {strides = array<i32>} : memref<272xf32, #tpu.memory_space<vmem>>, vector<16xf32>,
      tpu.vector_store %arg12[%swap3A_669], %add3A_668 {strides = array<i32>} : memref<272xf32, #tpu.memory_space<vmem>>, vector<16xf32>,
      %add3A_671 = arith.constant 14 : i32
      %add3A_672 = arith.addi %mul3A_180, %add3A_671 : i32
      %get3A_673 = arith.index_cast %add3A_672 : i32 to index
      %get3A_674 = arith.constant 0 : index
      %get3A_675 = tpu.vector_load %arg9[%get3A_673, %get3A_674] {strides = array<i32>} : memref<256x128xf32, #tpu.memory_space<vmem>>, vector<16xf32>,
      %get3A_676 = arith.index_cast %add3A_672 : i32 to index
      %get3A_677 = arith.constant 0 : index
      %get3A_678 = tpu.vector_load %arg10[%get3A_676, %get3A_677] {strides = array<i32>} : memref<256x128xf32, #tpu.memory_space<vmem>>, vector<16xf32>,
      %mul3A_679 = arith.mulf %get3A_675, %get3A_678 : vector<16xf32>
      %get3A_680 = arith.index_cast %add3A_672 : i32 to index
      %get3A_681 = arith.constant 16 : index
      %get3A_682 = tpu.vector_load %arg9[%get3A_680, %get3A_681] {strides = array<i32>} : memref<256x128xf32, #tpu.memory_space<vmem>>, vector<16xf32>,
      %get3A_683 = arith.index_cast %add3A_672 : i32 to index
      %get3A_684 = arith.constant 16 : index
      %get3A_685 = tpu.vector_load %arg10[%get3A_683, %get3A_684] {strides = array<i32>} : memref<256x128xf32, #tpu.memory_space<vmem>>, vector<16xf32>,
      %mul3A_686 = arith.mulf %get3A_682, %get3A_685 : vector<16xf32>
      %add3A_687 = arith.addf %mul3A_679, %mul3A_686 : vector<16xf32>
      %get3A_688 = arith.index_cast %add3A_672 : i32 to index
      %get3A_689 = arith.constant 32 : index
      %get3A_690 = tpu.vector_load %arg9[%get3A_688, %get3A_689] {strides = array<i32>} : memref<256x128xf32, #tpu.memory_space<vmem>>, vector<16xf32>,
      %get3A_691 = arith.index_cast %add3A_672 : i32 to index
      %get3A_692 = arith.constant 32 : index
      %get3A_693 = tpu.vector_load %arg10[%get3A_691, %get3A_692] {strides = array<i32>} : memref<256x128xf32, #tpu.memory_space<vmem>>, vector<16xf32>,
      %mul3A_694 = arith.mulf %get3A_690, %get3A_693 : vector<16xf32>
      %add3A_695 = arith.addf %add3A_687, %mul3A_694 : vector<16xf32>
      %get3A_696 = arith.index_cast %add3A_672 : i32 to index
      %get3A_697 = arith.constant 48 : index
      %get3A_698 = tpu.vector_load %arg9[%get3A_696, %get3A_697] {strides = array<i32>} : memref<256x128xf32, #tpu.memory_space<vmem>>, vector<16xf32>,
      %get3A_699 = arith.index_cast %add3A_672 : i32 to index
      %get3A_700 = arith.constant 48 : index
      %get3A_701 = tpu.vector_load %arg10[%get3A_699, %get3A_700] {strides = array<i32>} : memref<256x128xf32, #tpu.memory_space<vmem>>, vector<16xf32>,
      %mul3A_702 = arith.mulf %get3A_698, %get3A_701 : vector<16xf32>
      %add3A_703 = arith.addf %add3A_695, %mul3A_702 : vector<16xf32>
      %swap3A_704 = arith.constant 238 : index
      %swap3A_705 = tpu.vector_load %arg12[%swap3A_704] {strides = array<i32>} : memref<272xf32, #tpu.memory_space<vmem>>, vector<16xf32>,
      tpu.vector_store %arg12[%swap3A_704], %add3A_703 {strides = array<i32>} : memref<272xf32, #tpu.memory_space<vmem>>, vector<16xf32>,
      %add3A_706 = arith.constant 15 : i32
      %add3A_707 = arith.addi %mul3A_180, %add3A_706 : i32
      %get3A_708 = arith.index_cast %add3A_707 : i32 to index
      %get3A_709 = arith.constant 0 : index
      %get3A_710 = tpu.vector_load %arg9[%get3A_708, %get3A_709] {strides = array<i32>} : memref<256x128xf32, #tpu.memory_space<vmem>>, vector<16xf32>,
      %get3A_711 = arith.index_cast %add3A_707 : i32 to index
      %get3A_712 = arith.constant 0 : index
      %get3A_713 = tpu.vector_load %arg10[%get3A_711, %get3A_712] {strides = array<i32>} : memref<256x128xf32, #tpu.memory_space<vmem>>, vector<16xf32>,
      %mul3A_714 = arith.mulf %get3A_710, %get3A_713 : vector<16xf32>
      %get3A_715 = arith.index_cast %add3A_707 : i32 to index
      %get3A_716 = arith.constant 16 : index
      %get3A_717 = tpu.vector_load %arg9[%get3A_715, %get3A_716] {strides = array<i32>} : memref<256x128xf32, #tpu.memory_space<vmem>>, vector<16xf32>,
      %get3A_718 = arith.index_cast %add3A_707 : i32 to index
      %get3A_719 = arith.constant 16 : index
      %get3A_720 = tpu.vector_load %arg10[%get3A_718, %get3A_719] {strides = array<i32>} : memref<256x128xf32, #tpu.memory_space<vmem>>, vector<16xf32>,
      %mul3A_721 = arith.mulf %get3A_717, %get3A_720 : vector<16xf32>
      %add3A_722 = arith.addf %mul3A_714, %mul3A_721 : vector<16xf32>
      %get3A_723 = arith.index_cast %add3A_707 : i32 to index
      %get3A_724 = arith.constant 32 : index
      %get3A_725 = tpu.vector_load %arg9[%get3A_723, %get3A_724] {strides = array<i32>} : memref<256x128xf32, #tpu.memory_space<vmem>>, vector<16xf32>,
      %get3A_726 = arith.index_cast %add3A_707 : i32 to index
      %get3A_727 = arith.constant 32 : index
      %get3A_728 = tpu.vector_load %arg10[%get3A_726, %get3A_727] {strides = array<i32>} : memref<256x128xf32, #tpu.memory_space<vmem>>, vector<16xf32>,
      %mul3A_729 = arith.mulf %get3A_725, %get3A_728 : vector<16xf32>
      %add3A_730 = arith.addf %add3A_722, %mul3A_729 : vector<16xf32>
      %get3A_731 = arith.index_cast %add3A_707 : i32 to index
      %get3A_732 = arith.constant 48 : index
      %get3A_733 = tpu.vector_load %arg9[%get3A_731, %get3A_732] {strides = array<i32>} : memref<256x128xf32, #tpu.memory_space<vmem>>, vector<16xf32>,
      %get3A_734 = arith.index_cast %add3A_707 : i32 to index
      %get3A_735 = arith.constant 48 : index
      %get3A_736 = tpu.vector_load %arg10[%get3A_734, %get3A_735] {strides = array<i32>} : memref<256x128xf32, #tpu.memory_space<vmem>>, vector<16xf32>,
      %mul3A_737 = arith.mulf %get3A_733, %get3A_736 : vector<16xf32>
      %add3A_738 = arith.addf %add3A_730, %mul3A_737 : vector<16xf32>
      %swap3A_739 = arith.constant 255 : index
      %swap3A_740 = tpu.vector_load %arg12[%swap3A_739] {strides = array<i32>} : memref<272xf32, #tpu.memory_space<vmem>>, vector<16xf32>,
      tpu.vector_store %arg12[%swap3A_739], %add3A_738 {strides = array<i32>} : memref<272xf32, #tpu.memory_space<vmem>>, vector<16xf32>,
      %gather3A = tpu.vector_load_idx %arg12[%mul3A_5] : memref<272xf32, #tpu.memory_space<vmem>>[vector<16xi32>], vector<16xf32>,
      %add3A_741 = arith.constant 1 : i32
      %add3A_742 = vector.broadcast %add3A_741 : i32 to vector<16xi32>
      %add3A_743 = arith.addi %mul3A_5, %add3A_742 : vector<16xi32>
      %gather3A_744 = tpu.vector_load_idx %arg12[%add3A_743] : memref<272xf32, #tpu.memory_space<vmem>>[vector<16xi32>], vector<16xf32>,
      %add3A_745 = arith.addf %gather3A, %gather3A_744 : vector<16xf32>
      %add3A_746 = arith.constant 2 : i32
      %add3A_747 = vector.broadcast %add3A_746 : i32 to vector<16xi32>
      %add3A_748 = arith.addi %mul3A_5, %add3A_747 : vector<16xi32>
      %gather3A_749 = tpu.vector_load_idx %arg12[%add3A_748] : memref<272xf32, #tpu.memory_space<vmem>>[vector<16xi32>], vector<16xf32>,
      %add3A_750 = arith.addf %add3A_745, %gather3A_749 : vector<16xf32>
      %add3A_751 = arith.constant 3 : i32
      %add3A_752 = vector.broadcast %add3A_751 : i32 to vector<16xi32>
      %add3A_753 = arith.addi %mul3A_5, %add3A_752 : vector<16xi32>
      %gather3A_754 = tpu.vector_load_idx %arg12[%add3A_753] : memref<272xf32, #tpu.memory_space<vmem>>[vector<16xi32>], vector<16xf32>,
      %add3A_755 = arith.addf %add3A_750, %gather3A_754 : vector<16xf32>
      %add3A_756 = arith.constant 4 : i32
      %add3A_757 = vector.broadcast %add3A_756 : i32 to vector<16xi32>
      %add3A_758 = arith.addi %mul3A_5, %add3A_757 : vector<16xi32>
      %gather3A_759 = tpu.vector_load_idx %arg12[%add3A_758] : memref<272xf32, #tpu.memory_space<vmem>>[vector<16xi32>], vector<16xf32>,
      %add3A_760 = arith.addf %add3A_755, %gather3A_759 : vector<16xf32>
      %add3A_761 = arith.constant 5 : i32
      %add3A_762 = vector.broadcast %add3A_761 : i32 to vector<16xi32>
      %add3A_763 = arith.addi %mul3A_5, %add3A_762 : vector<16xi32>
      %gather3A_764 = tpu.vector_load_idx %arg12[%add3A_763] : memref<272xf32, #tpu.memory_space<vmem>>[vector<16xi32>], vector<16xf32>,
      %add3A_765 = arith.addf %add3A_760, %gather3A_764 : vector<16xf32>
      %add3A_766 = arith.constant 6 : i32
      %add3A_767 = vector.broadcast %add3A_766 : i32 to vector<16xi32>
      %add3A_768 = arith.addi %mul3A_5, %add3A_767 : vector<16xi32>
      %gather3A_769 = tpu.vector_load_idx %arg12[%add3A_768] : memref<272xf32, #tpu.memory_space<vmem>>[vector<16xi32>], vector<16xf32>,
      %add3A_770 = arith.addf %add3A_765, %gather3A_769 : vector<16xf32>
      %add3A_771 = arith.constant 7 : i32
      %add3A_772 = vector.broadcast %add3A_771 : i32 to vector<16xi32>
      %add3A_773 = arith.addi %mul3A_5, %add3A_772 : vector<16xi32>
      %gather3A_774 = tpu.vector_load_idx %arg12[%add3A_773] : memref<272xf32, #tpu.memory_space<vmem>>[vector<16xi32>], vector<16xf32>,
      %add3A_775 = arith.addf %add3A_770, %gather3A_774 : vector<16xf32>
      %add3A_776 = arith.constant 8 : i32
      %add3A_777 = vector.broadcast %add3A_776 : i32 to vector<16xi32>
      %add3A_778 = arith.addi %mul3A_5, %add3A_777 : vector<16xi32>
      %gather3A_779 = tpu.vector_load_idx %arg12[%add3A_778] : memref<272xf32, #tpu.memory_space<vmem>>[vector<16xi32>], vector<16xf32>,
      %add3A_780 = arith.addf %add3A_775, %gather3A_779 : vector<16xf32>
      %add3A_781 = arith.constant 9 : i32
      %add3A_782 = vector.broadcast %add3A_781 : i32 to vector<16xi32>
      %add3A_783 = arith.addi %mul3A_5, %add3A_782 : vector<16xi32>
      %gather3A_784 = tpu.vector_load_idx %arg12[%add3A_783] : memref<272xf32, #tpu.memory_space<vmem>>[vector<16xi32>], vector<16xf32>,
      %add3A_785 = arith.addf %add3A_780, %gather3A_784 : vector<16xf32>
      %add3A_786 = arith.constant 10 : i32
      %add3A_787 = vector.broadcast %add3A_786 : i32 to vector<16xi32>
      %add3A_788 = arith.addi %mul3A_5, %add3A_787 : vector<16xi32>
      %gather3A_789 = tpu.vector_load_idx %arg12[%add3A_788] : memref<272xf32, #tpu.memory_space<vmem>>[vector<16xi32>], vector<16xf32>,
      %add3A_790 = arith.addf %add3A_785, %gather3A_789 : vector<16xf32>
      %add3A_791 = arith.constant 11 : i32
      %add3A_792 = vector.broadcast %add3A_791 : i32 to vector<16xi32>
      %add3A_793 = arith.addi %mul3A_5, %add3A_792 : vector<16xi32>
      %gather3A_794 = tpu.vector_load_idx %arg12[%add3A_793] : memref<272xf32, #tpu.memory_space<vmem>>[vector<16xi32>], vector<16xf32>,
      %add3A_795 = arith.addf %add3A_790, %gather3A_794 : vector<16xf32>
      %add3A_796 = arith.constant 12 : i32
      %add3A_797 = vector.broadcast %add3A_796 : i32 to vector<16xi32>
      %add3A_798 = arith.addi %mul3A_5, %add3A_797 : vector<16xi32>
      %gather3A_799 = tpu.vector_load_idx %arg12[%add3A_798] : memref<272xf32, #tpu.memory_space<vmem>>[vector<16xi32>], vector<16xf32>,
      %add3A_800 = arith.addf %add3A_795, %gather3A_799 : vector<16xf32>
      %add3A_801 = arith.constant 13 : i32
      %add3A_802 = vector.broadcast %add3A_801 : i32 to vector<16xi32>
      %add3A_803 = arith.addi %mul3A_5, %add3A_802 : vector<16xi32>
      %gather3A_804 = tpu.vector_load_idx %arg12[%add3A_803] : memref<272xf32, #tpu.memory_space<vmem>>[vector<16xi32>], vector<16xf32>,
      %add3A_805 = arith.addf %add3A_800, %gather3A_804 : vector<16xf32>
      %add3A_806 = arith.constant 14 : i32
      %add3A_807 = vector.broadcast %add3A_806 : i32 to vector<16xi32>
      %add3A_808 = arith.addi %mul3A_5, %add3A_807 : vector<16xi32>
      %gather3A_809 = tpu.vector_load_idx %arg12[%add3A_808] : memref<272xf32, #tpu.memory_space<vmem>>[vector<16xi32>], vector<16xf32>,
      %add3A_810 = arith.addf %add3A_805, %gather3A_809 : vector<16xf32>
      %add3A_811 = arith.constant 15 : i32
      %add3A_812 = vector.broadcast %add3A_811 : i32 to vector<16xi32>
      %add3A_813 = arith.addi %mul3A_5, %add3A_812 : vector<16xi32>
      %gather3A_814 = tpu.vector_load_idx %arg12[%add3A_813] : memref<272xf32, #tpu.memory_space<vmem>>[vector<16xi32>], vector<16xf32>,
      %add3A_815 = arith.addf %add3A_810, %gather3A_814 : vector<16xf32>
      %neg3A = arith.constant 0.000000e+00 : f32
      %neg3A_816 = vector.broadcast %neg3A : f32 to vector<16xf32>
      %neg3A_817 = arith.subf %neg3A_816, %add3A_815 : vector<16xf32>
      %exp3A = math.exp %neg3A_817 : vector<16xf32>
      %add3A_818 = arith.constant 1.000000e+00 : f32
      %add3A_819 = vector.broadcast %add3A_818 : f32 to vector<16xf32>
      %add3A_820 = arith.addf %add3A_819, %exp3A : vector<16xf32>
      %div3A = arith.constant 1.000000e+00 : f32
      %div3A_821 = vector.broadcast %div3A : f32 to vector<16xf32>
      %div3A_822 = arith.divf %div3A_821, %add3A_820 : vector<16xf32>
      %swap3A_823 = arith.index_cast %add3A_182 : i32 to index
      %swap3A_824 = tpu.vector_load %arg11[%swap3A_823] {strides = array<i32>} : memref<512xf32, #tpu.memory_space<vmem>>, vector<16xf32>,
      tpu.vector_store %arg11[%swap3A_823], %div3A_822 {strides = array<i32>} : memref<512xf32, #tpu.memory_space<vmem>>, vector<16xf32>,
      %scan3A_825 = arith.constant 0 : i32
      scf.yield %scan3A_825 : i32
    }
    %scan3A_89 = arith.constant 16 : i32
    %dma_start3A_90 = arith.constant 2 : i32
    %dma_start3A_91 = arith.constant 0 : i32
    %dma_start3A_92 = arith.constant 0 : i32
    %dma_start3A_93 = tpu.memref_slice %arg9[%dma_start3A_91, %dma_start3A_92] : memref<256x128xf32, #tpu.memory_space<vmem>> -> memref<128x128xf32, #tpu.memory_space<vmem>>
    %dma_start3A_94 = arith.constant 0 : i32
    %dma_start3A_95 = tpu.memref_slice %arg7[%dma_start3A_90, %dma_start3A_94] : memref<4x128xi32, #tpu.memory_space<vmem>> -> memref<1x128xi32, #tpu.memory_space<vmem>>
    %dma_start3A_96 = tpu.memref_squeeze %dma_start3A_95 : memref<1x128xi32, #tpu.memory_space<vmem>> -> memref<128xi32, #tpu.memory_space<vmem>>
    %dma_start3A_97 = arith.constant 0 : i32
    %dma_start3A_98 = arith.constant 0 : i32
    %dma_start3A_99 = tpu.memref_slice %arg4[%dma_start3A_97, %dma_start3A_98] : memref<1000000x128xf32, #tpu.memory_space<hbm>> -> memref<1000000x128xf32, #tpu.memory_space<hbm>>
    tpu.enqueue_indirect_dma source(%dma_start3A_99 : memref<1000000x128xf32, #tpu.memory_space<hbm>>) target(%dma_start3A_93 : memref<128x128xf32, #tpu.memory_space<vmem>>) offsets(%dma_start3A_96 : memref<128xi32, #tpu.memory_space<vmem>>) semaphore(%arg13 : memref<!tpu.dma_semaphore, #tpu.memory_space<semaphore_mem>>)
    %dma_start3A_100 = arith.constant 2 : i32
    %dma_start3A_101 = arith.constant 0 : i32
    %dma_start3A_102 = arith.constant 0 : i32
    %dma_start3A_103 = tpu.memref_slice %arg10[%dma_start3A_101, %dma_start3A_102] : memref<256x128xf32, #tpu.memory_space<vmem>> -> memref<128x128xf32, #tpu.memory_space<vmem>>
    %dma_start3A_104 = arith.constant 0 : i32
    %dma_start3A_105 = tpu.memref_slice %arg8[%dma_start3A_100, %dma_start3A_104] : memref<4x128xi32, #tpu.memory_space<vmem>> -> memref<1x128xi32, #tpu.memory_space<vmem>>
    %dma_start3A_106 = tpu.memref_squeeze %dma_start3A_105 : memref<1x128xi32, #tpu.memory_space<vmem>> -> memref<128xi32, #tpu.memory_space<vmem>>
    %dma_start3A_107 = arith.constant 0 : i32
    %dma_start3A_108 = arith.constant 0 : i32
    %dma_start3A_109 = tpu.memref_slice %arg5[%dma_start3A_107, %dma_start3A_108] : memref<1000000x128xf32, #tpu.memory_space<hbm>> -> memref<1000000x128xf32, #tpu.memory_space<hbm>>
    tpu.enqueue_indirect_dma source(%dma_start3A_109 : memref<1000000x128xf32, #tpu.memory_space<hbm>>) target(%dma_start3A_103 : memref<128x128xf32, #tpu.memory_space<vmem>>) offsets(%dma_start3A_106 : memref<128xi32, #tpu.memory_space<vmem>>) semaphore(%arg14 : memref<!tpu.dma_semaphore, #tpu.memory_space<semaphore_mem>>)
    %dma_start3A_110 = arith.constant 3 : i32
    %dma_start3A_111 = arith.constant 128 : i32
    %dma_start3A_112 = arith.constant 0 : i32
    %dma_start3A_113 = tpu.memref_slice %arg9[%dma_start3A_111, %dma_start3A_112] : memref<256x128xf32, #tpu.memory_space<vmem>> -> memref<128x128xf32, #tpu.memory_space<vmem>>
    %dma_start3A_114 = arith.constant 0 : i32
    %dma_start3A_115 = tpu.memref_slice %arg7[%dma_start3A_110, %dma_start3A_114] : memref<4x128xi32, #tpu.memory_space<vmem>> -> memref<1x128xi32, #tpu.memory_space<vmem>>
    %dma_start3A_116 = tpu.memref_squeeze %dma_start3A_115 : memref<1x128xi32, #tpu.memory_space<vmem>> -> memref<128xi32, #tpu.memory_space<vmem>>
    %dma_start3A_117 = arith.constant 0 : i32
    %dma_start3A_118 = arith.constant 0 : i32
    %dma_start3A_119 = tpu.memref_slice %arg4[%dma_start3A_117, %dma_start3A_118] : memref<1000000x128xf32, #tpu.memory_space<hbm>> -> memref<1000000x128xf32, #tpu.memory_space<hbm>>
    tpu.enqueue_indirect_dma source(%dma_start3A_119 : memref<1000000x128xf32, #tpu.memory_space<hbm>>) target(%dma_start3A_113 : memref<128x128xf32, #tpu.memory_space<vmem>>) offsets(%dma_start3A_116 : memref<128xi32, #tpu.memory_space<vmem>>) semaphore(%arg13 : memref<!tpu.dma_semaphore, #tpu.memory_space<semaphore_mem>>)
    %dma_start3A_120 = arith.constant 3 : i32
    %dma_start3A_121 = arith.constant 128 : i32
    %dma_start3A_122 = arith.constant 0 : i32
    %dma_start3A_123 = tpu.memref_slice %arg10[%dma_start3A_121, %dma_start3A_122] : memref<256x128xf32, #tpu.memory_space<vmem>> -> memref<128x128xf32, #tpu.memory_space<vmem>>
    %dma_start3A_124 = arith.constant 0 : i32
    %dma_start3A_125 = tpu.memref_slice %arg8[%dma_start3A_120, %dma_start3A_124] : memref<4x128xi32, #tpu.memory_space<vmem>> -> memref<1x128xi32, #tpu.memory_space<vmem>>
    %dma_start3A_126 = tpu.memref_squeeze %dma_start3A_125 : memref<1x128xi32, #tpu.memory_space<vmem>> -> memref<128xi32, #tpu.memory_space<vmem>>
    %dma_start3A_127 = arith.constant 0 : i32
    %dma_start3A_128 = arith.constant 0 : i32
    %dma_start3A_129 = tpu.memref_slice %arg5[%dma_start3A_127, %dma_start3A_128] : memref<1000000x128xf32, #tpu.memory_space<hbm>> -> memref<1000000x128xf32, #tpu.memory_space<hbm>>
    tpu.enqueue_indirect_dma source(%dma_start3A_129 : memref<1000000x128xf32, #tpu.memory_space<hbm>>) target(%dma_start3A_123 : memref<128x128xf32, #tpu.memory_space<vmem>>) offsets(%dma_start3A_126 : memref<128xi32, #tpu.memory_space<vmem>>) semaphore(%arg14 : memref<!tpu.dma_semaphore, #tpu.memory_space<semaphore_mem>>)
    %dma_wait3A_130 = arith.constant 2 : i32
    %dma_wait3A_131 = arith.constant 0 : i32
    %dma_wait3A_132 = arith.constant 0 : i32
    %dma_wait3A_133 = tpu.memref_slice %arg9[%dma_wait3A_131, %dma_wait3A_132] : memref<256x128xf32, #tpu.memory_space<vmem>> -> memref<128x128xf32, #tpu.memory_space<vmem>>
    %dma_wait3A_134 = arith.constant 0 : i32
    %dma_wait3A_135 = tpu.memref_slice %arg7[%dma_wait3A_130, %dma_wait3A_134] : memref<4x128xi32, #tpu.memory_space<vmem>> -> memref<1x128xi32, #tpu.memory_space<vmem>>
    %dma_wait3A_136 = tpu.memref_squeeze %dma_wait3A_135 : memref<1x128xi32, #tpu.memory_space<vmem>> -> memref<128xi32, #tpu.memory_space<vmem>>
    %dma_wait3A_137 = arith.constant 0 : i32
    %dma_wait3A_138 = arith.constant 0 : i32
    %dma_wait3A_139 = tpu.memref_slice %arg4[%dma_wait3A_137, %dma_wait3A_138] : memref<1000000x128xf32, #tpu.memory_space<hbm>> -> memref<1000000x128xf32, #tpu.memory_space<hbm>>
    tpu.wait_indirect_dma semaphore(%arg13 : memref<!tpu.dma_semaphore, #tpu.memory_space<semaphore_mem>>) src(%dma_wait3A_139 : memref<1000000x128xf32, #tpu.memory_space<hbm>>) dst(%dma_wait3A_133 : memref<128x128xf32, #tpu.memory_space<vmem>>)
    %dma_wait3A_140 = arith.constant 2 : i32
    %dma_wait3A_141 = arith.constant 0 : i32
    %dma_wait3A_142 = arith.constant 0 : i32
    %dma_wait3A_143 = tpu.memref_slice %arg10[%dma_wait3A_141, %dma_wait3A_142] : memref<256x128xf32, #tpu.memory_space<vmem>> -> memref<128x128xf32, #tpu.memory_space<vmem>>
    %dma_wait3A_144 = arith.constant 0 : i32
    %dma_wait3A_145 = tpu.memref_slice %arg8[%dma_wait3A_140, %dma_wait3A_144] : memref<4x128xi32, #tpu.memory_space<vmem>> -> memref<1x128xi32, #tpu.memory_space<vmem>>
    %dma_wait3A_146 = tpu.memref_squeeze %dma_wait3A_145 : memref<1x128xi32, #tpu.memory_space<vmem>> -> memref<128xi32, #tpu.memory_space<vmem>>
    %dma_wait3A_147 = arith.constant 0 : i32
    %dma_wait3A_148 = arith.constant 0 : i32
    %dma_wait3A_149 = tpu.memref_slice %arg5[%dma_wait3A_147, %dma_wait3A_148] : memref<1000000x128xf32, #tpu.memory_space<hbm>> -> memref<1000000x128xf32, #tpu.memory_space<hbm>>
    tpu.wait_indirect_dma semaphore(%arg14 : memref<!tpu.dma_semaphore, #tpu.memory_space<semaphore_mem>>) src(%dma_wait3A_149 : memref<1000000x128xf32, #tpu.memory_space<hbm>>) dst(%dma_wait3A_143 : memref<128x128xf32, #tpu.memory_space<vmem>>)
    %dma_wait3A_150 = arith.constant 3 : i32
    %dma_wait3A_151 = arith.constant 128 : i32
    %dma_wait3A_152 = arith.constant 0 : i32
    %dma_wait3A_153 = tpu.memref_slice %arg9[%dma_wait3A_151, %dma_wait3A_152] : memref<256x128xf32, #tpu.memory_space<vmem>> -> memref<128x128xf32, #tpu.memory_space<vmem>>
    %dma_wait3A_154 = arith.constant 0 : i32
    %dma_wait3A_155 = tpu.memref_slice %arg7[%dma_wait3A_150, %dma_wait3A_154] : memref<4x128xi32, #tpu.memory_space<vmem>> -> memref<1x128xi32, #tpu.memory_space<vmem>>
    %dma_wait3A_156 = tpu.memref_squeeze %dma_wait3A_155 : memref<1x128xi32, #tpu.memory_space<vmem>> -> memref<128xi32, #tpu.memory_space<vmem>>
    %dma_wait3A_157 = arith.constant 0 : i32
    %dma_wait3A_158 = arith.constant 0 : i32
    %dma_wait3A_159 = tpu.memref_slice %arg4[%dma_wait3A_157, %dma_wait3A_158] : memref<1000000x128xf32, #tpu.memory_space<hbm>> -> memref<1000000x128xf32, #tpu.memory_space<hbm>>
    tpu.wait_indirect_dma semaphore(%arg13 : memref<!tpu.dma_semaphore, #tpu.memory_space<semaphore_mem>>) src(%dma_wait3A_159 : memref<1000000x128xf32, #tpu.memory_space<hbm>>) dst(%dma_wait3A_153 : memref<128x128xf32, #tpu.memory_space<vmem>>)
    %dma_wait3A_160 = arith.constant 3 : i32
    %dma_wait3A_161 = arith.constant 128 : i32
    %dma_wait3A_162 = arith.constant 0 : i32
    %dma_wait3A_163 = tpu.memref_slice %arg10[%dma_wait3A_161, %dma_wait3A_162] : memref<256x128xf32, #tpu.memory_space<vmem>> -> memref<128x128xf32, #tpu.memory_space<vmem>>
    %dma_wait3A_164 = arith.constant 0 : i32
    %dma_wait3A_165 = tpu.memref_slice %arg8[%dma_wait3A_160, %dma_wait3A_164] : memref<4x128xi32, #tpu.memory_space<vmem>> -> memref<1x128xi32, #tpu.memory_space<vmem>>
    %dma_wait3A_166 = tpu.memref_squeeze %dma_wait3A_165 : memref<1x128xi32, #tpu.memory_space<vmem>> -> memref<128xi32, #tpu.memory_space<vmem>>
    %dma_wait3A_167 = arith.constant 0 : i32
    %dma_wait3A_168 = arith.constant 0 : i32
    %dma_wait3A_169 = tpu.memref_slice %arg5[%dma_wait3A_167, %dma_wait3A_168] : memref<1000000x128xf32, #tpu.memory_space<hbm>> -> memref<1000000x128xf32, #tpu.memory_space<hbm>>
    tpu.wait_indirect_dma semaphore(%arg14 : memref<!tpu.dma_semaphore, #tpu.memory_space<semaphore_mem>>) src(%dma_wait3A_169 : memref<1000000x128xf32, #tpu.memory_space<hbm>>) dst(%dma_wait3A_163 : memref<128x128xf32, #tpu.memory_space<vmem>>)
    %scan3A_170 = arith.constant 0 : i32
    %scan3A_171 = arith.constant 0 : i32
    %scan3A_172 = arith.constant 16 : i32
    %scan3A_173 = arith.addi %scan3A_171, %scan3A_172 : i32
    %scan3A_174 = arith.constant 1 : i32
    %scan3A_175 = scf.for %scan3A_177 = %scan3A_171 to %scan3A_173 step %scan3A_174 iter_args(%scan3A_178 = %scan3A_170) -> (i32)  : i32 {
      %mul3A_179 = arith.constant 16 : i32
      %mul3A_180 = arith.muli %scan3A_177, %mul3A_179 : i32
      %add3A_181 = arith.constant 256 : i32
      %add3A_182 = arith.addi %add3A_181, %mul3A_180 : i32
      %add3A_183 = arith.constant 0 : i32
      %add3A_184 = arith.addi %mul3A_180, %add3A_183 : i32
      %get3A = arith.index_cast %add3A_184 : i32 to index
      %get3A_185 = arith.constant 0 : index
      %get3A_186 = tpu.vector_load %arg9[%get3A, %get3A_185] {strides = array<i32>} : memref<256x128xf32, #tpu.memory_space<vmem>>, vector<16xf32>,
      %get3A_187 = arith.index_cast %add3A_184 : i32 to index
      %get3A_188 = arith.constant 0 : index
      %get3A_189 = tpu.vector_load %arg10[%get3A_187, %get3A_188] {strides = array<i32>} : memref<256x128xf32, #tpu.memory_space<vmem>>, vector<16xf32>,
      %mul3A_190 = arith.mulf %get3A_186, %get3A_189 : vector<16xf32>
      %get3A_191 = arith.index_cast %add3A_184 : i32 to index
      %get3A_192 = arith.constant 16 : index
      %get3A_193 = tpu.vector_load %arg9[%get3A_191, %get3A_192] {strides = array<i32>} : memref<256x128xf32, #tpu.memory_space<vmem>>, vector<16xf32>,
      %get3A_194 = arith.index_cast %add3A_184 : i32 to index
      %get3A_195 = arith.constant 16 : index
      %get3A_196 = tpu.vector_load %arg10[%get3A_194, %get3A_195] {strides = array<i32>} : memref<256x128xf32, #tpu.memory_space<vmem>>, vector<16xf32>,
      %mul3A_197 = arith.mulf %get3A_193, %get3A_196 : vector<16xf32>
      %add3A_198 = arith.addf %mul3A_190, %mul3A_197 : vector<16xf32>
      %get3A_199 = arith.index_cast %add3A_184 : i32 to index
      %get3A_200 = arith.constant 32 : index
      %get3A_201 = tpu.vector_load %arg9[%get3A_199, %get3A_200] {strides = array<i32>} : memref<256x128xf32, #tpu.memory_space<vmem>>, vector<16xf32>,
      %get3A_202 = arith.index_cast %add3A_184 : i32 to index
      %get3A_203 = arith.constant 32 : index
      %get3A_204 = tpu.vector_load %arg10[%get3A_202, %get3A_203] {strides = array<i32>} : memref<256x128xf32, #tpu.memory_space<vmem>>, vector<16xf32>,
      %mul3A_205 = arith.mulf %get3A_201, %get3A_204 : vector<16xf32>
      %add3A_206 = arith.addf %add3A_198, %mul3A_205 : vector<16xf32>
      %get3A_207 = arith.index_cast %add3A_184 : i32 to index
      %get3A_208 = arith.constant 48 : index
      %get3A_209 = tpu.vector_load %arg9[%get3A_207, %get3A_208] {strides = array<i32>} : memref<256x128xf32, #tpu.memory_space<vmem>>, vector<16xf32>,
      %get3A_210 = arith.index_cast %add3A_184 : i32 to index
      %get3A_211 = arith.constant 48 : index
      %get3A_212 = tpu.vector_load %arg10[%get3A_210, %get3A_211] {strides = array<i32>} : memref<256x128xf32, #tpu.memory_space<vmem>>, vector<16xf32>,
      %mul3A_213 = arith.mulf %get3A_209, %get3A_212 : vector<16xf32>
      %add3A_214 = arith.addf %add3A_206, %mul3A_213 : vector<16xf32>
      %swap3A = arith.constant 0 : index
      %swap3A_215 = tpu.vector_load %arg12[%swap3A] {strides = array<i32>} : memref<272xf32, #tpu.memory_space<vmem>>, vector<16xf32>,
      tpu.vector_store %arg12[%swap3A], %add3A_214 {strides = array<i32>} : memref<272xf32, #tpu.memory_space<vmem>>, vector<16xf32>,
      %add3A_216 = arith.constant 1 : i32
      %add3A_217 = arith.addi %mul3A_180, %add3A_216 : i32
      %get3A_218 = arith.index_cast %add3A_217 : i32 to index
      %get3A_219 = arith.constant 0 : index
      %get3A_220 = tpu.vector_load %arg9[%get3A_218, %get3A_219] {strides = array<i32>} : memref<256x128xf32, #tpu.memory_space<vmem>>, vector<16xf32>,
      %get3A_221 = arith.index_cast %add3A_217 : i32 to index
      %get3A_222 = arith.constant 0 : index
      %get3A_223 = tpu.vector_load %arg10[%get3A_221, %get3A_222] {strides = array<i32>} : memref<256x128xf32, #tpu.memory_space<vmem>>, vector<16xf32>,
      %mul3A_224 = arith.mulf %get3A_220, %get3A_223 : vector<16xf32>
      %get3A_225 = arith.index_cast %add3A_217 : i32 to index
      %get3A_226 = arith.constant 16 : index
      %get3A_227 = tpu.vector_load %arg9[%get3A_225, %get3A_226] {strides = array<i32>} : memref<256x128xf32, #tpu.memory_space<vmem>>, vector<16xf32>,
      %get3A_228 = arith.index_cast %add3A_217 : i32 to index
      %get3A_229 = arith.constant 16 : index
      %get3A_230 = tpu.vector_load %arg10[%get3A_228, %get3A_229] {strides = array<i32>} : memref<256x128xf32, #tpu.memory_space<vmem>>, vector<16xf32>,
      %mul3A_231 = arith.mulf %get3A_227, %get3A_230 : vector<16xf32>
      %add3A_232 = arith.addf %mul3A_224, %mul3A_231 : vector<16xf32>
      %get3A_233 = arith.index_cast %add3A_217 : i32 to index
      %get3A_234 = arith.constant 32 : index
      %get3A_235 = tpu.vector_load %arg9[%get3A_233, %get3A_234] {strides = array<i32>} : memref<256x128xf32, #tpu.memory_space<vmem>>, vector<16xf32>,
      %get3A_236 = arith.index_cast %add3A_217 : i32 to index
      %get3A_237 = arith.constant 32 : index
      %get3A_238 = tpu.vector_load %arg10[%get3A_236, %get3A_237] {strides = array<i32>} : memref<256x128xf32, #tpu.memory_space<vmem>>, vector<16xf32>,
      %mul3A_239 = arith.mulf %get3A_235, %get3A_238 : vector<16xf32>
      %add3A_240 = arith.addf %add3A_232, %mul3A_239 : vector<16xf32>
      %get3A_241 = arith.index_cast %add3A_217 : i32 to index
      %get3A_242 = arith.constant 48 : index
      %get3A_243 = tpu.vector_load %arg9[%get3A_241, %get3A_242] {strides = array<i32>} : memref<256x128xf32, #tpu.memory_space<vmem>>, vector<16xf32>,
      %get3A_244 = arith.index_cast %add3A_217 : i32 to index
      %get3A_245 = arith.constant 48 : index
      %get3A_246 = tpu.vector_load %arg10[%get3A_244, %get3A_245] {strides = array<i32>} : memref<256x128xf32, #tpu.memory_space<vmem>>, vector<16xf32>,
      %mul3A_247 = arith.mulf %get3A_243, %get3A_246 : vector<16xf32>
      %add3A_248 = arith.addf %add3A_240, %mul3A_247 : vector<16xf32>
      %swap3A_249 = arith.constant 17 : index
      %swap3A_250 = tpu.vector_load %arg12[%swap3A_249] {strides = array<i32>} : memref<272xf32, #tpu.memory_space<vmem>>, vector<16xf32>,
      tpu.vector_store %arg12[%swap3A_249], %add3A_248 {strides = array<i32>} : memref<272xf32, #tpu.memory_space<vmem>>, vector<16xf32>,
      %add3A_251 = arith.constant 2 : i32
      %add3A_252 = arith.addi %mul3A_180, %add3A_251 : i32
      %get3A_253 = arith.index_cast %add3A_252 : i32 to index
      %get3A_254 = arith.constant 0 : index
      %get3A_255 = tpu.vector_load %arg9[%get3A_253, %get3A_254] {strides = array<i32>} : memref<256x128xf32, #tpu.memory_space<vmem>>, vector<16xf32>,
      %get3A_256 = arith.index_cast %add3A_252 : i32 to index
      %get3A_257 = arith.constant 0 : index
      %get3A_258 = tpu.vector_load %arg10[%get3A_256, %get3A_257] {strides = array<i32>} : memref<256x128xf32, #tpu.memory_space<vmem>>, vector<16xf32>,
      %mul3A_259 = arith.mulf %get3A_255, %get3A_258 : vector<16xf32>
      %get3A_260 = arith.index_cast %add3A_252 : i32 to index
      %get3A_261 = arith.constant 16 : index
      %get3A_262 = tpu.vector_load %arg9[%get3A_260, %get3A_261] {strides = array<i32>} : memref<256x128xf32, #tpu.memory_space<vmem>>, vector<16xf32>,
      %get3A_263 = arith.index_cast %add3A_252 : i32 to index
      %get3A_264 = arith.constant 16 : index
      %get3A_265 = tpu.vector_load %arg10[%get3A_263, %get3A_264] {strides = array<i32>} : memref<256x128xf32, #tpu.memory_space<vmem>>, vector<16xf32>,
      %mul3A_266 = arith.mulf %get3A_262, %get3A_265 : vector<16xf32>
      %add3A_267 = arith.addf %mul3A_259, %mul3A_266 : vector<16xf32>
      %get3A_268 = arith.index_cast %add3A_252 : i32 to index
      %get3A_269 = arith.constant 32 : index
      %get3A_270 = tpu.vector_load %arg9[%get3A_268, %get3A_269] {strides = array<i32>} : memref<256x128xf32, #tpu.memory_space<vmem>>, vector<16xf32>,
      %get3A_271 = arith.index_cast %add3A_252 : i32 to index
      %get3A_272 = arith.constant 32 : index
      %get3A_273 = tpu.vector_load %arg10[%get3A_271, %get3A_272] {strides = array<i32>} : memref<256x128xf32, #tpu.memory_space<vmem>>, vector<16xf32>,
      %mul3A_274 = arith.mulf %get3A_270, %get3A_273 : vector<16xf32>
      %add3A_275 = arith.addf %add3A_267, %mul3A_274 : vector<16xf32>
      %get3A_276 = arith.index_cast %add3A_252 : i32 to index
      %get3A_277 = arith.constant 48 : index
      %get3A_278 = tpu.vector_load %arg9[%get3A_276, %get3A_277] {strides = array<i32>} : memref<256x128xf32, #tpu.memory_space<vmem>>, vector<16xf32>,
      %get3A_279 = arith.index_cast %add3A_252 : i32 to index
      %get3A_280 = arith.constant 48 : index
      %get3A_281 = tpu.vector_load %arg10[%get3A_279, %get3A_280] {strides = array<i32>} : memref<256x128xf32, #tpu.memory_space<vmem>>, vector<16xf32>,
      %mul3A_282 = arith.mulf %get3A_278, %get3A_281 : vector<16xf32>
      %add3A_283 = arith.addf %add3A_275, %mul3A_282 : vector<16xf32>
      %swap3A_284 = arith.constant 34 : index
      %swap3A_285 = tpu.vector_load %arg12[%swap3A_284] {strides = array<i32>} : memref<272xf32, #tpu.memory_space<vmem>>, vector<16xf32>,
      tpu.vector_store %arg12[%swap3A_284], %add3A_283 {strides = array<i32>} : memref<272xf32, #tpu.memory_space<vmem>>, vector<16xf32>,
      %add3A_286 = arith.constant 3 : i32
      %add3A_287 = arith.addi %mul3A_180, %add3A_286 : i32
      %get3A_288 = arith.index_cast %add3A_287 : i32 to index
      %get3A_289 = arith.constant 0 : index
      %get3A_290 = tpu.vector_load %arg9[%get3A_288, %get3A_289] {strides = array<i32>} : memref<256x128xf32, #tpu.memory_space<vmem>>, vector<16xf32>,
      %get3A_291 = arith.index_cast %add3A_287 : i32 to index
      %get3A_292 = arith.constant 0 : index
      %get3A_293 = tpu.vector_load %arg10[%get3A_291, %get3A_292] {strides = array<i32>} : memref<256x128xf32, #tpu.memory_space<vmem>>, vector<16xf32>,
      %mul3A_294 = arith.mulf %get3A_290, %get3A_293 : vector<16xf32>
      %get3A_295 = arith.index_cast %add3A_287 : i32 to index
      %get3A_296 = arith.constant 16 : index
      %get3A_297 = tpu.vector_load %arg9[%get3A_295, %get3A_296] {strides = array<i32>} : memref<256x128xf32, #tpu.memory_space<vmem>>, vector<16xf32>,
      %get3A_298 = arith.index_cast %add3A_287 : i32 to index
      %get3A_299 = arith.constant 16 : index
      %get3A_300 = tpu.vector_load %arg10[%get3A_298, %get3A_299] {strides = array<i32>} : memref<256x128xf32, #tpu.memory_space<vmem>>, vector<16xf32>,
      %mul3A_301 = arith.mulf %get3A_297, %get3A_300 : vector<16xf32>
      %add3A_302 = arith.addf %mul3A_294, %mul3A_301 : vector<16xf32>
      %get3A_303 = arith.index_cast %add3A_287 : i32 to index
      %get3A_304 = arith.constant 32 : index
      %get3A_305 = tpu.vector_load %arg9[%get3A_303, %get3A_304] {strides = array<i32>} : memref<256x128xf32, #tpu.memory_space<vmem>>, vector<16xf32>,
      %get3A_306 = arith.index_cast %add3A_287 : i32 to index
      %get3A_307 = arith.constant 32 : index
      %get3A_308 = tpu.vector_load %arg10[%get3A_306, %get3A_307] {strides = array<i32>} : memref<256x128xf32, #tpu.memory_space<vmem>>, vector<16xf32>,
      %mul3A_309 = arith.mulf %get3A_305, %get3A_308 : vector<16xf32>
      %add3A_310 = arith.addf %add3A_302, %mul3A_309 : vector<16xf32>
      %get3A_311 = arith.index_cast %add3A_287 : i32 to index
      %get3A_312 = arith.constant 48 : index
      %get3A_313 = tpu.vector_load %arg9[%get3A_311, %get3A_312] {strides = array<i32>} : memref<256x128xf32, #tpu.memory_space<vmem>>, vector<16xf32>,
      %get3A_314 = arith.index_cast %add3A_287 : i32 to index
      %get3A_315 = arith.constant 48 : index
      %get3A_316 = tpu.vector_load %arg10[%get3A_314, %get3A_315] {strides = array<i32>} : memref<256x128xf32, #tpu.memory_space<vmem>>, vector<16xf32>,
      %mul3A_317 = arith.mulf %get3A_313, %get3A_316 : vector<16xf32>
      %add3A_318 = arith.addf %add3A_310, %mul3A_317 : vector<16xf32>
      %swap3A_319 = arith.constant 51 : index
      %swap3A_320 = tpu.vector_load %arg12[%swap3A_319] {strides = array<i32>} : memref<272xf32, #tpu.memory_space<vmem>>, vector<16xf32>,
      tpu.vector_store %arg12[%swap3A_319], %add3A_318 {strides = array<i32>} : memref<272xf32, #tpu.memory_space<vmem>>, vector<16xf32>,
      %add3A_321 = arith.constant 4 : i32
      %add3A_322 = arith.addi %mul3A_180, %add3A_321 : i32
      %get3A_323 = arith.index_cast %add3A_322 : i32 to index
      %get3A_324 = arith.constant 0 : index
      %get3A_325 = tpu.vector_load %arg9[%get3A_323, %get3A_324] {strides = array<i32>} : memref<256x128xf32, #tpu.memory_space<vmem>>, vector<16xf32>,
      %get3A_326 = arith.index_cast %add3A_322 : i32 to index
      %get3A_327 = arith.constant 0 : index
      %get3A_328 = tpu.vector_load %arg10[%get3A_326, %get3A_327] {strides = array<i32>} : memref<256x128xf32, #tpu.memory_space<vmem>>, vector<16xf32>,
      %mul3A_329 = arith.mulf %get3A_325, %get3A_328 : vector<16xf32>
      %get3A_330 = arith.index_cast %add3A_322 : i32 to index
      %get3A_331 = arith.constant 16 : index
      %get3A_332 = tpu.vector_load %arg9[%get3A_330, %get3A_331] {strides = array<i32>} : memref<256x128xf32, #tpu.memory_space<vmem>>, vector<16xf32>,
      %get3A_333 = arith.index_cast %add3A_322 : i32 to index
      %get3A_334 = arith.constant 16 : index
      %get3A_335 = tpu.vector_load %arg10[%get3A_333, %get3A_334] {strides = array<i32>} : memref<256x128xf32, #tpu.memory_space<vmem>>, vector<16xf32>,
      %mul3A_336 = arith.mulf %get3A_332, %get3A_335 : vector<16xf32>
      %add3A_337 = arith.addf %mul3A_329, %mul3A_336 : vector<16xf32>
      %get3A_338 = arith.index_cast %add3A_322 : i32 to index
      %get3A_339 = arith.constant 32 : index
      %get3A_340 = tpu.vector_load %arg9[%get3A_338, %get3A_339] {strides = array<i32>} : memref<256x128xf32, #tpu.memory_space<vmem>>, vector<16xf32>,
      %get3A_341 = arith.index_cast %add3A_322 : i32 to index
      %get3A_342 = arith.constant 32 : index
      %get3A_343 = tpu.vector_load %arg10[%get3A_341, %get3A_342] {strides = array<i32>} : memref<256x128xf32, #tpu.memory_space<vmem>>, vector<16xf32>,
      %mul3A_344 = arith.mulf %get3A_340, %get3A_343 : vector<16xf32>
      %add3A_345 = arith.addf %add3A_337, %mul3A_344 : vector<16xf32>
      %get3A_346 = arith.index_cast %add3A_322 : i32 to index
      %get3A_347 = arith.constant 48 : index
      %get3A_348 = tpu.vector_load %arg9[%get3A_346, %get3A_347] {strides = array<i32>} : memref<256x128xf32, #tpu.memory_space<vmem>>, vector<16xf32>,
      %get3A_349 = arith.index_cast %add3A_322 : i32 to index
      %get3A_350 = arith.constant 48 : index
      %get3A_351 = tpu.vector_load %arg10[%get3A_349, %get3A_350] {strides = array<i32>} : memref<256x128xf32, #tpu.memory_space<vmem>>, vector<16xf32>,
      %mul3A_352 = arith.mulf %get3A_348, %get3A_351 : vector<16xf32>
      %add3A_353 = arith.addf %add3A_345, %mul3A_352 : vector<16xf32>
      %swap3A_354 = arith.constant 68 : index
      %swap3A_355 = tpu.vector_load %arg12[%swap3A_354] {strides = array<i32>} : memref<272xf32, #tpu.memory_space<vmem>>, vector<16xf32>,
      tpu.vector_store %arg12[%swap3A_354], %add3A_353 {strides = array<i32>} : memref<272xf32, #tpu.memory_space<vmem>>, vector<16xf32>,
      %add3A_356 = arith.constant 5 : i32
      %add3A_357 = arith.addi %mul3A_180, %add3A_356 : i32
      %get3A_358 = arith.index_cast %add3A_357 : i32 to index
      %get3A_359 = arith.constant 0 : index
      %get3A_360 = tpu.vector_load %arg9[%get3A_358, %get3A_359] {strides = array<i32>} : memref<256x128xf32, #tpu.memory_space<vmem>>, vector<16xf32>,
      %get3A_361 = arith.index_cast %add3A_357 : i32 to index
      %get3A_362 = arith.constant 0 : index
      %get3A_363 = tpu.vector_load %arg10[%get3A_361, %get3A_362] {strides = array<i32>} : memref<256x128xf32, #tpu.memory_space<vmem>>, vector<16xf32>,
      %mul3A_364 = arith.mulf %get3A_360, %get3A_363 : vector<16xf32>
      %get3A_365 = arith.index_cast %add3A_357 : i32 to index
      %get3A_366 = arith.constant 16 : index
      %get3A_367 = tpu.vector_load %arg9[%get3A_365, %get3A_366] {strides = array<i32>} : memref<256x128xf32, #tpu.memory_space<vmem>>, vector<16xf32>,
      %get3A_368 = arith.index_cast %add3A_357 : i32 to index
      %get3A_369 = arith.constant 16 : index
      %get3A_370 = tpu.vector_load %arg10[%get3A_368, %get3A_369] {strides = array<i32>} : memref<256x128xf32, #tpu.memory_space<vmem>>, vector<16xf32>,
      %mul3A_371 = arith.mulf %get3A_367, %get3A_370 : vector<16xf32>
      %add3A_372 = arith.addf %mul3A_364, %mul3A_371 : vector<16xf32>
      %get3A_373 = arith.index_cast %add3A_357 : i32 to index
      %get3A_374 = arith.constant 32 : index
      %get3A_375 = tpu.vector_load %arg9[%get3A_373, %get3A_374] {strides = array<i32>} : memref<256x128xf32, #tpu.memory_space<vmem>>, vector<16xf32>,
      %get3A_376 = arith.index_cast %add3A_357 : i32 to index
      %get3A_377 = arith.constant 32 : index
      %get3A_378 = tpu.vector_load %arg10[%get3A_376, %get3A_377] {strides = array<i32>} : memref<256x128xf32, #tpu.memory_space<vmem>>, vector<16xf32>,
      %mul3A_379 = arith.mulf %get3A_375, %get3A_378 : vector<16xf32>
      %add3A_380 = arith.addf %add3A_372, %mul3A_379 : vector<16xf32>
      %get3A_381 = arith.index_cast %add3A_357 : i32 to index
      %get3A_382 = arith.constant 48 : index
      %get3A_383 = tpu.vector_load %arg9[%get3A_381, %get3A_382] {strides = array<i32>} : memref<256x128xf32, #tpu.memory_space<vmem>>, vector<16xf32>,
      %get3A_384 = arith.index_cast %add3A_357 : i32 to index
      %get3A_385 = arith.constant 48 : index
      %get3A_386 = tpu.vector_load %arg10[%get3A_384, %get3A_385] {strides = array<i32>} : memref<256x128xf32, #tpu.memory_space<vmem>>, vector<16xf32>,
      %mul3A_387 = arith.mulf %get3A_383, %get3A_386 : vector<16xf32>
      %add3A_388 = arith.addf %add3A_380, %mul3A_387 : vector<16xf32>
      %swap3A_389 = arith.constant 85 : index
      %swap3A_390 = tpu.vector_load %arg12[%swap3A_389] {strides = array<i32>} : memref<272xf32, #tpu.memory_space<vmem>>, vector<16xf32>,
      tpu.vector_store %arg12[%swap3A_389], %add3A_388 {strides = array<i32>} : memref<272xf32, #tpu.memory_space<vmem>>, vector<16xf32>,
      %add3A_391 = arith.constant 6 : i32
      %add3A_392 = arith.addi %mul3A_180, %add3A_391 : i32
      %get3A_393 = arith.index_cast %add3A_392 : i32 to index
      %get3A_394 = arith.constant 0 : index
      %get3A_395 = tpu.vector_load %arg9[%get3A_393, %get3A_394] {strides = array<i32>} : memref<256x128xf32, #tpu.memory_space<vmem>>, vector<16xf32>,
      %get3A_396 = arith.index_cast %add3A_392 : i32 to index
      %get3A_397 = arith.constant 0 : index
      %get3A_398 = tpu.vector_load %arg10[%get3A_396, %get3A_397] {strides = array<i32>} : memref<256x128xf32, #tpu.memory_space<vmem>>, vector<16xf32>,
      %mul3A_399 = arith.mulf %get3A_395, %get3A_398 : vector<16xf32>
      %get3A_400 = arith.index_cast %add3A_392 : i32 to index
      %get3A_401 = arith.constant 16 : index
      %get3A_402 = tpu.vector_load %arg9[%get3A_400, %get3A_401] {strides = array<i32>} : memref<256x128xf32, #tpu.memory_space<vmem>>, vector<16xf32>,
      %get3A_403 = arith.index_cast %add3A_392 : i32 to index
      %get3A_404 = arith.constant 16 : index
      %get3A_405 = tpu.vector_load %arg10[%get3A_403, %get3A_404] {strides = array<i32>} : memref<256x128xf32, #tpu.memory_space<vmem>>, vector<16xf32>,
      %mul3A_406 = arith.mulf %get3A_402, %get3A_405 : vector<16xf32>
      %add3A_407 = arith.addf %mul3A_399, %mul3A_406 : vector<16xf32>
      %get3A_408 = arith.index_cast %add3A_392 : i32 to index
      %get3A_409 = arith.constant 32 : index
      %get3A_410 = tpu.vector_load %arg9[%get3A_408, %get3A_409] {strides = array<i32>} : memref<256x128xf32, #tpu.memory_space<vmem>>, vector<16xf32>,
      %get3A_411 = arith.index_cast %add3A_392 : i32 to index
      %get3A_412 = arith.constant 32 : index
      %get3A_413 = tpu.vector_load %arg10[%get3A_411, %get3A_412] {strides = array<i32>} : memref<256x128xf32, #tpu.memory_space<vmem>>, vector<16xf32>,
      %mul3A_414 = arith.mulf %get3A_410, %get3A_413 : vector<16xf32>
      %add3A_415 = arith.addf %add3A_407, %mul3A_414 : vector<16xf32>
      %get3A_416 = arith.index_cast %add3A_392 : i32 to index
      %get3A_417 = arith.constant 48 : index
      %get3A_418 = tpu.vector_load %arg9[%get3A_416, %get3A_417] {strides = array<i32>} : memref<256x128xf32, #tpu.memory_space<vmem>>, vector<16xf32>,
      %get3A_419 = arith.index_cast %add3A_392 : i32 to index
      %get3A_420 = arith.constant 48 : index
      %get3A_421 = tpu.vector_load %arg10[%get3A_419, %get3A_420] {strides = array<i32>} : memref<256x128xf32, #tpu.memory_space<vmem>>, vector<16xf32>,
      %mul3A_422 = arith.mulf %get3A_418, %get3A_421 : vector<16xf32>
      %add3A_423 = arith.addf %add3A_415, %mul3A_422 : vector<16xf32>
      %swap3A_424 = arith.constant 102 : index
      %swap3A_425 = tpu.vector_load %arg12[%swap3A_424] {strides = array<i32>} : memref<272xf32, #tpu.memory_space<vmem>>, vector<16xf32>,
      tpu.vector_store %arg12[%swap3A_424], %add3A_423 {strides = array<i32>} : memref<272xf32, #tpu.memory_space<vmem>>, vector<16xf32>,
      %add3A_426 = arith.constant 7 : i32
      %add3A_427 = arith.addi %mul3A_180, %add3A_426 : i32
      %get3A_428 = arith.index_cast %add3A_427 : i32 to index
      %get3A_429 = arith.constant 0 : index
      %get3A_430 = tpu.vector_load %arg9[%get3A_428, %get3A_429] {strides = array<i32>} : memref<256x128xf32, #tpu.memory_space<vmem>>, vector<16xf32>,
      %get3A_431 = arith.index_cast %add3A_427 : i32 to index
      %get3A_432 = arith.constant 0 : index
      %get3A_433 = tpu.vector_load %arg10[%get3A_431, %get3A_432] {strides = array<i32>} : memref<256x128xf32, #tpu.memory_space<vmem>>, vector<16xf32>,
      %mul3A_434 = arith.mulf %get3A_430, %get3A_433 : vector<16xf32>
      %get3A_435 = arith.index_cast %add3A_427 : i32 to index
      %get3A_436 = arith.constant 16 : index
      %get3A_437 = tpu.vector_load %arg9[%get3A_435, %get3A_436] {strides = array<i32>} : memref<256x128xf32, #tpu.memory_space<vmem>>, vector<16xf32>,
      %get3A_438 = arith.index_cast %add3A_427 : i32 to index
      %get3A_439 = arith.constant 16 : index
      %get3A_440 = tpu.vector_load %arg10[%get3A_438, %get3A_439] {strides = array<i32>} : memref<256x128xf32, #tpu.memory_space<vmem>>, vector<16xf32>,
      %mul3A_441 = arith.mulf %get3A_437, %get3A_440 : vector<16xf32>
      %add3A_442 = arith.addf %mul3A_434, %mul3A_441 : vector<16xf32>
      %get3A_443 = arith.index_cast %add3A_427 : i32 to index
      %get3A_444 = arith.constant 32 : index
      %get3A_445 = tpu.vector_load %arg9[%get3A_443, %get3A_444] {strides = array<i32>} : memref<256x128xf32, #tpu.memory_space<vmem>>, vector<16xf32>,
      %get3A_446 = arith.index_cast %add3A_427 : i32 to index
      %get3A_447 = arith.constant 32 : index
      %get3A_448 = tpu.vector_load %arg10[%get3A_446, %get3A_447] {strides = array<i32>} : memref<256x128xf32, #tpu.memory_space<vmem>>, vector<16xf32>,
      %mul3A_449 = arith.mulf %get3A_445, %get3A_448 : vector<16xf32>
      %add3A_450 = arith.addf %add3A_442, %mul3A_449 : vector<16xf32>
      %get3A_451 = arith.index_cast %add3A_427 : i32 to index
      %get3A_452 = arith.constant 48 : index
      %get3A_453 = tpu.vector_load %arg9[%get3A_451, %get3A_452] {strides = array<i32>} : memref<256x128xf32, #tpu.memory_space<vmem>>, vector<16xf32>,
      %get3A_454 = arith.index_cast %add3A_427 : i32 to index
      %get3A_455 = arith.constant 48 : index
      %get3A_456 = tpu.vector_load %arg10[%get3A_454, %get3A_455] {strides = array<i32>} : memref<256x128xf32, #tpu.memory_space<vmem>>, vector<16xf32>,
      %mul3A_457 = arith.mulf %get3A_453, %get3A_456 : vector<16xf32>
      %add3A_458 = arith.addf %add3A_450, %mul3A_457 : vector<16xf32>
      %swap3A_459 = arith.constant 119 : index
      %swap3A_460 = tpu.vector_load %arg12[%swap3A_459] {strides = array<i32>} : memref<272xf32, #tpu.memory_space<vmem>>, vector<16xf32>,
      tpu.vector_store %arg12[%swap3A_459], %add3A_458 {strides = array<i32>} : memref<272xf32, #tpu.memory_space<vmem>>, vector<16xf32>,
      %add3A_461 = arith.constant 8 : i32
      %add3A_462 = arith.addi %mul3A_180, %add3A_461 : i32
      %get3A_463 = arith.index_cast %add3A_462 : i32 to index
      %get3A_464 = arith.constant 0 : index
      %get3A_465 = tpu.vector_load %arg9[%get3A_463, %get3A_464] {strides = array<i32>} : memref<256x128xf32, #tpu.memory_space<vmem>>, vector<16xf32>,
      %get3A_466 = arith.index_cast %add3A_462 : i32 to index
      %get3A_467 = arith.constant 0 : index
      %get3A_468 = tpu.vector_load %arg10[%get3A_466, %get3A_467] {strides = array<i32>} : memref<256x128xf32, #tpu.memory_space<vmem>>, vector<16xf32>,
      %mul3A_469 = arith.mulf %get3A_465, %get3A_468 : vector<16xf32>
      %get3A_470 = arith.index_cast %add3A_462 : i32 to index
      %get3A_471 = arith.constant 16 : index
      %get3A_472 = tpu.vector_load %arg9[%get3A_470, %get3A_471] {strides = array<i32>} : memref<256x128xf32, #tpu.memory_space<vmem>>, vector<16xf32>,
      %get3A_473 = arith.index_cast %add3A_462 : i32 to index
      %get3A_474 = arith.constant 16 : index
      %get3A_475 = tpu.vector_load %arg10[%get3A_473, %get3A_474] {strides = array<i32>} : memref<256x128xf32, #tpu.memory_space<vmem>>, vector<16xf32>,
      %mul3A_476 = arith.mulf %get3A_472, %get3A_475 : vector<16xf32>
      %add3A_477 = arith.addf %mul3A_469, %mul3A_476 : vector<16xf32>
      %get3A_478 = arith.index_cast %add3A_462 : i32 to index
      %get3A_479 = arith.constant 32 : index
      %get3A_480 = tpu.vector_load %arg9[%get3A_478, %get3A_479] {strides = array<i32>} : memref<256x128xf32, #tpu.memory_space<vmem>>, vector<16xf32>,
      %get3A_481 = arith.index_cast %add3A_462 : i32 to index
      %get3A_482 = arith.constant 32 : index
      %get3A_483 = tpu.vector_load %arg10[%get3A_481, %get3A_482] {strides = array<i32>} : memref<256x128xf32, #tpu.memory_space<vmem>>, vector<16xf32>,
      %mul3A_484 = arith.mulf %get3A_480, %get3A_483 : vector<16xf32>
      %add3A_485 = arith.addf %add3A_477, %mul3A_484 : vector<16xf32>
      %get3A_486 = arith.index_cast %add3A_462 : i32 to index
      %get3A_487 = arith.constant 48 : index
      %get3A_488 = tpu.vector_load %arg9[%get3A_486, %get3A_487] {strides = array<i32>} : memref<256x128xf32, #tpu.memory_space<vmem>>, vector<16xf32>,
      %get3A_489 = arith.index_cast %add3A_462 : i32 to index
      %get3A_490 = arith.constant 48 : index
      %get3A_491 = tpu.vector_load %arg10[%get3A_489, %get3A_490] {strides = array<i32>} : memref<256x128xf32, #tpu.memory_space<vmem>>, vector<16xf32>,
      %mul3A_492 = arith.mulf %get3A_488, %get3A_491 : vector<16xf32>
      %add3A_493 = arith.addf %add3A_485, %mul3A_492 : vector<16xf32>
      %swap3A_494 = arith.constant 136 : index
      %swap3A_495 = tpu.vector_load %arg12[%swap3A_494] {strides = array<i32>} : memref<272xf32, #tpu.memory_space<vmem>>, vector<16xf32>,
      tpu.vector_store %arg12[%swap3A_494], %add3A_493 {strides = array<i32>} : memref<272xf32, #tpu.memory_space<vmem>>, vector<16xf32>,
      %add3A_496 = arith.constant 9 : i32
      %add3A_497 = arith.addi %mul3A_180, %add3A_496 : i32
      %get3A_498 = arith.index_cast %add3A_497 : i32 to index
      %get3A_499 = arith.constant 0 : index
      %get3A_500 = tpu.vector_load %arg9[%get3A_498, %get3A_499] {strides = array<i32>} : memref<256x128xf32, #tpu.memory_space<vmem>>, vector<16xf32>,
      %get3A_501 = arith.index_cast %add3A_497 : i32 to index
      %get3A_502 = arith.constant 0 : index
      %get3A_503 = tpu.vector_load %arg10[%get3A_501, %get3A_502] {strides = array<i32>} : memref<256x128xf32, #tpu.memory_space<vmem>>, vector<16xf32>,
      %mul3A_504 = arith.mulf %get3A_500, %get3A_503 : vector<16xf32>
      %get3A_505 = arith.index_cast %add3A_497 : i32 to index
      %get3A_506 = arith.constant 16 : index
      %get3A_507 = tpu.vector_load %arg9[%get3A_505, %get3A_506] {strides = array<i32>} : memref<256x128xf32, #tpu.memory_space<vmem>>, vector<16xf32>,
      %get3A_508 = arith.index_cast %add3A_497 : i32 to index
      %get3A_509 = arith.constant 16 : index
      %get3A_510 = tpu.vector_load %arg10[%get3A_508, %get3A_509] {strides = array<i32>} : memref<256x128xf32, #tpu.memory_space<vmem>>, vector<16xf32>,
      %mul3A_511 = arith.mulf %get3A_507, %get3A_510 : vector<16xf32>
      %add3A_512 = arith.addf %mul3A_504, %mul3A_511 : vector<16xf32>
      %get3A_513 = arith.index_cast %add3A_497 : i32 to index
      %get3A_514 = arith.constant 32 : index
      %get3A_515 = tpu.vector_load %arg9[%get3A_513, %get3A_514] {strides = array<i32>} : memref<256x128xf32, #tpu.memory_space<vmem>>, vector<16xf32>,
      %get3A_516 = arith.index_cast %add3A_497 : i32 to index
      %get3A_517 = arith.constant 32 : index
      %get3A_518 = tpu.vector_load %arg10[%get3A_516, %get3A_517] {strides = array<i32>} : memref<256x128xf32, #tpu.memory_space<vmem>>, vector<16xf32>,
      %mul3A_519 = arith.mulf %get3A_515, %get3A_518 : vector<16xf32>
      %add3A_520 = arith.addf %add3A_512, %mul3A_519 : vector<16xf32>
      %get3A_521 = arith.index_cast %add3A_497 : i32 to index
      %get3A_522 = arith.constant 48 : index
      %get3A_523 = tpu.vector_load %arg9[%get3A_521, %get3A_522] {strides = array<i32>} : memref<256x128xf32, #tpu.memory_space<vmem>>, vector<16xf32>,
      %get3A_524 = arith.index_cast %add3A_497 : i32 to index
      %get3A_525 = arith.constant 48 : index
      %get3A_526 = tpu.vector_load %arg10[%get3A_524, %get3A_525] {strides = array<i32>} : memref<256x128xf32, #tpu.memory_space<vmem>>, vector<16xf32>,
      %mul3A_527 = arith.mulf %get3A_523, %get3A_526 : vector<16xf32>
      %add3A_528 = arith.addf %add3A_520, %mul3A_527 : vector<16xf32>
      %swap3A_529 = arith.constant 153 : index
      %swap3A_530 = tpu.vector_load %arg12[%swap3A_529] {strides = array<i32>} : memref<272xf32, #tpu.memory_space<vmem>>, vector<16xf32>,
      tpu.vector_store %arg12[%swap3A_529], %add3A_528 {strides = array<i32>} : memref<272xf32, #tpu.memory_space<vmem>>, vector<16xf32>,
      %add3A_531 = arith.constant 10 : i32
      %add3A_532 = arith.addi %mul3A_180, %add3A_531 : i32
      %get3A_533 = arith.index_cast %add3A_532 : i32 to index
      %get3A_534 = arith.constant 0 : index
      %get3A_535 = tpu.vector_load %arg9[%get3A_533, %get3A_534] {strides = array<i32>} : memref<256x128xf32, #tpu.memory_space<vmem>>, vector<16xf32>,
      %get3A_536 = arith.index_cast %add3A_532 : i32 to index
      %get3A_537 = arith.constant 0 : index
      %get3A_538 = tpu.vector_load %arg10[%get3A_536, %get3A_537] {strides = array<i32>} : memref<256x128xf32, #tpu.memory_space<vmem>>, vector<16xf32>,
      %mul3A_539 = arith.mulf %get3A_535, %get3A_538 : vector<16xf32>
      %get3A_540 = arith.index_cast %add3A_532 : i32 to index
      %get3A_541 = arith.constant 16 : index
      %get3A_542 = tpu.vector_load %arg9[%get3A_540, %get3A_541] {strides = array<i32>} : memref<256x128xf32, #tpu.memory_space<vmem>>, vector<16xf32>,
      %get3A_543 = arith.index_cast %add3A_532 : i32 to index
      %get3A_544 = arith.constant 16 : index
      %get3A_545 = tpu.vector_load %arg10[%get3A_543, %get3A_544] {strides = array<i32>} : memref<256x128xf32, #tpu.memory_space<vmem>>, vector<16xf32>,
      %mul3A_546 = arith.mulf %get3A_542, %get3A_545 : vector<16xf32>
      %add3A_547 = arith.addf %mul3A_539, %mul3A_546 : vector<16xf32>
      %get3A_548 = arith.index_cast %add3A_532 : i32 to index
      %get3A_549 = arith.constant 32 : index
      %get3A_550 = tpu.vector_load %arg9[%get3A_548, %get3A_549] {strides = array<i32>} : memref<256x128xf32, #tpu.memory_space<vmem>>, vector<16xf32>,
      %get3A_551 = arith.index_cast %add3A_532 : i32 to index
      %get3A_552 = arith.constant 32 : index
      %get3A_553 = tpu.vector_load %arg10[%get3A_551, %get3A_552] {strides = array<i32>} : memref<256x128xf32, #tpu.memory_space<vmem>>, vector<16xf32>,
      %mul3A_554 = arith.mulf %get3A_550, %get3A_553 : vector<16xf32>
      %add3A_555 = arith.addf %add3A_547, %mul3A_554 : vector<16xf32>
      %get3A_556 = arith.index_cast %add3A_532 : i32 to index
      %get3A_557 = arith.constant 48 : index
      %get3A_558 = tpu.vector_load %arg9[%get3A_556, %get3A_557] {strides = array<i32>} : memref<256x128xf32, #tpu.memory_space<vmem>>, vector<16xf32>,
      %get3A_559 = arith.index_cast %add3A_532 : i32 to index
      %get3A_560 = arith.constant 48 : index
      %get3A_561 = tpu.vector_load %arg10[%get3A_559, %get3A_560] {strides = array<i32>} : memref<256x128xf32, #tpu.memory_space<vmem>>, vector<16xf32>,
      %mul3A_562 = arith.mulf %get3A_558, %get3A_561 : vector<16xf32>
      %add3A_563 = arith.addf %add3A_555, %mul3A_562 : vector<16xf32>
      %swap3A_564 = arith.constant 170 : index
      %swap3A_565 = tpu.vector_load %arg12[%swap3A_564] {strides = array<i32>} : memref<272xf32, #tpu.memory_space<vmem>>, vector<16xf32>,
      tpu.vector_store %arg12[%swap3A_564], %add3A_563 {strides = array<i32>} : memref<272xf32, #tpu.memory_space<vmem>>, vector<16xf32>,
      %add3A_566 = arith.constant 11 : i32
      %add3A_567 = arith.addi %mul3A_180, %add3A_566 : i32
      %get3A_568 = arith.index_cast %add3A_567 : i32 to index
      %get3A_569 = arith.constant 0 : index
      %get3A_570 = tpu.vector_load %arg9[%get3A_568, %get3A_569] {strides = array<i32>} : memref<256x128xf32, #tpu.memory_space<vmem>>, vector<16xf32>,
      %get3A_571 = arith.index_cast %add3A_567 : i32 to index
      %get3A_572 = arith.constant 0 : index
      %get3A_573 = tpu.vector_load %arg10[%get3A_571, %get3A_572] {strides = array<i32>} : memref<256x128xf32, #tpu.memory_space<vmem>>, vector<16xf32>,
      %mul3A_574 = arith.mulf %get3A_570, %get3A_573 : vector<16xf32>
      %get3A_575 = arith.index_cast %add3A_567 : i32 to index
      %get3A_576 = arith.constant 16 : index
      %get3A_577 = tpu.vector_load %arg9[%get3A_575, %get3A_576] {strides = array<i32>} : memref<256x128xf32, #tpu.memory_space<vmem>>, vector<16xf32>,
      %get3A_578 = arith.index_cast %add3A_567 : i32 to index
      %get3A_579 = arith.constant 16 : index
      %get3A_580 = tpu.vector_load %arg10[%get3A_578, %get3A_579] {strides = array<i32>} : memref<256x128xf32, #tpu.memory_space<vmem>>, vector<16xf32>,
      %mul3A_581 = arith.mulf %get3A_577, %get3A_580 : vector<16xf32>
      %add3A_582 = arith.addf %mul3A_574, %mul3A_581 : vector<16xf32>
      %get3A_583 = arith.index_cast %add3A_567 : i32 to index
      %get3A_584 = arith.constant 32 : index
      %get3A_585 = tpu.vector_load %arg9[%get3A_583, %get3A_584] {strides = array<i32>} : memref<256x128xf32, #tpu.memory_space<vmem>>, vector<16xf32>,
      %get3A_586 = arith.index_cast %add3A_567 : i32 to index
      %get3A_587 = arith.constant 32 : index
      %get3A_588 = tpu.vector_load %arg10[%get3A_586, %get3A_587] {strides = array<i32>} : memref<256x128xf32, #tpu.memory_space<vmem>>, vector<16xf32>,
      %mul3A_589 = arith.mulf %get3A_585, %get3A_588 : vector<16xf32>
      %add3A_590 = arith.addf %add3A_582, %mul3A_589 : vector<16xf32>
      %get3A_591 = arith.index_cast %add3A_567 : i32 to index
      %get3A_592 = arith.constant 48 : index
      %get3A_593 = tpu.vector_load %arg9[%get3A_591, %get3A_592] {strides = array<i32>} : memref<256x128xf32, #tpu.memory_space<vmem>>, vector<16xf32>,
      %get3A_594 = arith.index_cast %add3A_567 : i32 to index
      %get3A_595 = arith.constant 48 : index
      %get3A_596 = tpu.vector_load %arg10[%get3A_594, %get3A_595] {strides = array<i32>} : memref<256x128xf32, #tpu.memory_space<vmem>>, vector<16xf32>,
      %mul3A_597 = arith.mulf %get3A_593, %get3A_596 : vector<16xf32>
      %add3A_598 = arith.addf %add3A_590, %mul3A_597 : vector<16xf32>
      %swap3A_599 = arith.constant 187 : index
      %swap3A_600 = tpu.vector_load %arg12[%swap3A_599] {strides = array<i32>} : memref<272xf32, #tpu.memory_space<vmem>>, vector<16xf32>,
      tpu.vector_store %arg12[%swap3A_599], %add3A_598 {strides = array<i32>} : memref<272xf32, #tpu.memory_space<vmem>>, vector<16xf32>,
      %add3A_601 = arith.constant 12 : i32
      %add3A_602 = arith.addi %mul3A_180, %add3A_601 : i32
      %get3A_603 = arith.index_cast %add3A_602 : i32 to index
      %get3A_604 = arith.constant 0 : index
      %get3A_605 = tpu.vector_load %arg9[%get3A_603, %get3A_604] {strides = array<i32>} : memref<256x128xf32, #tpu.memory_space<vmem>>, vector<16xf32>,
      %get3A_606 = arith.index_cast %add3A_602 : i32 to index
      %get3A_607 = arith.constant 0 : index
      %get3A_608 = tpu.vector_load %arg10[%get3A_606, %get3A_607] {strides = array<i32>} : memref<256x128xf32, #tpu.memory_space<vmem>>, vector<16xf32>,
      %mul3A_609 = arith.mulf %get3A_605, %get3A_608 : vector<16xf32>
      %get3A_610 = arith.index_cast %add3A_602 : i32 to index
      %get3A_611 = arith.constant 16 : index
      %get3A_612 = tpu.vector_load %arg9[%get3A_610, %get3A_611] {strides = array<i32>} : memref<256x128xf32, #tpu.memory_space<vmem>>, vector<16xf32>,
      %get3A_613 = arith.index_cast %add3A_602 : i32 to index
      %get3A_614 = arith.constant 16 : index
      %get3A_615 = tpu.vector_load %arg10[%get3A_613, %get3A_614] {strides = array<i32>} : memref<256x128xf32, #tpu.memory_space<vmem>>, vector<16xf32>,
      %mul3A_616 = arith.mulf %get3A_612, %get3A_615 : vector<16xf32>
      %add3A_617 = arith.addf %mul3A_609, %mul3A_616 : vector<16xf32>
      %get3A_618 = arith.index_cast %add3A_602 : i32 to index
      %get3A_619 = arith.constant 32 : index
      %get3A_620 = tpu.vector_load %arg9[%get3A_618, %get3A_619] {strides = array<i32>} : memref<256x128xf32, #tpu.memory_space<vmem>>, vector<16xf32>,
      %get3A_621 = arith.index_cast %add3A_602 : i32 to index
      %get3A_622 = arith.constant 32 : index
      %get3A_623 = tpu.vector_load %arg10[%get3A_621, %get3A_622] {strides = array<i32>} : memref<256x128xf32, #tpu.memory_space<vmem>>, vector<16xf32>,
      %mul3A_624 = arith.mulf %get3A_620, %get3A_623 : vector<16xf32>
      %add3A_625 = arith.addf %add3A_617, %mul3A_624 : vector<16xf32>
      %get3A_626 = arith.index_cast %add3A_602 : i32 to index
      %get3A_627 = arith.constant 48 : index
      %get3A_628 = tpu.vector_load %arg9[%get3A_626, %get3A_627] {strides = array<i32>} : memref<256x128xf32, #tpu.memory_space<vmem>>, vector<16xf32>,
      %get3A_629 = arith.index_cast %add3A_602 : i32 to index
      %get3A_630 = arith.constant 48 : index
      %get3A_631 = tpu.vector_load %arg10[%get3A_629, %get3A_630] {strides = array<i32>} : memref<256x128xf32, #tpu.memory_space<vmem>>, vector<16xf32>,
      %mul3A_632 = arith.mulf %get3A_628, %get3A_631 : vector<16xf32>
      %add3A_633 = arith.addf %add3A_625, %mul3A_632 : vector<16xf32>
      %swap3A_634 = arith.constant 204 : index
      %swap3A_635 = tpu.vector_load %arg12[%swap3A_634] {strides = array<i32>} : memref<272xf32, #tpu.memory_space<vmem>>, vector<16xf32>,
      tpu.vector_store %arg12[%swap3A_634], %add3A_633 {strides = array<i32>} : memref<272xf32, #tpu.memory_space<vmem>>, vector<16xf32>,
      %add3A_636 = arith.constant 13 : i32
      %add3A_637 = arith.addi %mul3A_180, %add3A_636 : i32
      %get3A_638 = arith.index_cast %add3A_637 : i32 to index
      %get3A_639 = arith.constant 0 : index
      %get3A_640 = tpu.vector_load %arg9[%get3A_638, %get3A_639] {strides = array<i32>} : memref<256x128xf32, #tpu.memory_space<vmem>>, vector<16xf32>,
      %get3A_641 = arith.index_cast %add3A_637 : i32 to index
      %get3A_642 = arith.constant 0 : index
      %get3A_643 = tpu.vector_load %arg10[%get3A_641, %get3A_642] {strides = array<i32>} : memref<256x128xf32, #tpu.memory_space<vmem>>, vector<16xf32>,
      %mul3A_644 = arith.mulf %get3A_640, %get3A_643 : vector<16xf32>
      %get3A_645 = arith.index_cast %add3A_637 : i32 to index
      %get3A_646 = arith.constant 16 : index
      %get3A_647 = tpu.vector_load %arg9[%get3A_645, %get3A_646] {strides = array<i32>} : memref<256x128xf32, #tpu.memory_space<vmem>>, vector<16xf32>,
      %get3A_648 = arith.index_cast %add3A_637 : i32 to index
      %get3A_649 = arith.constant 16 : index
      %get3A_650 = tpu.vector_load %arg10[%get3A_648, %get3A_649] {strides = array<i32>} : memref<256x128xf32, #tpu.memory_space<vmem>>, vector<16xf32>,
      %mul3A_651 = arith.mulf %get3A_647, %get3A_650 : vector<16xf32>
      %add3A_652 = arith.addf %mul3A_644, %mul3A_651 : vector<16xf32>
      %get3A_653 = arith.index_cast %add3A_637 : i32 to index
      %get3A_654 = arith.constant 32 : index
      %get3A_655 = tpu.vector_load %arg9[%get3A_653, %get3A_654] {strides = array<i32>} : memref<256x128xf32, #tpu.memory_space<vmem>>, vector<16xf32>,
      %get3A_656 = arith.index_cast %add3A_637 : i32 to index
      %get3A_657 = arith.constant 32 : index
      %get3A_658 = tpu.vector_load %arg10[%get3A_656, %get3A_657] {strides = array<i32>} : memref<256x128xf32, #tpu.memory_space<vmem>>, vector<16xf32>,
      %mul3A_659 = arith.mulf %get3A_655, %get3A_658 : vector<16xf32>
      %add3A_660 = arith.addf %add3A_652, %mul3A_659 : vector<16xf32>
      %get3A_661 = arith.index_cast %add3A_637 : i32 to index
      %get3A_662 = arith.constant 48 : index
      %get3A_663 = tpu.vector_load %arg9[%get3A_661, %get3A_662] {strides = array<i32>} : memref<256x128xf32, #tpu.memory_space<vmem>>, vector<16xf32>,
      %get3A_664 = arith.index_cast %add3A_637 : i32 to index
      %get3A_665 = arith.constant 48 : index
      %get3A_666 = tpu.vector_load %arg10[%get3A_664, %get3A_665] {strides = array<i32>} : memref<256x128xf32, #tpu.memory_space<vmem>>, vector<16xf32>,
      %mul3A_667 = arith.mulf %get3A_663, %get3A_666 : vector<16xf32>
      %add3A_668 = arith.addf %add3A_660, %mul3A_667 : vector<16xf32>
      %swap3A_669 = arith.constant 221 : index
      %swap3A_670 = tpu.vector_load %arg12[%swap3A_669] {strides = array<i32>} : memref<272xf32, #tpu.memory_space<vmem>>, vector<16xf32>,
      tpu.vector_store %arg12[%swap3A_669], %add3A_668 {strides = array<i32>} : memref<272xf32, #tpu.memory_space<vmem>>, vector<16xf32>,
      %add3A_671 = arith.constant 14 : i32
      %add3A_672 = arith.addi %mul3A_180, %add3A_671 : i32
      %get3A_673 = arith.index_cast %add3A_672 : i32 to index
      %get3A_674 = arith.constant 0 : index
      %get3A_675 = tpu.vector_load %arg9[%get3A_673, %get3A_674] {strides = array<i32>} : memref<256x128xf32, #tpu.memory_space<vmem>>, vector<16xf32>,
      %get3A_676 = arith.index_cast %add3A_672 : i32 to index
      %get3A_677 = arith.constant 0 : index
      %get3A_678 = tpu.vector_load %arg10[%get3A_676, %get3A_677] {strides = array<i32>} : memref<256x128xf32, #tpu.memory_space<vmem>>, vector<16xf32>,
      %mul3A_679 = arith.mulf %get3A_675, %get3A_678 : vector<16xf32>
      %get3A_680 = arith.index_cast %add3A_672 : i32 to index
      %get3A_681 = arith.constant 16 : index
      %get3A_682 = tpu.vector_load %arg9[%get3A_680, %get3A_681] {strides = array<i32>} : memref<256x128xf32, #tpu.memory_space<vmem>>, vector<16xf32>,
      %get3A_683 = arith.index_cast %add3A_672 : i32 to index
      %get3A_684 = arith.constant 16 : index
      %get3A_685 = tpu.vector_load %arg10[%get3A_683, %get3A_684] {strides = array<i32>} : memref<256x128xf32, #tpu.memory_space<vmem>>, vector<16xf32>,
      %mul3A_686 = arith.mulf %get3A_682, %get3A_685 : vector<16xf32>
      %add3A_687 = arith.addf %mul3A_679, %mul3A_686 : vector<16xf32>
      %get3A_688 = arith.index_cast %add3A_672 : i32 to index
      %get3A_689 = arith.constant 32 : index
      %get3A_690 = tpu.vector_load %arg9[%get3A_688, %get3A_689] {strides = array<i32>} : memref<256x128xf32, #tpu.memory_space<vmem>>, vector<16xf32>,
      %get3A_691 = arith.index_cast %add3A_672 : i32 to index
      %get3A_692 = arith.constant 32 : index
      %get3A_693 = tpu.vector_load %arg10[%get3A_691, %get3A_692] {strides = array<i32>} : memref<256x128xf32, #tpu.memory_space<vmem>>, vector<16xf32>,
      %mul3A_694 = arith.mulf %get3A_690, %get3A_693 : vector<16xf32>
      %add3A_695 = arith.addf %add3A_687, %mul3A_694 : vector<16xf32>
      %get3A_696 = arith.index_cast %add3A_672 : i32 to index
      %get3A_697 = arith.constant 48 : index
      %get3A_698 = tpu.vector_load %arg9[%get3A_696, %get3A_697] {strides = array<i32>} : memref<256x128xf32, #tpu.memory_space<vmem>>, vector<16xf32>,
      %get3A_699 = arith.index_cast %add3A_672 : i32 to index
      %get3A_700 = arith.constant 48 : index
      %get3A_701 = tpu.vector_load %arg10[%get3A_699, %get3A_700] {strides = array<i32>} : memref<256x128xf32, #tpu.memory_space<vmem>>, vector<16xf32>,
      %mul3A_702 = arith.mulf %get3A_698, %get3A_701 : vector<16xf32>
      %add3A_703 = arith.addf %add3A_695, %mul3A_702 : vector<16xf32>
      %swap3A_704 = arith.constant 238 : index
      %swap3A_705 = tpu.vector_load %arg12[%swap3A_704] {strides = array<i32>} : memref<272xf32, #tpu.memory_space<vmem>>, vector<16xf32>,
      tpu.vector_store %arg12[%swap3A_704], %add3A_703 {strides = array<i32>} : memref<272xf32, #tpu.memory_space<vmem>>, vector<16xf32>,
      %add3A_706 = arith.constant 15 : i32
      %add3A_707 = arith.addi %mul3A_180, %add3A_706 : i32
      %get3A_708 = arith.index_cast %add3A_707 : i32 to index
      %get3A_709 = arith.constant 0 : index
      %get3A_710 = tpu.vector_load %arg9[%get3A_708, %get3A_709] {strides = array<i32>} : memref<256x128xf32, #tpu.memory_space<vmem>>, vector<16xf32>,
      %get3A_711 = arith.index_cast %add3A_707 : i32 to index
      %get3A_712 = arith.constant 0 : index
      %get3A_713 = tpu.vector_load %arg10[%get3A_711, %get3A_712] {strides = array<i32>} : memref<256x128xf32, #tpu.memory_space<vmem>>, vector<16xf32>,
      %mul3A_714 = arith.mulf %get3A_710, %get3A_713 : vector<16xf32>
      %get3A_715 = arith.index_cast %add3A_707 : i32 to index
      %get3A_716 = arith.constant 16 : index
      %get3A_717 = tpu.vector_load %arg9[%get3A_715, %get3A_716] {strides = array<i32>} : memref<256x128xf32, #tpu.memory_space<vmem>>, vector<16xf32>,
      %get3A_718 = arith.index_cast %add3A_707 : i32 to index
      %get3A_719 = arith.constant 16 : index
      %get3A_720 = tpu.vector_load %arg10[%get3A_718, %get3A_719] {strides = array<i32>} : memref<256x128xf32, #tpu.memory_space<vmem>>, vector<16xf32>,
      %mul3A_721 = arith.mulf %get3A_717, %get3A_720 : vector<16xf32>
      %add3A_722 = arith.addf %mul3A_714, %mul3A_721 : vector<16xf32>
      %get3A_723 = arith.index_cast %add3A_707 : i32 to index
      %get3A_724 = arith.constant 32 : index
      %get3A_725 = tpu.vector_load %arg9[%get3A_723, %get3A_724] {strides = array<i32>} : memref<256x128xf32, #tpu.memory_space<vmem>>, vector<16xf32>,
      %get3A_726 = arith.index_cast %add3A_707 : i32 to index
      %get3A_727 = arith.constant 32 : index
      %get3A_728 = tpu.vector_load %arg10[%get3A_726, %get3A_727] {strides = array<i32>} : memref<256x128xf32, #tpu.memory_space<vmem>>, vector<16xf32>,
      %mul3A_729 = arith.mulf %get3A_725, %get3A_728 : vector<16xf32>
      %add3A_730 = arith.addf %add3A_722, %mul3A_729 : vector<16xf32>
      %get3A_731 = arith.index_cast %add3A_707 : i32 to index
      %get3A_732 = arith.constant 48 : index
      %get3A_733 = tpu.vector_load %arg9[%get3A_731, %get3A_732] {strides = array<i32>} : memref<256x128xf32, #tpu.memory_space<vmem>>, vector<16xf32>,
      %get3A_734 = arith.index_cast %add3A_707 : i32 to index
      %get3A_735 = arith.constant 48 : index
      %get3A_736 = tpu.vector_load %arg10[%get3A_734, %get3A_735] {strides = array<i32>} : memref<256x128xf32, #tpu.memory_space<vmem>>, vector<16xf32>,
      %mul3A_737 = arith.mulf %get3A_733, %get3A_736 : vector<16xf32>
      %add3A_738 = arith.addf %add3A_730, %mul3A_737 : vector<16xf32>
      %swap3A_739 = arith.constant 255 : index
      %swap3A_740 = tpu.vector_load %arg12[%swap3A_739] {strides = array<i32>} : memref<272xf32, #tpu.memory_space<vmem>>, vector<16xf32>,
      tpu.vector_store %arg12[%swap3A_739], %add3A_738 {strides = array<i32>} : memref<272xf32, #tpu.memory_space<vmem>>, vector<16xf32>,
      %gather3A = tpu.vector_load_idx %arg12[%mul3A_5] : memref<272xf32, #tpu.memory_space<vmem>>[vector<16xi32>], vector<16xf32>,
      %add3A_741 = arith.constant 1 : i32
      %add3A_742 = vector.broadcast %add3A_741 : i32 to vector<16xi32>
      %add3A_743 = arith.addi %mul3A_5, %add3A_742 : vector<16xi32>
      %gather3A_744 = tpu.vector_load_idx %arg12[%add3A_743] : memref<272xf32, #tpu.memory_space<vmem>>[vector<16xi32>], vector<16xf32>,
      %add3A_745 = arith.addf %gather3A, %gather3A_744 : vector<16xf32>
      %add3A_746 = arith.constant 2 : i32
      %add3A_747 = vector.broadcast %add3A_746 : i32 to vector<16xi32>
      %add3A_748 = arith.addi %mul3A_5, %add3A_747 : vector<16xi32>
      %gather3A_749 = tpu.vector_load_idx %arg12[%add3A_748] : memref<272xf32, #tpu.memory_space<vmem>>[vector<16xi32>], vector<16xf32>,
      %add3A_750 = arith.addf %add3A_745, %gather3A_749 : vector<16xf32>
      %add3A_751 = arith.constant 3 : i32
      %add3A_752 = vector.broadcast %add3A_751 : i32 to vector<16xi32>
      %add3A_753 = arith.addi %mul3A_5, %add3A_752 : vector<16xi32>
      %gather3A_754 = tpu.vector_load_idx %arg12[%add3A_753] : memref<272xf32, #tpu.memory_space<vmem>>[vector<16xi32>], vector<16xf32>,
      %add3A_755 = arith.addf %add3A_750, %gather3A_754 : vector<16xf32>
      %add3A_756 = arith.constant 4 : i32
      %add3A_757 = vector.broadcast %add3A_756 : i32 to vector<16xi32>
      %add3A_758 = arith.addi %mul3A_5, %add3A_757 : vector<16xi32>
      %gather3A_759 = tpu.vector_load_idx %arg12[%add3A_758] : memref<272xf32, #tpu.memory_space<vmem>>[vector<16xi32>], vector<16xf32>,
      %add3A_760 = arith.addf %add3A_755, %gather3A_759 : vector<16xf32>
      %add3A_761 = arith.constant 5 : i32
      %add3A_762 = vector.broadcast %add3A_761 : i32 to vector<16xi32>
      %add3A_763 = arith.addi %mul3A_5, %add3A_762 : vector<16xi32>
      %gather3A_764 = tpu.vector_load_idx %arg12[%add3A_763] : memref<272xf32, #tpu.memory_space<vmem>>[vector<16xi32>], vector<16xf32>,
      %add3A_765 = arith.addf %add3A_760, %gather3A_764 : vector<16xf32>
      %add3A_766 = arith.constant 6 : i32
      %add3A_767 = vector.broadcast %add3A_766 : i32 to vector<16xi32>
      %add3A_768 = arith.addi %mul3A_5, %add3A_767 : vector<16xi32>
      %gather3A_769 = tpu.vector_load_idx %arg12[%add3A_768] : memref<272xf32, #tpu.memory_space<vmem>>[vector<16xi32>], vector<16xf32>,
      %add3A_770 = arith.addf %add3A_765, %gather3A_769 : vector<16xf32>
      %add3A_771 = arith.constant 7 : i32
      %add3A_772 = vector.broadcast %add3A_771 : i32 to vector<16xi32>
      %add3A_773 = arith.addi %mul3A_5, %add3A_772 : vector<16xi32>
      %gather3A_774 = tpu.vector_load_idx %arg12[%add3A_773] : memref<272xf32, #tpu.memory_space<vmem>>[vector<16xi32>], vector<16xf32>,
      %add3A_775 = arith.addf %add3A_770, %gather3A_774 : vector<16xf32>
      %add3A_776 = arith.constant 8 : i32
      %add3A_777 = vector.broadcast %add3A_776 : i32 to vector<16xi32>
      %add3A_778 = arith.addi %mul3A_5, %add3A_777 : vector<16xi32>
      %gather3A_779 = tpu.vector_load_idx %arg12[%add3A_778] : memref<272xf32, #tpu.memory_space<vmem>>[vector<16xi32>], vector<16xf32>,
      %add3A_780 = arith.addf %add3A_775, %gather3A_779 : vector<16xf32>
      %add3A_781 = arith.constant 9 : i32
      %add3A_782 = vector.broadcast %add3A_781 : i32 to vector<16xi32>
      %add3A_783 = arith.addi %mul3A_5, %add3A_782 : vector<16xi32>
      %gather3A_784 = tpu.vector_load_idx %arg12[%add3A_783] : memref<272xf32, #tpu.memory_space<vmem>>[vector<16xi32>], vector<16xf32>,
      %add3A_785 = arith.addf %add3A_780, %gather3A_784 : vector<16xf32>
      %add3A_786 = arith.constant 10 : i32
      %add3A_787 = vector.broadcast %add3A_786 : i32 to vector<16xi32>
      %add3A_788 = arith.addi %mul3A_5, %add3A_787 : vector<16xi32>
      %gather3A_789 = tpu.vector_load_idx %arg12[%add3A_788] : memref<272xf32, #tpu.memory_space<vmem>>[vector<16xi32>], vector<16xf32>,
      %add3A_790 = arith.addf %add3A_785, %gather3A_789 : vector<16xf32>
      %add3A_791 = arith.constant 11 : i32
      %add3A_792 = vector.broadcast %add3A_791 : i32 to vector<16xi32>
      %add3A_793 = arith.addi %mul3A_5, %add3A_792 : vector<16xi32>
      %gather3A_794 = tpu.vector_load_idx %arg12[%add3A_793] : memref<272xf32, #tpu.memory_space<vmem>>[vector<16xi32>], vector<16xf32>,
      %add3A_795 = arith.addf %add3A_790, %gather3A_794 : vector<16xf32>
      %add3A_796 = arith.constant 12 : i32
      %add3A_797 = vector.broadcast %add3A_796 : i32 to vector<16xi32>
      %add3A_798 = arith.addi %mul3A_5, %add3A_797 : vector<16xi32>
      %gather3A_799 = tpu.vector_load_idx %arg12[%add3A_798] : memref<272xf32, #tpu.memory_space<vmem>>[vector<16xi32>], vector<16xf32>,
      %add3A_800 = arith.addf %add3A_795, %gather3A_799 : vector<16xf32>
      %add3A_801 = arith.constant 13 : i32
      %add3A_802 = vector.broadcast %add3A_801 : i32 to vector<16xi32>
      %add3A_803 = arith.addi %mul3A_5, %add3A_802 : vector<16xi32>
      %gather3A_804 = tpu.vector_load_idx %arg12[%add3A_803] : memref<272xf32, #tpu.memory_space<vmem>>[vector<16xi32>], vector<16xf32>,
      %add3A_805 = arith.addf %add3A_800, %gather3A_804 : vector<16xf32>
      %add3A_806 = arith.constant 14 : i32
      %add3A_807 = vector.broadcast %add3A_806 : i32 to vector<16xi32>
      %add3A_808 = arith.addi %mul3A_5, %add3A_807 : vector<16xi32>
      %gather3A_809 = tpu.vector_load_idx %arg12[%add3A_808] : memref<272xf32, #tpu.memory_space<vmem>>[vector<16xi32>], vector<16xf32>,
      %add3A_810 = arith.addf %add3A_805, %gather3A_809 : vector<16xf32>
      %add3A_811 = arith.constant 15 : i32
      %add3A_812 = vector.broadcast %add3A_811 : i32 to vector<16xi32>
      %add3A_813 = arith.addi %mul3A_5, %add3A_812 : vector<16xi32>
      %gather3A_814 = tpu.vector_load_idx %arg12[%add3A_813] : memref<272xf32, #tpu.memory_space<vmem>>[vector<16xi32>], vector<16xf32>,
      %add3A_815 = arith.addf %add3A_810, %gather3A_814 : vector<16xf32>
      %neg3A = arith.constant 0.000000e+00 : f32
      %neg3A_816 = vector.broadcast %neg3A : f32 to vector<16xf32>
      %neg3A_817 = arith.subf %neg3A_816, %add3A_815 : vector<16xf32>
      %exp3A = math.exp %neg3A_817 : vector<16xf32>
      %add3A_818 = arith.constant 1.000000e+00 : f32
      %add3A_819 = vector.broadcast %add3A_818 : f32 to vector<16xf32>
      %add3A_820 = arith.addf %add3A_819, %exp3A : vector<16xf32>
      %div3A = arith.constant 1.000000e+00 : f32
      %div3A_821 = vector.broadcast %div3A : f32 to vector<16xf32>
      %div3A_822 = arith.divf %div3A_821, %add3A_820 : vector<16xf32>
      %swap3A_823 = arith.index_cast %add3A_182 : i32 to index
      %swap3A_824 = tpu.vector_load %arg11[%swap3A_823] {strides = array<i32>} : memref<512xf32, #tpu.memory_space<vmem>>, vector<16xf32>,
      tpu.vector_store %arg11[%swap3A_823], %div3A_822 {strides = array<i32>} : memref<512xf32, #tpu.memory_space<vmem>>, vector<16xf32>,
      %scan3A_825 = arith.constant 0 : i32
      scf.yield %scan3A_825 : i32
    }
    %scan3A_176 = arith.constant 16 : i32
    "tpu.region"() ({
      %run_scoped3A = tpu.sem_alloc : memref<!tpu.dma_semaphore, #tpu.memory_space<semaphore_mem>>
      %dma_start3A_177 = tpu.memref_slice %arg6[%mul3A_2] : memref<16384xf32, #tpu.memory_space<hbm>> -> memref<512xf32, #tpu.memory_space<hbm>>
      %dma_start3A_178 = tpu.memref_slice %arg6[%mul3A_2] : memref<16384xf32, #tpu.memory_space<hbm>> -> memref<512xf32, #tpu.memory_space<hbm>>
      tpu.enqueue_dma source(%arg11 : memref<512xf32, #tpu.memory_space<vmem>>) target(%dma_start3A_178 : memref<512xf32, #tpu.memory_space<hbm>>) target_semaphore(%run_scoped3A : memref<!tpu.dma_semaphore, #tpu.memory_space<semaphore_mem>>)
      %dma_wait3A_179 = tpu.memref_slice %arg6[%mul3A_2] : memref<16384xf32, #tpu.memory_space<hbm>> -> memref<512xf32, #tpu.memory_space<hbm>>
      %dma_wait3A_180 = tpu.memref_slice %arg6[%mul3A_2] : memref<16384xf32, #tpu.memory_space<hbm>> -> memref<512xf32, #tpu.memory_space<hbm>>
      tpu.wait_dma2 semaphore(%run_scoped3A : memref<!tpu.dma_semaphore, #tpu.memory_space<semaphore_mem>>) src(%arg11 : memref<512xf32, #tpu.memory_space<vmem>>) dst(%dma_wait3A_180 : memref<512xf32, #tpu.memory_space<hbm>>)
      tpu.yield
    }) : () -> ()
    return
  }
}

module attributes {stable_mosaic.version = 14 : i64} {
  func.func @_pad_pack_body(%arg0: i32, %arg1: memref<64x256xf32, #tpu.memory_space<vmem>>, %arg2: memref<256x128xf32, #tpu.memory_space<vmem>>) attributes {dimension_semantics = [#tpu.dimension_semantics<arbitrary>], iteration_bounds = array<i64: 3907>, scalar_prefetch = 0 : i64, scratch_operands = 0 : i64, tpu.core_type = #tpu.core_type<tc>, window_params = [{transform_indices = @transform_0, window_bounds = array<i64: 64, 256>}, {transform_indices = @transform_1, window_bounds = array<i64: 256, 128>}]} {
    %get3A = arith.constant 0 : index
    %get3A_0 = arith.constant 0 : index
    %get3A_1 = vector.load %arg1[%get3A, %get3A_0] : memref<64x256xf32, #tpu.memory_space<vmem>>, vector<64x256xf32>
    %transpose3A = tpu.transpose %get3A_1, [1, 0] : vector<64x256xf32> -> vector<256x64xf32>
    %broadcast_in_dim3A = arith.constant 0.000000e+00 : f32
    %broadcast_in_dim3A_2 = vector.broadcast %broadcast_in_dim3A : f32 to vector<256x64xf32>
    %concatenate3A = tpu.concatenate %transpose3A, %broadcast_in_dim3A_2 in 1 : vector<256x64xf32>, vector<256x64xf32> -> vector<256x128xf32>
    %swap3A = arith.constant 0 : index
    %swap3A_3 = arith.constant 0 : index
    %swap3A_4 = vector.load %arg2[%swap3A, %swap3A_3] : memref<256x128xf32, #tpu.memory_space<vmem>>, vector<256x128xf32>
    tpu.vector_store %arg2[%swap3A, %swap3A_3], %concatenate3A {strides = array<i32>} : memref<256x128xf32, #tpu.memory_space<vmem>>, vector<256x128xf32>,
    return
  }
  func.func @transform_0(%arg0: i32) -> (i32, i32) {
    %c0_i32 = arith.constant 0 : i32
    %c0_i32_0 = arith.constant 0 : i32
    return %c0_i32, %arg0 : i32, i32
  }
  func.func @transform_1(%arg0: i32) -> (i32, i32) {
    %c0_i32 = arith.constant 0 : i32
    %c0_i32_0 = arith.constant 0 : i32
    return %arg0, %c0_i32 : i32, i32
  }
}

</mosaic_0001>

<sc_bundles>
// kernel: kernel.4.cloned.1.call-start
scs
__scs_entry_jumppad:
0x0: {  	(pc) =	sbr.rel $0x88, $3  }
0x1: {  	(tag) =	ssettag $0x0;
	lr =	simm.s32 $0x1  }
0x2: {  	[smem:$0x3F9D] =	sst lr;
	_ =	strace $0xD0000000  }
0x3: {  	_ = 	snop  }
0x4: {  	_ = 	snop  }
0x5: {  	_ = 	snop  }
0x6: {  	_ = 	snop  }
0x7: {  	_ = 	snop  }
__scs_overlays_trampoline_lowered:
0x8: {  	[smem:$0x3FAC] =	sst s0  }
0x9: {  	[smem:$0x3FAD] =	sst s1  }
0xa: {  	[smem:$0x3FAE] =	sst s2  }
0xb: {  	[smem:$0x3FAF] =	sst s3  }
0xc: {  	[smem:$0x3FB0] =	sst s4  }
0xd: {  	[smem:$0x3FB1] =	sst s5  }
0xe: {  	[smem:$0x3FB2] =	sst s6  }
0xf: {  	[smem:$0x3FB3] =	sst s7  }
0x10: {  	[smem:$0x3FB4] =	sst s8  }
0x11: {  	[smem:$0x3FB5] =	sst s9;
	s0 =	simm.s32 @!p0 $0x0  }
0x12: {  	s1 =	sld [smem:$0x3F9B];
	s0 =	simm.s32 @p0 $0x1  }
0x13: {  	[smem:$0x3FB6] =	sst s0;
	s0 =	simm.s32 @!p1 $0x0  }
0x14: {  	s2 =	sld [smem:$0x3F9A];
	s0 =	simm.s32 @p1 $0x1  }
0x15: {  	[smem:$0x3FB7] =	sst s0;
	s0 =	simm.s32 @!p2 $0x0  }
0x16: {  	s3 =	sld [smem:$0x3FDB];
	s0 =	simm.s32 @p2 $0x1  }
0x17: {  	s4 =	simm.s32 $0x1BF5;
	[smem:$0x3FB9] =	sst s0  }
0x18: {  	s0 =	sld [smem:$0x3F9C];
	_ =	swait.ge [sflag:s4], $0x0  }
0x19: {  	s7 =	sld [smem:$0x3F9D]  }
0x1a: {  	s8 =	sadd.s32 $0xFFFFE003, lr  }
0x1b: {  	s9 =	sadd.s32 $0xFFFFFEF7, lr;
	s5 =	simm.s32 $0xFFFFFFFF;
	p2 =	slt.u32 s8, $0xFFFFF086  }
0x1c: {  	p1 =	slt.u32 s9, $0xF7A;
	s5 =	simm.s32 @!p2 $0x0  }
0x1d: {  	s5 =	simm.s32 @p1 $0x1;
	p0 =	seq.s32 s7, s2  }
0x1e: {  	s7 =	smul.u32 @!p0 $0xF7A, s2;
	p2 =	seq.s32 @!p0 s5, $0x0  }
0x1f: {  	s9 =	smul.u32 $0xF7A, s1;
	s8 =	simm.s32 @!p0 $0x1BF5;
	p2 =	por !p2, p0  }
0x20: {  	[sflag:s8] =	ssyncset.s32 @!p0 $0xFFFFF086;
	s6 =	sadd.s32 @!p0 s3, s7;
	s7 =	simm.s32 @!p0 $0x108  }
0x21: {  	s3 =	sadd.s32 s3, s9;
	s6 =	sadd.s32 @!p0 $0x88, s6;
	s7 =	simm.s32 @p2 $0x1082  }
0x22: {  	[simem:s7], [sflag:s8] =	dma.local @!p0 [hbm:s6], $0xF7A  }
0x23: {  	s9 =	sor.u32 $0xD0000000, s2;
	s6 =	simm.s32 $0x108;
	_ =	swait.ge @!p0 [sflag:s8], $0x0  }
0x24: {  	s3 =	sadd.s32 $0x88, s3;
	s6 =	simm.s32 @!p1 $0x1082;
	[sflag:s4] =	ssyncset.s32 $0xFFFFF086  }
0x25: {  	[simem:s6], [sflag:s4] =	dma.local [hbm:s3], $0xF7A  }
0x26: {  	[smem:$0x3F9D] =	sst s1;
	(tag) =	ssettag s2;
	_ =	strace s9  }
0x27: {  	s1 =	sld [smem:$0x3FAD]  }
0x28: {  	s2 =	sld [smem:$0x3FAE]  }
0x29: {  	s4 =	sld [smem:$0x3FB0]  }
0x2a: {  	p0 =	seq.s32 s5, $0x0;
	s5 =	sld [smem:$0x3FB1]  }
0x2b: {  	s6 =	sld [smem:$0x3FB2]  }
0x2c: {  	s7 =	sld [smem:$0x3FB3]  }
0x2d: {  	s3 =	simm.s32 $0x108;
	s8 =	sld [smem:$0x3FB4]  }
0x2e: {  	s3 =	simm.s32 @!p0 $0x1082;
	s9 =	sld [smem:$0x3FB5]  }
0x2f: {  	lr =	sadd.s32 s0, s3;
	s0 =	sld [smem:$0x3FAC]  }
0x30: {  	s3 =	sld [smem:$0x3FAF]  }
0x31: {  	[smem:$0x3FB8] =	sst s10  }
0x32: {  	s10 =	sld [smem:$0x3FB6];
	_ =	sdelay $0x3  }
0x33: {  	p0 =	seq.s32 s10, $0x1;
	s10 =	sld [smem:$0x3FB8];
	_ =	sdelay $0x3  }
0x34: {  	[smem:$0x3FB8] =	sst s10  }
0x35: {  	s10 =	sld [smem:$0x3FB7];
	_ =	sdelay $0x3  }
0x36: {  	p1 =	seq.s32 s10, $0x1;
	s10 =	sld [smem:$0x3FB8];
	_ =	sdelay $0x3  }
0x37: {  	[smem:$0x3FB8] =	sst s10  }
0x38: {  	s10 =	sld [smem:$0x3FB9]  }
0x39: {  	_ = 	snop;
	(pc) =	sbr.ind lr, $3  }
0x3a: {  	_ = 	snop  }
0x3b: {  	_ = 	snop  }
0x3c: {  	p2 =	seq.s32 s10, $0x1;
	s10 =	sld [smem:$0x3FB8]  }
0x3d: {  	_ =	shalt  }
0x3e: {  	_ =	shalt  }
0x3f: {  	_ =	shalt  }
0x40: {  	_ =	shalt  }
0x41: {  	_ =	shalt  }
0x42: {  	_ =	shalt  }
0x43: {  	_ =	shalt  }
0x44: {  	_ =	shalt  }
0x45: {  	_ =	shalt  }
0x46: {  	_ =	shalt  }
0x47: {  	_ =	shalt  }
0x48: {  	_ =	shalt  }
0x49: {  	_ =	shalt  }
0x4a: {  	_ =	shalt  }
0x4b: {  	_ =	shalt  }
0x4c: {  	_ =	shalt  }
0x4d: {  	_ =	shalt  }
0x4e: {  	_ =	shalt  }
0x4f: {  	_ =	shalt  }
0x50: {  	_ =	shalt  }
0x51: {  	_ =	shalt  }
0x52: {  	_ =	shalt  }
0x53: {  	_ =	shalt  }
0x54: {  	_ =	shalt  }
0x55: {  	_ =	shalt  }
0x56: {  	_ =	shalt  }
0x57: {  	_ =	shalt  }
0x58: {  	_ =	shalt  }
0x59: {  	_ =	shalt  }
0x5a: {  	_ =	shalt  }
0x5b: {  	_ =	shalt  }
0x5c: {  	_ =	shalt  }
0x5d: {  	_ =	shalt  }
0x5e: {  	_ =	shalt  }
0x5f: {  	_ =	shalt  }
0x60: {  	_ =	shalt  }
0x61: {  	_ =	shalt  }
0x62: {  	_ =	shalt  }
0x63: {  	_ =	shalt  }
0x64: {  	_ =	shalt  }
0x65: {  	_ =	shalt  }
0x66: {  	_ =	shalt  }
0x67: {  	_ =	shalt  }
0x68: {  	_ =	shalt  }
0x69: {  	_ =	shalt  }
0x6a: {  	_ =	shalt  }
0x6b: {  	_ =	shalt  }
0x6c: {  	_ =	shalt  }
0x6d: {  	_ =	shalt  }
0x6e: {  	_ =	shalt  }
0x6f: {  	_ =	shalt  }
0x70: {  	_ =	shalt  }
0x71: {  	_ =	shalt  }
0x72: {  	_ =	shalt  }
0x73: {  	_ =	shalt  }
0x74: {  	_ =	shalt  }
0x75: {  	_ =	shalt  }
0x76: {  	_ =	shalt  }
0x77: {  	_ =	shalt  }
0x78: {  	_ =	shalt  }
0x79: {  	_ =	shalt  }
0x7a: {  	_ =	shalt  }
0x7b: {  	_ =	shalt  }
0x7c: {  	_ =	shalt  }
0x7d: {  	_ =	shalt  }
0x7e: {  	_ =	shalt  }
0x7f: {  	_ =	shalt  }
0x80: {  	_ =	shalt  }
0x81: {  	_ =	shalt  }
0x82: {  	_ =	shalt  }
0x83: {  	_ =	shalt  }
0x84: {  	_ =	shalt  }
0x85: {  	_ =	shalt  }
0x86: {  	_ =	shalt  }
0x87: {  	_ =	shalt  }
.Lfunc_end0:
.L_simem_size_0:
called_computation_lowered:
.L_overlay_start_0:
0x88: {  	s2 =	sld [smem:$0x3FD9]  }
0x89: {  	s3 =	sld [smem:$0x3FFE];
	_ =	sdelay $0x1  }
0x8a: {  	s1 =	srdreg.scid  }
0x8b: {  	s0 =	sand.u32 $0x1, s1  }
0x8c: {  	s17 =	sshll.u32 s0, $0xA;
	s2 =	sadd.s32 s3, s2  }
0x8d: {  	s2 =	sadd.s32 s2, s17  }
0x8e: {  	[smem:$0x3FC4] =	sst s2  }
0x8f: {  	_ = 	snop  }
0x90: {  	s2 =	sld [smem:$0x3FC9]  }
0x91: {  	s18 =	sld [smem:$0x3FC8]  }
0x92: {  	s4 =	sld [smem:$0x3FD0];
	(tm) =	ssettm $0x1  }
0x93: {  	s5 =	sld [smem:$0x3FFB];
	_ =	sdelay $0x3  }
0x94: {  	_ =	strace s5  }
0x95: {  	s5 =	sld [smem:$0x3FFC];
	_ =	sdelay $0x3  }
0x96: {  	_ =	strace s5  }
0x97: {  	s5 =	sld [smem:$0x3FFD];
	_ =	sdelay $0x3  }
0x98: {  	_ =	strace s5  }
0x99: {  	_ =	strace $0x8FFFFFFF  }
0x9a: {  	s19 =	sld [smem:$0x3FDB];
	_ =	sdelay $0x1  }
0x9b: {  	s6 =	simm.s32 $_scs_section_size  }
0x9c: {  	s7 =	simm.s32 $_size__tile_overlayer_lowered;
	s8 =	simm.s32 $_tile_overlayer_lowered  }
0x9d: {  	s22 =	simm.s32 $0x1BFF;
	s21 =	sshll.u32 s8, $0x1;
	s5 =	sadd.s32 s6, s19  }
0x9e: {  	s9 =	simm.s32 $0x0;
	s20 =	sshll.u32 s7, $0x1;
	s7 =	sadd.s32 s21, s5  }
0x9f: {  	[timem:s9], [sflag:s22] =	dma.local [hbm:s7], s20  }
0xa0: {  	_ =	swait.ge [sflag:s22], s20  }
0xa1: {  	s6 =	ssub.s32 $0x0, s20;
	[sflag:s22] =	ssyncset.done $0x0  }
0xa2: {  	[sflag:s22] =	ssyncadd.s32 s6;
	_ =	sdelay $0x1  }
0xa3: {  	s23 =	simm.s32 $0x1B8B  }
0xa4: {  	_ =	swait.ge [sflag:s23], $0x1  }
0xa5: {  	[sflag:s23] =	ssyncset.done $0x0  }
0xa6: {  	s25 =	simm.s32 $0x1B8E;
	s24 =	sld [smem:$0x3FFE];
	[sflag:s23] =	ssyncadd.s32 $0xFFFFFFFF  }
0xa7: {  	s26 =	simm.s32 $execute0_lowered;
	[smem:$0x3FD2] =	sst s25  }
0xa8: {  	s7 =	sshll.u32 s26, $0x1;
	_ =	strace $0x80000046;
	[dreg:$0x1] =	wrdreg $0xFFFFFFFF  }
0xa9: {  	s28 =	simm.s32 $_size_execute0_lowered;
	s5 =	sadd.s32 s5, s7;
	[dreg:$0x0] =	wrdreg $0x0  }
0xaa: {  	s7 =	sshll.u32 s28, $0x1;
	[dreg:$0x2] =	wrdreg s5  }
0xab: {  	[dreg:$0x3] =	wrdreg s7  }
0xac: {  	[dreg:$0x4] =	wrdreg $0xC0  }
0xad: {  	_ =	task [dreg:s9], $0x5FFFF  }
0xae: {  	[dreg:$0x1] =	wrdreg $0xFFFFFFFF  }
0xaf: {  	[dreg:$0x0] =	wrdreg $0x60  }
0xb0: {  	[dreg:$0x2] =	wrdreg s2  }
0xb1: {  	[dreg:$0x3] =	wrdreg s18  }
0xb2: {  	[dreg:$0x4] =	wrdreg s24  }
0xb3: {  	[dreg:$0x5] =	wrdreg s4  }
0xb4: {  	[dreg:$0x6] =	wrdreg $0x9  }
0xb5: {  	_ =	task.clear_ibuf [dreg:s9], $0x7FFFF;
	_ =	strace $0x90000046  }
0xb6: {  	s29 =	simm.s32 $0x9;
	_ =	strace $0x80000048  }
0xb7: {  	_ =	swait.ge [sflag:s29], $0x1  }
0xb8: {  	[sflag:s29] =	ssyncadd.s32 $0xFFFFFFFF  }
0xb9: {  	_ =	strace $0x90000048  }
0xba: {  	_ =	sfence  }
0xbb: {  	s30 =	sld [smem:$0x0];
	_ =	sdelay $0x2  }
0xbc: {  	s31 =	sshll.u32 s1, $0xD;
	s1 =	sshrl.u32 s1, $0x2  }
0xbd: {  	s3 =	sand.u32 $0x4000, s31;
	s1 =	sadd.s32 s1, s30  }
0xbe: {  	s0 =	sor.u32 s3, s0;
	s1 =	sshll.u32 s1, $0x11  }
0xbf: {  	s0 =	sor.u32 s1, s0  }
0xc0: {  	s0 =	sadd.s32 $0x8F2B, s0  }
0xc1: {  	[sflag:s0] =	ssyncadd.remote.s32 $0x1  }
0xc2: {  	_ =	sfence.sel $0xFFFF  }
0xc3: {  	[dreg:$0x0] =	wrdreg $0xFFFFFFFF;
	(pc) =	sbr.abs _section_cstart, $3  }
0xc4: {  	[dreg:$0x1] =	wrdreg $0xFFFFFFFF  }
0xc5: {  	_ =	task.clear_ibuf [dreg:s9], $0x2FFFF;
	_ =	strace $0x9FFFFFFF  }
0xc6: {  	(tm) =	ssettm $0x7FFFFFFF  }
0xc7: {  	_ =	shalt  }
tec
execute0_lowered:
.L_overlay_start_1:
0x0: {  	(tag) =	ssettag $0x1  }
0x1: {  	s5 =	rddreg [dreg:$0x0]  }
0x2: {  	s6 =	rddreg [dreg:$0x1]  }
0x3: {  	s4 =	rddreg [dreg:$0x2]  }
0x4: {  	s7 =	rddreg [dreg:$0x3];
	s1 =	simm.s32 $0x0;
	s2 =	srdreg.scid  }
0x5: {  	s12 =	simm.s32 $0x400;
	s13 =	simm.s32 $0x8400;
	s14 =	simm.s32 $0x4400  }
0x6: {  	s15 =	simm.s32 $0x280;
	s16 =	simm.s32 $0xC400;
	s17 =	simm.s32 $0x1  }
0x7: {  	s18 =	simm.s32 $0x2;
	s19 =	simm.s32 $0x10600;
	s20 =	simm.s32 $0x100  }
0x8: {  	v0 =	vlaneseq.u32;
	s21 =	simm.s32 $0x300;
	s22 =	simm.s32 $0x180;
	s23 =	simm.s32 $0x380  }
0x9: {  	s24 =	simm.s32 $0x10400;
	s25 =	simm.s32 $0x0;
	[smem:$0x7FF] =	sst s1;
	v0 =	vmul.u32 $0x11, v0  }
0xa: {  	s8 =	sand.u32 $0x1, s2;
	s3 =	sadd.s32 $0xF42800, s4;
	s2 =	stileid.u32  }
0xb: {  	s4 =	sadd.s32 $0x1E84C00, s4;
	_ =	strace $0x80000047;
	s9 =	ssub.s32 $0x2, s8;
	v1 =	vadd.s32 $0x1, v0;
	v2 =	vadd.s32 $0x2, v0;
	v3 =	vadd.s32 $0x3, v0  }
0xc: {  	s11 =	sshll.u32 s2, $0x7;
	s8 =	sshll.u32 s8, $0x6;
	s10 =	sshrl.u32 s9, $0x1;
	v4 =	vadd.s32 $0x4, v0;
	v5 =	vadd.s32 $0x5, v0;
	v14 =	vadd.s32 $0xE, v0  }
0xd: {  	s8 =	sor.u32 s8, s11;
	s11 =	simm.s32 $0x80;
	v6 =	vadd.s32 $0x6, v0;
	v7 =	vadd.s32 $0x7, v0;
	v15 =	vadd.s32 $0xF, v0;
	s9 =	ssub.s32 s9, s10  }
0xe: {  	v8 =	vadd.s32 $0x8, v0;
	v9 =	vadd.s32 $0x9, v0;
	v10 =	vadd.s32 $0xA, v0;
	s5 =	sadd.s32 s5, s8;
	s6 =	sadd.s32 s6, s8;
	s7 =	sadd.s32 s7, s8  }
0xf: {  	v11 =	vadd.s32 $0xB, v0;
	v12 =	vadd.s32 $0xC, v0;
	v13 =	vadd.s32 $0xD, v0;
	s10 =	simm.s32 $0x200;
	s8 =	smax.u32 s9, $0x1;
	s9 =	simm.s32 $0x3  }
.LBB2_1:
0x10: {  	[tilespmem:s1], [sflag:$0x3] =	stream.linear.gather [hbm4b:s5+s1], $0x200, $0x38;
	[tilespmem:$0x10780] =	vst v63  }
0x11: {  	_ =	swait.ge [sflag:s9], $0x200  }
0x12: {  	[sflag:s9] =	ssyncset.done $0x0  }
0x13: {  	[sflag:s9] =	ssyncadd.s32 $0xFFFFFE00  }
0x14: {  	[tilespmem:s10], [sflag:$0x3] =	stream.linear.gather [hbm4b:s6+s1], $0x200, $0x38;
	[tilespmem:$0x10780] =	vst v63  }
0x15: {  	_ =	swait.ge [sflag:s9], $0x200  }
0x16: {  	[sflag:s9] =	ssyncset.done $0x0  }
0x17: {  	[sflag:s9] =	ssyncadd.s32 $0xFFFFFE00  }
0x18: {  	[tilespmem:s12], [sflag:$0x1] =	stream.indirect.gather [hbm4b:s3+s11], $0x80, s1, s11, $0xb8;
	[tilespmem:$0x10780] =	vst v63  }
0x19: {  	_ = 	snop  }
0x1a: {  	[tilespmem:s13], [sflag:$0x2] =	stream.indirect.gather [hbm4b:s4+s11], $0x80, s10, s11, $0xb8;
	[tilespmem:$0x10780] =	vst v63  }
0x1b: {  	_ = 	snop  }
0x1c: {  	[tilespmem:s14], [sflag:$0x1] =	stream.indirect.gather [hbm4b:s3+s11], $0x80, s11, s11, $0xb8;
	[tilespmem:$0x10780] =	vst v63  }
0x1d: {  	_ = 	snop  }
0x1e: {  	[tilespmem:s16], [sflag:$0x2] =	stream.indirect.gather [hbm4b:s4+s11], $0x80, s15, s11, $0xb8;
	[tilespmem:$0x10780] =	vst v63  }
0x1f: {  	_ =	swait.ge [sflag:s17], $0x4000  }
0x20: {  	[sflag:s17] =	ssyncset.done $0x0  }
0x21: {  	[sflag:s17] =	ssyncadd.s32 $0xFFFFC000  }
0x22: {  	_ =	swait.ge [sflag:s18], $0x4000  }
0x23: {  	[sflag:s18] =	ssyncset.done $0x0  }
0x24: {  	[sflag:s18] =	ssyncadd.s32 $0xFFFFC000  }
0x25: {  	_ =	swait.ge [sflag:s17], $0x4000  }
0x26: {  	[sflag:s17] =	ssyncset.done $0x0  }
0x27: {  	[sflag:s17] =	ssyncadd.s32 $0xFFFFC000  }
0x28: {  	_ =	swait.ge [sflag:s18], $0x4000  }
0x29: {  	[sflag:s18] =	ssyncset.done $0x0  }
0x2a: {  	s26 =	simm.s32 $0x0;
	[sflag:s18] =	ssyncadd.s32 $0xFFFFC000  }
0x2b: {  	v16 =	vld [tilespmem:s26+$0x8410]  }
0x2c: {  	v17 =	vld [tilespmem:s26+$0x400]  }
0x2d: {  	v18 =	vld [tilespmem:s26+$0x410]  }
0x2e: {  	v19 =	vld [tilespmem:s26+$0x8400]  }
0x2f: {  	v20 =	vld [tilespmem:s26+$0x8420]  }
0x30: {  	v21 =	vld [tilespmem:s26+$0x420]  }
0x31: {  	v22 =	vld [tilespmem:s26+$0x8430]  }
0x32: {  	v23 =	vld [tilespmem:s26+$0x430]  }
0x33: {  	v16 =	vmul.f32 v16, v18;
	v17 =	vmul.f32 v19, v17;
	_ =	sdelay $0x1  }
0x34: {  	v16 =	vadd.f32 v16, v17;
	v17 =	vmul.f32 v20, v21;
	_ =	sdelay $0x1  }
0x35: {  	v16 =	vadd.f32 v17, v16;
	v17 =	vmul.f32 v22, v23;
	_ =	sdelay $0x1  }
0x36: {  	v16 =	vadd.f32 v17, v16;
	_ =	sdelay $0x1  }
0x37: {  	[tilespmem:$0x10600] =	vst v16  }
0x38: {  	v16 =	vld [tilespmem:s26+$0x480]  }
0x39: {  	v17 =	vld [tilespmem:s26+$0x8480]  }
0x3a: {  	v18 =	vld [tilespmem:s26+$0x490]  }
0x3b: {  	v19 =	vld [tilespmem:s26+$0x8490]  }
0x3c: {  	v20 =	vld [tilespmem:s26+$0x84A0]  }
0x3d: {  	v21 =	vld [tilespmem:s26+$0x4A0]  }
0x3e: {  	v22 =	vld [tilespmem:s26+$0x84B0]  }
0x3f: {  	v23 =	vld [tilespmem:s26+$0x4B0]  }
0x40: {  	v16 =	vmul.f32 v17, v16;
	v17 =	vmul.f32 v19, v18;
	_ =	sdelay $0x1  }
0x41: {  	v16 =	vadd.f32 v17, v16;
	v17 =	vmul.f32 v20, v21;
	_ =	sdelay $0x1  }
0x42: {  	v16 =	vadd.f32 v17, v16;
	v17 =	vmul.f32 v22, v23;
	_ =	sdelay $0x1  }
0x43: {  	v16 =	vadd.f32 v17, v16;
	_ =	sdelay $0x1  }
0x44: {  	[tilespmem:$0x10611] =	vst v16  }
0x45: {  	v16 =	vld [tilespmem:s26+$0x8510]  }
0x46: {  	v17 =	vld [tilespmem:s26+$0x500]  }
0x47: {  	v18 =	vld [tilespmem:s26+$0x8500]  }
0x48: {  	v19 =	vld [tilespmem:s26+$0x510]  }
0x49: {  	v20 =	vld [tilespmem:s26+$0x8520]  }
0x4a: {  	v21 =	vld [tilespmem:s26+$0x520]  }
0x4b: {  	v22 =	vld [tilespmem:s26+$0x8530]  }
0x4c: {  	v23 =	vld [tilespmem:s26+$0x530]  }
0x4d: {  	v17 =	vmul.f32 v18, v17;
	v16 =	vmul.f32 v16, v19;
	_ =	sdelay $0x1  }
0x4e: {  	v16 =	vadd.f32 v16, v17;
	v17 =	vmul.f32 v20, v21;
	_ =	sdelay $0x1  }
0x4f: {  	v16 =	vadd.f32 v17, v16;
	v17 =	vmul.f32 v22, v23;
	_ =	sdelay $0x1  }
0x50: {  	v16 =	vadd.f32 v17, v16;
	_ =	sdelay $0x1  }
0x51: {  	[tilespmem:$0x10622] =	vst v16  }
0x52: {  	v16 =	vld [tilespmem:s26+$0x8590]  }
0x53: {  	v17 =	vld [tilespmem:s26+$0x580]  }
0x54: {  	v18 =	vld [tilespmem:s26+$0x8580]  }
0x55: {  	v19 =	vld [tilespmem:s26+$0x590]  }
0x56: {  	v20 =	vld [tilespmem:s26+$0x5A0]  }
0x57: {  	v21 =	vld [tilespmem:s26+$0x85A0]  }
0x58: {  	v22 =	vld [tilespmem:s26+$0x85B0]  }
0x59: {  	v23 =	vld [tilespmem:s26+$0x5B0]  }
0x5a: {  	v17 =	vmul.f32 v18, v17;
	v16 =	vmul.f32 v16, v19;
	_ =	sdelay $0x1  }
0x5b: {  	v16 =	vadd.f32 v16, v17;
	v17 =	vmul.f32 v21, v20;
	_ =	sdelay $0x1  }
0x5c: {  	v16 =	vadd.f32 v17, v16;
	v17 =	vmul.f32 v22, v23;
	_ =	sdelay $0x1  }
0x5d: {  	v16 =	vadd.f32 v17, v16;
	_ =	sdelay $0x1  }
0x5e: {  	[tilespmem:$0x10633] =	vst v16  }
0x5f: {  	v16 =	vld [tilespmem:s26+$0x8600]  }
0x60: {  	v17 =	vld [tilespmem:s26+$0x8610]  }
0x61: {  	v18 =	vld [tilespmem:s26+$0x600]  }
0x62: {  	v19 =	vld [tilespmem:s26+$0x610]  }
0x63: {  	v20 =	vld [tilespmem:s26+$0x620]  }
0x64: {  	v21 =	vld [tilespmem:s26+$0x8620]  }
0x65: {  	v22 =	vld [tilespmem:s26+$0x8630]  }
0x66: {  	v23 =	vld [tilespmem:s26+$0x630]  }
0x67: {  	v16 =	vmul.f32 v16, v18;
	v17 =	vmul.f32 v17, v19;
	_ =	sdelay $0x1  }
0x68: {  	v16 =	vadd.f32 v17, v16;
	v17 =	vmul.f32 v21, v20;
	_ =	sdelay $0x1  }
0x69: {  	v16 =	vadd.f32 v17, v16;
	v17 =	vmul.f32 v22, v23;
	_ =	sdelay $0x1  }
0x6a: {  	v16 =	vadd.f32 v17, v16;
	_ =	sdelay $0x1  }
0x6b: {  	[tilespmem:$0x10644] =	vst v16  }
0x6c: {  	v16 =	vld [tilespmem:s26+$0x8680]  }
0x6d: {  	v17 =	vld [tilespmem:s26+$0x8690]  }
0x6e: {  	v18 =	vld [tilespmem:s26+$0x680]  }
0x6f: {  	v19 =	vld [tilespmem:s26+$0x690]  }
0x70: {  	v20 =	vld [tilespmem:s26+$0x6A0]  }
0x71: {  	v21 =	vld [tilespmem:s26+$0x86A0]  }
0x72: {  	v22 =	vld [tilespmem:s26+$0x86B0]  }
0x73: {  	v23 =	vld [tilespmem:s26+$0x6B0]  }
0x74: {  	v16 =	vmul.f32 v16, v18;
	v17 =	vmul.f32 v17, v19;
	_ =	sdelay $0x1  }
0x75: {  	v16 =	vadd.f32 v17, v16;
	v17 =	vmul.f32 v21, v20;
	_ =	sdelay $0x1  }
0x76: {  	v16 =	vadd.f32 v17, v16;
	v17 =	vmul.f32 v22, v23;
	_ =	sdelay $0x1  }
0x77: {  	v16 =	vadd.f32 v17, v16;
	_ =	sdelay $0x1  }
0x78: {  	[tilespmem:$0x10655] =	vst v16  }
0x79: {  	v16 =	vld [tilespmem:s26+$0x8700]  }
0x7a: {  	v17 =	vld [tilespmem:s26+$0x8710]  }
0x7b: {  	v18 =	vld [tilespmem:s26+$0x710]  }
0x7c: {  	v19 =	vld [tilespmem:s26+$0x700]  }
0x7d: {  	v20 =	vld [tilespmem:s26+$0x8720]  }
0x7e: {  	v21 =	vld [tilespmem:s26+$0x720]  }
0x7f: {  	v22 =	vld [tilespmem:s26+$0x8730]  }
0x80: {  	v23 =	vld [tilespmem:s26+$0x730]  }
0x81: {  	v17 =	vmul.f32 v17, v18;
	v16 =	vmul.f32 v16, v19;
	_ =	sdelay $0x1  }
0x82: {  	v16 =	vadd.f32 v17, v16;
	v17 =	vmul.f32 v20, v21;
	_ =	sdelay $0x1  }
0x83: {  	v16 =	vadd.f32 v17, v16;
	v17 =	vmul.f32 v22, v23;
	_ =	sdelay $0x1  }
0x84: {  	v16 =	vadd.f32 v17, v16;
	_ =	sdelay $0x1  }
0x85: {  	[tilespmem:$0x10666] =	vst v16  }
0x86: {  	v16 =	vld [tilespmem:s26+$0x780]  }
0x87: {  	v17 =	vld [tilespmem:s26+$0x8780]  }
0x88: {  	v18 =	vld [tilespmem:s26+$0x8790]  }
0x89: {  	v19 =	vld [tilespmem:s26+$0x790]  }
0x8a: {  	v20 =	vld [tilespmem:s26+$0x87A0]  }
0x8b: {  	v21 =	vld [tilespmem:s26+$0x7A0]  }
0x8c: {  	v22 =	vld [tilespmem:s26+$0x87B0]  }
0x8d: {  	v23 =	vld [tilespmem:s26+$0x7B0]  }
0x8e: {  	v16 =	vmul.f32 v17, v16;
	v17 =	vmul.f32 v18, v19;
	_ =	sdelay $0x1  }
0x8f: {  	v16 =	vadd.f32 v17, v16;
	v17 =	vmul.f32 v20, v21;
	_ =	sdelay $0x1  }
0x90: {  	v16 =	vadd.f32 v17, v16;
	v17 =	vmul.f32 v22, v23;
	_ =	sdelay $0x1  }
0x91: {  	v16 =	vadd.f32 v17, v16;
	_ =	sdelay $0x1  }
0x92: {  	[tilespmem:$0x10677] =	vst v16  }
0x93: {  	v16 =	vld [tilespmem:s26+$0x8800]  }
0x94: {  	v17 =	vld [tilespmem:s26+$0x8810]  }
0x95: {  	v18 =	vld [tilespmem:s26+$0x800]  }
0x96: {  	v19 =	vld [tilespmem:s26+$0x810]  }
0x97: {  	v20 =	vld [tilespmem:s26+$0x8820]  }
0x98: {  	v21 =	vld [tilespmem:s26+$0x820]  }
0x99: {  	v22 =	vld [tilespmem:s26+$0x8830]  }
0x9a: {  	v23 =	vld [tilespmem:s26+$0x830]  }
0x9b: {  	v16 =	vmul.f32 v16, v18;
	v17 =	vmul.f32 v17, v19;
	_ =	sdelay $0x1  }
0x9c: {  	v16 =	vadd.f32 v17, v16;
	v17 =	vmul.f32 v20, v21;
	_ =	sdelay $0x1  }
0x9d: {  	v16 =	vadd.f32 v17, v16;
	v17 =	vmul.f32 v22, v23;
	_ =	sdelay $0x1  }
0x9e: {  	v16 =	vadd.f32 v17, v16;
	_ =	sdelay $0x1  }
0x9f: {  	[tilespmem:$0x10688] =	vst v16  }
0xa0: {  	v16 =	vld [tilespmem:s26+$0x8880]  }
0xa1: {  	v17 =	vld [tilespmem:s26+$0x8890]  }
0xa2: {  	v18 =	vld [tilespmem:s26+$0x890]  }
0xa3: {  	v19 =	vld [tilespmem:s26+$0x880]  }
0xa4: {  	v20 =	vld [tilespmem:s26+$0x8A0]  }
0xa5: {  	v21 =	vld [tilespmem:s26+$0x88A0]  }
0xa6: {  	v22 =	vld [tilespmem:s26+$0x8B0]  }
0xa7: {  	v23 =	vld [tilespmem:s26+$0x88B0]  }
0xa8: {  	v17 =	vmul.f32 v17, v18;
	v16 =	vmul.f32 v16, v19;
	_ =	sdelay $0x1  }
0xa9: {  	v16 =	vadd.f32 v17, v16;
	v17 =	vmul.f32 v21, v20;
	_ =	sdelay $0x1  }
0xaa: {  	v16 =	vadd.f32 v17, v16;
	v17 =	vmul.f32 v23, v22;
	_ =	sdelay $0x1  }
0xab: {  	v16 =	vadd.f32 v17, v16;
	_ =	sdelay $0x1  }
0xac: {  	[tilespmem:$0x10699] =	vst v16  }
0xad: {  	v16 =	vld [tilespmem:s26+$0x8910]  }
0xae: {  	v17 =	vld [tilespmem:s26+$0x8900]  }
0xaf: {  	v18 =	vld [tilespmem:s26+$0x900]  }
0xb0: {  	v19 =	vld [tilespmem:s26+$0x910]  }
0xb1: {  	v20 =	vld [tilespmem:s26+$0x920]  }
0xb2: {  	v21 =	vld [tilespmem:s26+$0x8920]  }
0xb3: {  	v22 =	vld [tilespmem:s26+$0x930]  }
0xb4: {  	v23 =	vld [tilespmem:s26+$0x8930]  }
0xb5: {  	v17 =	vmul.f32 v17, v18;
	v16 =	vmul.f32 v16, v19;
	_ =	sdelay $0x1  }
0xb6: {  	v16 =	vadd.f32 v16, v17;
	v17 =	vmul.f32 v21, v20;
	_ =	sdelay $0x1  }
0xb7: {  	v16 =	vadd.f32 v17, v16;
	v17 =	vmul.f32 v23, v22;
	_ =	sdelay $0x1  }
0xb8: {  	v16 =	vadd.f32 v17, v16;
	_ =	sdelay $0x1  }
0xb9: {  	[tilespmem:$0x106AA] =	vst v16  }
0xba: {  	v16 =	vld [tilespmem:s26+$0x8980]  }
0xbb: {  	v17 =	vld [tilespmem:s26+$0x8990]  }
0xbc: {  	v18 =	vld [tilespmem:s26+$0x980]  }
0xbd: {  	v19 =	vld [tilespmem:s26+$0x990]  }
0xbe: {  	v20 =	vld [tilespmem:s26+$0x9A0]  }
0xbf: {  	v21 =	vld [tilespmem:s26+$0x89A0]  }
0xc0: {  	v22 =	vld [tilespmem:s26+$0x9B0]  }
0xc1: {  	v23 =	vld [tilespmem:s26+$0x89B0]  }
0xc2: {  	v16 =	vmul.f32 v16, v18;
	v17 =	vmul.f32 v17, v19;
	_ =	sdelay $0x1  }
0xc3: {  	v16 =	vadd.f32 v17, v16;
	v17 =	vmul.f32 v21, v20;
	_ =	sdelay $0x1  }
0xc4: {  	v16 =	vadd.f32 v17, v16;
	v17 =	vmul.f32 v23, v22;
	_ =	sdelay $0x1  }
0xc5: {  	v16 =	vadd.f32 v17, v16;
	_ =	sdelay $0x1  }
0xc6: {  	[tilespmem:$0x106BB] =	vst v16  }
0xc7: {  	v16 =	vld [tilespmem:s26+$0x8A00]  }
0xc8: {  	v17 =	vld [tilespmem:s26+$0x8A10]  }
0xc9: {  	v18 =	vld [tilespmem:s26+$0xA00]  }
0xca: {  	v19 =	vld [tilespmem:s26+$0xA10]  }
0xcb: {  	v20 =	vld [tilespmem:s26+$0xA20]  }
0xcc: {  	v21 =	vld [tilespmem:s26+$0x8A20]  }
0xcd: {  	v22 =	vld [tilespmem:s26+$0xA30]  }
0xce: {  	v23 =	vld [tilespmem:s26+$0x8A30]  }
0xcf: {  	v16 =	vmul.f32 v16, v18;
	v17 =	vmul.f32 v17, v19;
	_ =	sdelay $0x1  }
0xd0: {  	v16 =	vadd.f32 v17, v16;
	v17 =	vmul.f32 v21, v20;
	_ =	sdelay $0x1  }
0xd1: {  	v16 =	vadd.f32 v17, v16;
	v17 =	vmul.f32 v23, v22;
	_ =	sdelay $0x1  }
0xd2: {  	v16 =	vadd.f32 v17, v16;
	_ =	sdelay $0x1  }
0xd3: {  	[tilespmem:$0x106CC] =	vst v16  }
0xd4: {  	v16 =	vld [tilespmem:s26+$0x8A80]  }
0xd5: {  	v17 =	vld [tilespmem:s26+$0x8A90]  }
0xd6: {  	v18 =	vld [tilespmem:s26+$0xA80]  }
0xd7: {  	v19 =	vld [tilespmem:s26+$0xA90]  }
0xd8: {  	v20 =	vld [tilespmem:s26+$0xAA0]  }
0xd9: {  	v21 =	vld [tilespmem:s26+$0x8AA0]  }
0xda: {  	v22 =	vld [tilespmem:s26+$0xAB0]  }
0xdb: {  	v23 =	vld [tilespmem:s26+$0x8AB0]  }
0xdc: {  	v16 =	vmul.f32 v16, v18;
	v17 =	vmul.f32 v17, v19;
	_ =	sdelay $0x1  }
0xdd: {  	v16 =	vadd.f32 v17, v16;
	v17 =	vmul.f32 v21, v20;
	_ =	sdelay $0x1  }
0xde: {  	v16 =	vadd.f32 v17, v16;
	v17 =	vmul.f32 v23, v22;
	_ =	sdelay $0x1  }
0xdf: {  	v16 =	vadd.f32 v17, v16;
	_ =	sdelay $0x1  }
0xe0: {  	[tilespmem:$0x106DD] =	vst v16  }
0xe1: {  	v16 =	vld [tilespmem:s26+$0x8B00]  }
0xe2: {  	v17 =	vld [tilespmem:s26+$0x8B10]  }
0xe3: {  	v18 =	vld [tilespmem:s26+$0xB00]  }
0xe4: {  	v19 =	vld [tilespmem:s26+$0xB10]  }
0xe5: {  	v20 =	vld [tilespmem:s26+$0xB20]  }
0xe6: {  	v21 =	vld [tilespmem:s26+$0x8B20]  }
0xe7: {  	v22 =	vld [tilespmem:s26+$0xB30]  }
0xe8: {  	v23 =	vld [tilespmem:s26+$0x8B30]  }
0xe9: {  	v16 =	vmul.f32 v16, v18;
	v17 =	vmul.f32 v17, v19;
	_ =	sdelay $0x1  }
0xea: {  	v16 =	vadd.f32 v17, v16;
	v17 =	vmul.f32 v21, v20;
	_ =	sdelay $0x1  }
0xeb: {  	v16 =	vadd.f32 v17, v16;
	v17 =	vmul.f32 v23, v22;
	_ =	sdelay $0x1  }
0xec: {  	v16 =	vadd.f32 v17, v16;
	_ =	sdelay $0x1  }
0xed: {  	[tilespmem:$0x106EE] =	vst v16  }
0xee: {  	v16 =	vld [tilespmem:s26+$0x8B80]  }
0xef: {  	v17 =	vld [tilespmem:s26+$0xB80]  }
0xf0: {  	v18 =	vld [tilespmem:s26+$0x8B90]  }
0xf1: {  	v19 =	vld [tilespmem:s26+$0xB90]  }
0xf2: {  	v20 =	vld [tilespmem:s26+$0xBA0]  }
0xf3: {  	v21 =	vld [tilespmem:s26+$0x8BA0]  }
0xf4: {  	v22 =	vld [tilespmem:s26+$0xBB0]  }
0xf5: {  	v23 =	vld [tilespmem:s26+$0x8BB0]  }
0xf6: {  	v16 =	vmul.f32 v16, v17;
	v17 =	vmul.f32 v18, v19;
	_ =	sdelay $0x1  }
0xf7: {  	v16 =	vadd.f32 v17, v16;
	v17 =	vmul.f32 v21, v20;
	_ =	sdelay $0x1  }
0xf8: {  	v16 =	vadd.f32 v17, v16;
	v17 =	vmul.f32 v23, v22;
	_ =	sdelay $0x1  }
0xf9: {  	v16 =	vadd.f32 v17, v16;
	_ =	sdelay $0x1  }
0xfa: {  	[tilespmem:$0x106FF] =	vst v16  }
0xfb: {  	v16 =	vld.idx.msk [tilespmem:v0+s19+$0x0], $0xffff  }
0xfc: {  	v18 =	vld.idx.msk [tilespmem:v1+s19+$0x0], $0xffff  }
0xfd: {  	v19 =	vld.idx.msk [tilespmem:v2+s19+$0x0], $0xffff  }
0xfe: {  	v20 =	vld.idx.msk [tilespmem:v3+s19+$0x0], $0xffff  }
0xff: {  	v25 =	vld.idx.msk [tilespmem:v4+s19+$0x0], $0xffff  }
0x100: {  	v24 =	vld.idx.msk [tilespmem:v5+s19+$0x0], $0xffff  }
0x101: {  	v17 =	vld.idx.msk [tilespmem:v6+s19+$0x0], $0xffff  }
0x102: {  	v21 =	vld.idx.msk [tilespmem:v7+s19+$0x0], $0xffff;
	v16 =	vadd.f32 v18, v16  }
0x103: {  	v22 =	vld.idx.msk [tilespmem:v9+s19+$0x0], $0xffff  }
0x104: {  	v23 =	vld.idx.msk [tilespmem:v11+s19+$0x0], $0xffff;
	v16 =	vadd.f32 v19, v16  }
0x105: {  	v18 =	vld.idx.msk [tilespmem:v8+s19+$0x0], $0xffff  }
0x106: {  	v19 =	vld.idx.msk [tilespmem:v10+s19+$0x0], $0xffff;
	v20 =	vadd.f32 v20, v16  }
0x107: {  	v16 =	vld.idx.msk [tilespmem:v12+s19+$0x0], $0xffff  }
0x108: {  	s28 =	simm.s32 $0x2000;
	s29 =	simm.s32 $0x10400;
	s26 =	simm.s32 $0x10400;
	v25 =	vadd.f32 v25, v20;
	v20 =	vld.idx.msk [tilespmem:v13+s19+$0x0], $0xffff  }
.LBB2_2:
0x109: {  	p0 =	sne.s32 s28, $0x1E000  }
0x10a: {  	v26 =	vld.idx.msk [tilespmem:v14+s19+$0x0], $0xffff;
	s29 =	sadd.s32 $0x10, s29;
	s30 =	smov.u32 s28;
	s28 =	sadd.s32 $0x2000, s28  }
0x10b: {  	v24 =	vadd.f32 v24, v25;
	v25 =	vld.idx.msk [tilespmem:v15+s19+$0x0], $0xffff;
	_ =	sdelay $0x1  }
0x10c: {  	v17 =	vadd.f32 v17, v24;
	_ =	sdelay $0x1  }
0x10d: {  	v17 =	vadd.f32 v21, v17;
	_ =	sdelay $0x1  }
0x10e: {  	v17 =	vadd.f32 v18, v17;
	_ =	sdelay $0x1  }
0x10f: {  	v17 =	vadd.f32 v22, v17;
	_ =	sdelay $0x1  }
0x110: {  	v17 =	vadd.f32 v19, v17;
	_ =	sdelay $0x1  }
0x111: {  	v17 =	vadd.f32 v23, v17;
	_ =	sdelay $0x1  }
0x112: {  	v16 =	vadd.f32 v16, v17;
	_ =	sdelay $0x1  }
0x113: {  	v16 =	vadd.f32 v20, v16;
	_ =	sdelay $0x1  }
0x114: {  	v16 =	vadd.f32 v26, v16;
	_ =	sdelay $0x1  }
0x115: {  	v16 =	vadd.f32 v25, v16;
	_ =	sdelay $0x1  }
0x116: {  	v16 =	vsub.f32 $0.0e+00, v16;
	_ =	sdelay $0x1  }
0x117: {  	v16 =	vmul.f32 $1.442695020e+00, v16;
	_ =	sdelay $0x1  }
0x118: {  	(erf) = vpow2.f32 v16;
	_ =	sdelay $0x8  }
0x119: {  	v16 =	vpop (erf)  }
0x11a: {  	v16 =	vadd.f32 $1.000000000e+00, v16;
	_ =	sdelay $0x1  }
0x11b: {  	(erf) = vrcp.f32 v16;
	_ =	sdelay $0x8  }
0x11c: {  	v16 =	vpop (erf)  }
0x11d: {  	s30 =	sshra.s32 s30, $0x2;
	[tilespmem:s26+$0x0] =	vst v16;
	s26 =	smov.u32 s29  }
0x11e: {  	v16 =	vld [tilespmem:s30+$0x8410]  }
0x11f: {  	v17 =	vld [tilespmem:s30+$0x400]  }
0x120: {  	v18 =	vld [tilespmem:s30+$0x410]  }
0x121: {  	v19 =	vld [tilespmem:s30+$0x8400]  }
0x122: {  	v20 =	vld [tilespmem:s30+$0x8420]  }
0x123: {  	v21 =	vld [tilespmem:s30+$0x420]  }
0x124: {  	v22 =	vld [tilespmem:s30+$0x8430]  }
0x125: {  	v16 =	vmul.f32 v16, v18;
	v18 =	vld [tilespmem:s30+$0x430]  }
0x126: {  	v17 =	vmul.f32 v19, v17;
	_ =	sdelay $0x1  }
0x127: {  	v16 =	vadd.f32 v16, v17;
	v17 =	vmul.f32 v20, v21;
	_ =	sdelay $0x1  }
0x128: {  	v16 =	vadd.f32 v17, v16;
	v17 =	vmul.f32 v22, v18;
	_ =	sdelay $0x1  }
0x129: {  	v16 =	vadd.f32 v17, v16;
	_ =	sdelay $0x1  }
0x12a: {  	[tilespmem:$0x10600] =	vst v16  }
0x12b: {  	v16 =	vld [tilespmem:s30+$0x480]  }
0x12c: {  	v17 =	vld [tilespmem:s30+$0x8480]  }
0x12d: {  	v18 =	vld [tilespmem:s30+$0x490]  }
0x12e: {  	v19 =	vld [tilespmem:s30+$0x8490]  }
0x12f: {  	v20 =	vld [tilespmem:s30+$0x84A0]  }
0x130: {  	v21 =	vld [tilespmem:s30+$0x4A0]  }
0x131: {  	v16 =	vmul.f32 v17, v16;
	v17 =	vld [tilespmem:s30+$0x84B0]  }
0x132: {  	v22 =	vld [tilespmem:s30+$0x4B0]  }
0x133: {  	v18 =	vmul.f32 v19, v18;
	_ =	sdelay $0x1  }
0x134: {  	v16 =	vadd.f32 v18, v16;
	v18 =	vmul.f32 v20, v21;
	_ =	sdelay $0x1  }
0x135: {  	v16 =	vadd.f32 v18, v16;
	v17 =	vmul.f32 v17, v22;
	_ =	sdelay $0x1  }
0x136: {  	v16 =	vadd.f32 v17, v16;
	_ =	sdelay $0x1  }
0x137: {  	[tilespmem:$0x10611] =	vst v16  }
0x138: {  	v16 =	vld [tilespmem:s30+$0x8510]  }
0x139: {  	v17 =	vld [tilespmem:s30+$0x500]  }
0x13a: {  	v18 =	vld [tilespmem:s30+$0x8500]  }
0x13b: {  	v19 =	vld [tilespmem:s30+$0x510]  }
0x13c: {  	v20 =	vld [tilespmem:s30+$0x8520]  }
0x13d: {  	v21 =	vld [tilespmem:s30+$0x520]  }
0x13e: {  	v22 =	vld [tilespmem:s30+$0x8530]  }
0x13f: {  	v17 =	vmul.f32 v18, v17;
	v18 =	vld [tilespmem:s30+$0x530]  }
0x140: {  	v16 =	vmul.f32 v16, v19;
	_ =	sdelay $0x1  }
0x141: {  	v16 =	vadd.f32 v16, v17;
	v17 =	vmul.f32 v20, v21;
	_ =	sdelay $0x1  }
0x142: {  	v16 =	vadd.f32 v17, v16;
	v17 =	vmul.f32 v22, v18;
	_ =	sdelay $0x1  }
0x143: {  	v16 =	vadd.f32 v17, v16;
	_ =	sdelay $0x1  }
0x144: {  	[tilespmem:$0x10622] =	vst v16  }
0x145: {  	v16 =	vld [tilespmem:s30+$0x8590]  }
0x146: {  	v17 =	vld [tilespmem:s30+$0x580]  }
0x147: {  	v18 =	vld [tilespmem:s30+$0x8580]  }
0x148: {  	v19 =	vld [tilespmem:s30+$0x590]  }
0x149: {  	v20 =	vld [tilespmem:s30+$0x5A0]  }
0x14a: {  	v21 =	vld [tilespmem:s30+$0x85A0]  }
0x14b: {  	v22 =	vld [tilespmem:s30+$0x85B0]  }
0x14c: {  	v17 =	vmul.f32 v18, v17;
	v18 =	vld [tilespmem:s30+$0x5B0]  }
0x14d: {  	v16 =	vmul.f32 v16, v19;
	_ =	sdelay $0x1  }
0x14e: {  	v16 =	vadd.f32 v16, v17;
	v17 =	vmul.f32 v21, v20;
	_ =	sdelay $0x1  }
0x14f: {  	v16 =	vadd.f32 v17, v16;
	v17 =	vmul.f32 v22, v18;
	_ =	sdelay $0x1  }
0x150: {  	v16 =	vadd.f32 v17, v16;
	_ =	sdelay $0x1  }
0x151: {  	[tilespmem:$0x10633] =	vst v16  }
0x152: {  	v16 =	vld [tilespmem:s30+$0x8600]  }
0x153: {  	v17 =	vld [tilespmem:s30+$0x8610]  }
0x154: {  	v18 =	vld [tilespmem:s30+$0x600]  }
0x155: {  	v19 =	vld [tilespmem:s30+$0x610]  }
0x156: {  	v20 =	vld [tilespmem:s30+$0x620]  }
0x157: {  	v21 =	vld [tilespmem:s30+$0x8620]  }
0x158: {  	v22 =	vld [tilespmem:s30+$0x8630]  }
0x159: {  	v16 =	vmul.f32 v16, v18;
	v18 =	vld [tilespmem:s30+$0x630]  }
0x15a: {  	v17 =	vmul.f32 v17, v19;
	_ =	sdelay $0x1  }
0x15b: {  	v16 =	vadd.f32 v17, v16;
	v17 =	vmul.f32 v21, v20;
	_ =	sdelay $0x1  }
0x15c: {  	v16 =	vadd.f32 v17, v16;
	v17 =	vmul.f32 v22, v18;
	_ =	sdelay $0x1  }
0x15d: {  	v16 =	vadd.f32 v17, v16;
	_ =	sdelay $0x1  }
0x15e: {  	[tilespmem:$0x10644] =	vst v16  }
0x15f: {  	v16 =	vld [tilespmem:s30+$0x8680]  }
0x160: {  	v17 =	vld [tilespmem:s30+$0x8690]  }
0x161: {  	v18 =	vld [tilespmem:s30+$0x680]  }
0x162: {  	v19 =	vld [tilespmem:s30+$0x690]  }
0x163: {  	v20 =	vld [tilespmem:s30+$0x6A0]  }
0x164: {  	v21 =	vld [tilespmem:s30+$0x86A0]  }
0x165: {  	v22 =	vld [tilespmem:s30+$0x86B0]  }
0x166: {  	v16 =	vmul.f32 v16, v18;
	v18 =	vld [tilespmem:s30+$0x6B0]  }
0x167: {  	v17 =	vmul.f32 v17, v19;
	_ =	sdelay $0x1  }
0x168: {  	v16 =	vadd.f32 v17, v16;
	v17 =	vmul.f32 v21, v20;
	_ =	sdelay $0x1  }
0x169: {  	v16 =	vadd.f32 v17, v16;
	v17 =	vmul.f32 v22, v18;
	_ =	sdelay $0x1  }
0x16a: {  	v16 =	vadd.f32 v17, v16;
	_ =	sdelay $0x1  }
0x16b: {  	[tilespmem:$0x10655] =	vst v16  }
0x16c: {  	v16 =	vld [tilespmem:s30+$0x8700]  }
0x16d: {  	v17 =	vld [tilespmem:s30+$0x8710]  }
0x16e: {  	v18 =	vld [tilespmem:s30+$0x710]  }
0x16f: {  	v19 =	vld [tilespmem:s30+$0x700]  }
0x170: {  	v20 =	vld [tilespmem:s30+$0x8720]  }
0x171: {  	v21 =	vld [tilespmem:s30+$0x720]  }
0x172: {  	v22 =	vld [tilespmem:s30+$0x8730]  }
0x173: {  	v17 =	vmul.f32 v17, v18;
	v18 =	vld [tilespmem:s30+$0x730]  }
0x174: {  	v16 =	vmul.f32 v16, v19;
	_ =	sdelay $0x1  }
0x175: {  	v16 =	vadd.f32 v17, v16;
	v17 =	vmul.f32 v20, v21;
	_ =	sdelay $0x1  }
0x176: {  	v16 =	vadd.f32 v17, v16;
	v17 =	vmul.f32 v22, v18;
	_ =	sdelay $0x1  }
0x177: {  	v16 =	vadd.f32 v17, v16;
	_ =	sdelay $0x1  }
0x178: {  	[tilespmem:$0x10666] =	vst v16  }
0x179: {  	v16 =	vld [tilespmem:s30+$0x780]  }
0x17a: {  	v17 =	vld [tilespmem:s30+$0x8780]  }
0x17b: {  	v18 =	vld [tilespmem:s30+$0x8790]  }
0x17c: {  	v19 =	vld [tilespmem:s30+$0x790]  }
0x17d: {  	v20 =	vld [tilespmem:s30+$0x87A0]  }
0x17e: {  	v21 =	vld [tilespmem:s30+$0x7A0]  }
0x17f: {  	v16 =	vmul.f32 v17, v16;
	v17 =	vld [tilespmem:s30+$0x87B0]  }
0x180: {  	v22 =	vld [tilespmem:s30+$0x7B0]  }
0x181: {  	v18 =	vmul.f32 v18, v19;
	_ =	sdelay $0x1  }
0x182: {  	v16 =	vadd.f32 v18, v16;
	v18 =	vmul.f32 v20, v21;
	_ =	sdelay $0x1  }
0x183: {  	v16 =	vadd.f32 v18, v16;
	v17 =	vmul.f32 v17, v22;
	_ =	sdelay $0x1  }
0x184: {  	v16 =	vadd.f32 v17, v16;
	_ =	sdelay $0x1  }
0x185: {  	[tilespmem:$0x10677] =	vst v16  }
0x186: {  	v16 =	vld [tilespmem:s30+$0x8800]  }
0x187: {  	v17 =	vld [tilespmem:s30+$0x8810]  }
0x188: {  	v18 =	vld [tilespmem:s30+$0x800]  }
0x189: {  	v19 =	vld [tilespmem:s30+$0x810]  }
0x18a: {  	v20 =	vld [tilespmem:s30+$0x8820]  }
0x18b: {  	v21 =	vld [tilespmem:s30+$0x820]  }
0x18c: {  	v22 =	vld [tilespmem:s30+$0x8830]  }
0x18d: {  	v16 =	vmul.f32 v16, v18;
	v18 =	vld [tilespmem:s30+$0x830]  }
0x18e: {  	v17 =	vmul.f32 v17, v19;
	_ =	sdelay $0x1  }
0x18f: {  	v16 =	vadd.f32 v17, v16;
	v17 =	vmul.f32 v20, v21;
	_ =	sdelay $0x1  }
0x190: {  	v16 =	vadd.f32 v17, v16;
	v17 =	vmul.f32 v22, v18;
	_ =	sdelay $0x1  }
0x191: {  	v16 =	vadd.f32 v17, v16;
	_ =	sdelay $0x1  }
0x192: {  	[tilespmem:$0x10688] =	vst v16  }
0x193: {  	v16 =	vld [tilespmem:s30+$0x8880]  }
0x194: {  	v17 =	vld [tilespmem:s30+$0x8890]  }
0x195: {  	v18 =	vld [tilespmem:s30+$0x890]  }
0x196: {  	v19 =	vld [tilespmem:s30+$0x880]  }
0x197: {  	v20 =	vld [tilespmem:s30+$0x8A0]  }
0x198: {  	v21 =	vld [tilespmem:s30+$0x88A0]  }
0x199: {  	v22 =	vld [tilespmem:s30+$0x8B0]  }
0x19a: {  	v17 =	vmul.f32 v17, v18;
	v18 =	vld [tilespmem:s30+$0x88B0]  }
0x19b: {  	v16 =	vmul.f32 v16, v19;
	_ =	sdelay $0x1  }
0x19c: {  	v16 =	vadd.f32 v17, v16;
	v17 =	vmul.f32 v21, v20;
	_ =	sdelay $0x1  }
0x19d: {  	v16 =	vadd.f32 v17, v16;
	v17 =	vmul.f32 v18, v22;
	_ =	sdelay $0x1  }
0x19e: {  	v16 =	vadd.f32 v17, v16;
	_ =	sdelay $0x1  }
0x19f: {  	[tilespmem:$0x10699] =	vst v16  }
0x1a0: {  	v16 =	vld [tilespmem:s30+$0x8910]  }
0x1a1: {  	v17 =	vld [tilespmem:s30+$0x8900]  }
0x1a2: {  	v18 =	vld [tilespmem:s30+$0x900]  }
0x1a3: {  	v19 =	vld [tilespmem:s30+$0x910]  }
0x1a4: {  	v20 =	vld [tilespmem:s30+$0x920]  }
0x1a5: {  	v21 =	vld [tilespmem:s30+$0x8920]  }
0x1a6: {  	v22 =	vld [tilespmem:s30+$0x930]  }
0x1a7: {  	v17 =	vmul.f32 v17, v18;
	v18 =	vld [tilespmem:s30+$0x8930]  }
0x1a8: {  	v16 =	vmul.f32 v16, v19;
	_ =	sdelay $0x1  }
0x1a9: {  	v16 =	vadd.f32 v16, v17;
	v17 =	vmul.f32 v21, v20;
	_ =	sdelay $0x1  }
0x1aa: {  	v16 =	vadd.f32 v17, v16;
	v17 =	vmul.f32 v18, v22;
	_ =	sdelay $0x1  }
0x1ab: {  	v16 =	vadd.f32 v17, v16;
	_ =	sdelay $0x1  }
0x1ac: {  	[tilespmem:$0x106AA] =	vst v16  }
0x1ad: {  	v16 =	vld [tilespmem:s30+$0x8980]  }
0x1ae: {  	v17 =	vld [tilespmem:s30+$0x8990]  }
0x1af: {  	v18 =	vld [tilespmem:s30+$0x980]  }
0x1b0: {  	v19 =	vld [tilespmem:s30+$0x990]  }
0x1b1: {  	v20 =	vld [tilespmem:s30+$0x9A0]  }
0x1b2: {  	v21 =	vld [tilespmem:s30+$0x89A0]  }
0x1b3: {  	v22 =	vld [tilespmem:s30+$0x9B0]  }
0x1b4: {  	v16 =	vmul.f32 v16, v18;
	v18 =	vld [tilespmem:s30+$0x89B0]  }
0x1b5: {  	v17 =	vmul.f32 v17, v19;
	_ =	sdelay $0x1  }
0x1b6: {  	v16 =	vadd.f32 v17, v16;
	v17 =	vmul.f32 v21, v20;
	_ =	sdelay $0x1  }
0x1b7: {  	v16 =	vadd.f32 v17, v16;
	v17 =	vmul.f32 v18, v22;
	_ =	sdelay $0x1  }
0x1b8: {  	v16 =	vadd.f32 v17, v16;
	_ =	sdelay $0x1  }
0x1b9: {  	[tilespmem:$0x106BB] =	vst v16  }
0x1ba: {  	v16 =	vld [tilespmem:s30+$0x8A00]  }
0x1bb: {  	v17 =	vld [tilespmem:s30+$0x8A10]  }
0x1bc: {  	v18 =	vld [tilespmem:s30+$0xA00]  }
0x1bd: {  	v19 =	vld [tilespmem:s30+$0xA10]  }
0x1be: {  	v20 =	vld [tilespmem:s30+$0xA20]  }
0x1bf: {  	v21 =	vld [tilespmem:s30+$0x8A20]  }
0x1c0: {  	v22 =	vld [tilespmem:s30+$0xA30]  }
0x1c1: {  	v16 =	vmul.f32 v16, v18;
	v18 =	vld [tilespmem:s30+$0x8A30]  }
0x1c2: {  	v17 =	vmul.f32 v17, v19;
	_ =	sdelay $0x1  }
0x1c3: {  	v16 =	vadd.f32 v17, v16;
	v17 =	vmul.f32 v21, v20;
	_ =	sdelay $0x1  }
0x1c4: {  	v16 =	vadd.f32 v17, v16;
	v17 =	vmul.f32 v18, v22;
	_ =	sdelay $0x1  }
0x1c5: {  	v16 =	vadd.f32 v17, v16;
	_ =	sdelay $0x1  }
0x1c6: {  	[tilespmem:$0x106CC] =	vst v16  }
0x1c7: {  	v16 =	vld [tilespmem:s30+$0x8A80]  }
0x1c8: {  	v17 =	vld [tilespmem:s30+$0x8A90]  }
0x1c9: {  	v18 =	vld [tilespmem:s30+$0xA80]  }
0x1ca: {  	v19 =	vld [tilespmem:s30+$0xA90]  }
0x1cb: {  	v20 =	vld [tilespmem:s30+$0xAA0]  }
0x1cc: {  	v21 =	vld [tilespmem:s30+$0x8AA0]  }
0x1cd: {  	v22 =	vld [tilespmem:s30+$0xAB0]  }
0x1ce: {  	v16 =	vmul.f32 v16, v18;
	v18 =	vld [tilespmem:s30+$0x8AB0]  }
0x1cf: {  	v17 =	vmul.f32 v17, v19;
	_ =	sdelay $0x1  }
0x1d0: {  	v16 =	vadd.f32 v17, v16;
	v17 =	vmul.f32 v21, v20;
	_ =	sdelay $0x1  }
0x1d1: {  	v16 =	vadd.f32 v17, v16;
	v17 =	vmul.f32 v18, v22;
	_ =	sdelay $0x1  }
0x1d2: {  	v16 =	vadd.f32 v17, v16;
	_ =	sdelay $0x1  }
0x1d3: {  	[tilespmem:$0x106DD] =	vst v16  }
0x1d4: {  	v16 =	vld [tilespmem:s30+$0x8B00]  }
0x1d5: {  	v17 =	vld [tilespmem:s30+$0x8B10]  }
0x1d6: {  	v18 =	vld [tilespmem:s30+$0xB00]  }
0x1d7: {  	v19 =	vld [tilespmem:s30+$0xB10]  }
0x1d8: {  	v20 =	vld [tilespmem:s30+$0xB20]  }
0x1d9: {  	v21 =	vld [tilespmem:s30+$0x8B20]  }
0x1da: {  	v22 =	vld [tilespmem:s30+$0xB30]  }
0x1db: {  	v16 =	vmul.f32 v16, v18;
	v18 =	vld [tilespmem:s30+$0x8B30]  }
0x1dc: {  	v17 =	vmul.f32 v17, v19;
	_ =	sdelay $0x1  }
0x1dd: {  	v16 =	vadd.f32 v17, v16;
	v17 =	vmul.f32 v21, v20;
	_ =	sdelay $0x1  }
0x1de: {  	v16 =	vadd.f32 v17, v16;
	v17 =	vmul.f32 v18, v22;
	_ =	sdelay $0x1  }
0x1df: {  	v16 =	vadd.f32 v17, v16;
	_ =	sdelay $0x1  }
0x1e0: {  	[tilespmem:$0x106EE] =	vst v16  }
0x1e1: {  	v16 =	vld [tilespmem:s30+$0x8B80]  }
0x1e2: {  	v17 =	vld [tilespmem:s30+$0xB80]  }
0x1e3: {  	v18 =	vld [tilespmem:s30+$0x8B90]  }
0x1e4: {  	v19 =	vld [tilespmem:s30+$0xB90]  }
0x1e5: {  	v20 =	vld [tilespmem:s30+$0xBA0]  }
0x1e6: {  	v21 =	vld [tilespmem:s30+$0x8BA0]  }
0x1e7: {  	v16 =	vmul.f32 v16, v17;
	v17 =	vld [tilespmem:s30+$0xBB0]  }
0x1e8: {  	v22 =	vld [tilespmem:s30+$0x8BB0]  }
0x1e9: {  	v18 =	vmul.f32 v18, v19;
	_ =	sdelay $0x1  }
0x1ea: {  	v16 =	vadd.f32 v18, v16;
	v18 =	vmul.f32 v21, v20;
	_ =	sdelay $0x1  }
0x1eb: {  	v16 =	vadd.f32 v18, v16;
	v17 =	vmul.f32 v22, v17;
	_ =	sdelay $0x1  }
0x1ec: {  	v16 =	vadd.f32 v17, v16;
	_ =	sdelay $0x1  }
0x1ed: {  	[tilespmem:$0x106FF] =	vst v16  }
0x1ee: {  	v16 =	vld.idx.msk [tilespmem:v0+s19+$0x0], $0xffff  }
0x1ef: {  	v18 =	vld.idx.msk [tilespmem:v1+s19+$0x0], $0xffff  }
0x1f0: {  	v19 =	vld.idx.msk [tilespmem:v2+s19+$0x0], $0xffff  }
0x1f1: {  	v20 =	vld.idx.msk [tilespmem:v3+s19+$0x0], $0xffff  }
0x1f2: {  	v25 =	vld.idx.msk [tilespmem:v4+s19+$0x0], $0xffff  }
0x1f3: {  	v24 =	vld.idx.msk [tilespmem:v5+s19+$0x0], $0xffff  }
0x1f4: {  	v17 =	vld.idx.msk [tilespmem:v6+s19+$0x0], $0xffff  }
0x1f5: {  	v16 =	vadd.f32 v18, v16;
	v21 =	vld.idx.msk [tilespmem:v7+s19+$0x0], $0xffff  }
0x1f6: {  	v18 =	vld.idx.msk [tilespmem:v8+s19+$0x0], $0xffff  }
.Ltmp0:
0x1f7: {  	v16 =	vadd.f32 v19, v16;
	v22 =	vld.idx.msk [tilespmem:v9+s19+$0x0], $0xffff;
	(pc) =	sbr.rel @p0 .LBB2_2-.Ltmp0, $4  }
0x1f8: {  	v19 =	vld.idx.msk [tilespmem:v10+s19+$0x0], $0xffff  }
0x1f9: {  	v20 =	vadd.f32 v20, v16;
	v23 =	vld.idx.msk [tilespmem:v11+s19+$0x0], $0xffff  }
0x1fa: {  	v16 =	vld.idx.msk [tilespmem:v12+s19+$0x0], $0xffff  }
0x1fb: {  	v25 =	vadd.f32 v25, v20;
	v20 =	vld.idx.msk [tilespmem:v13+s19+$0x0], $0xffff  }
0x1fc: {  	_ = 	snop  }
0x1fd: {  	v24 =	vadd.f32 v24, v25;
	_ =	sdelay $0x1  }
0x1fe: {  	v17 =	vadd.f32 v17, v24;
	_ =	sdelay $0x1  }
0x1ff: {  	v17 =	vadd.f32 v21, v17;
	_ =	sdelay $0x1  }
0x200: {  	v17 =	vadd.f32 v18, v17;
	_ =	sdelay $0x1  }
0x201: {  	v17 =	vadd.f32 v22, v17;
	_ =	sdelay $0x1  }
0x202: {  	v17 =	vadd.f32 v19, v17;
	_ =	sdelay $0x1  }
0x203: {  	v17 =	vadd.f32 v23, v17  }
0x204: {  	v18 =	vld.idx.msk [tilespmem:v14+s19+$0x0], $0xffff  }
0x205: {  	v16 =	vadd.f32 v16, v17  }
0x206: {  	v17 =	vld.idx.msk [tilespmem:v15+s19+$0x0], $0xffff  }
0x207: {  	v16 =	vadd.f32 v20, v16;
	_ =	sdelay $0x1  }
0x208: {  	v16 =	vadd.f32 v18, v16;
	_ =	sdelay $0x1  }
0x209: {  	v16 =	vadd.f32 v17, v16;
	_ =	sdelay $0x1  }
0x20a: {  	v16 =	vsub.f32 $0.0e+00, v16;
	_ =	sdelay $0x1  }
0x20b: {  	v16 =	vmul.f32 $1.442695020e+00, v16;
	_ =	sdelay $0x1  }
0x20c: {  	(erf) = vpow2.f32 v16;
	_ =	sdelay $0x8  }
0x20d: {  	v16 =	vpop (erf)  }
0x20e: {  	v16 =	vadd.f32 $1.000000000e+00, v16;
	_ =	sdelay $0x1  }
0x20f: {  	(erf) = vrcp.f32 v16;
	_ =	sdelay $0x8  }
0x210: {  	v16 =	vpop (erf)  }
0x211: {  	[tilespmem:s26+$0x0] =	vst v16  }
0x212: {  	[tilespmem:s12], [sflag:$0x1] =	stream.indirect.gather [hbm4b:s3+s11], $0x80, s20, s11, $0xb8;
	[tilespmem:$0x10780] =	vst v63  }
0x213: {  	_ = 	snop  }
0x214: {  	[tilespmem:s13], [sflag:$0x2] =	stream.indirect.gather [hbm4b:s4+s11], $0x80, s21, s11, $0xb8;
	[tilespmem:$0x10780] =	vst v63  }
0x215: {  	_ = 	snop  }
0x216: {  	[tilespmem:s14], [sflag:$0x1] =	stream.indirect.gather [hbm4b:s3+s11], $0x80, s22, s11, $0xb8;
	[tilespmem:$0x10780] =	vst v63  }
0x217: {  	_ = 	snop  }
0x218: {  	[tilespmem:s16], [sflag:$0x2] =	stream.indirect.gather [hbm4b:s4+s11], $0x80, s23, s11, $0xb8;
	[tilespmem:$0x10780] =	vst v63  }
0x219: {  	_ =	swait.ge [sflag:s17], $0x4000  }
0x21a: {  	[sflag:s17] =	ssyncset.done $0x0  }
0x21b: {  	[sflag:s17] =	ssyncadd.s32 $0xFFFFC000  }
0x21c: {  	_ =	swait.ge [sflag:s18], $0x4000  }
0x21d: {  	[sflag:s18] =	ssyncset.done $0x0  }
0x21e: {  	[sflag:s18] =	ssyncadd.s32 $0xFFFFC000  }
0x21f: {  	_ =	swait.ge [sflag:s17], $0x4000  }
0x220: {  	[sflag:s17] =	ssyncset.done $0x0  }
0x221: {  	[sflag:s17] =	ssyncadd.s32 $0xFFFFC000  }
0x222: {  	_ =	swait.ge [sflag:s18], $0x4000  }
0x223: {  	[sflag:s18] =	ssyncset.done $0x0  }
0x224: {  	s26 =	simm.s32 $0x800;
	[sflag:s18] =	ssyncadd.s32 $0xFFFFC000  }
0x225: {  	s28 =	simm.s32 $0x8800;
	v16 =	vld [tilespmem:s26+$0xFFFFFC00]  }
0x226: {  	v17 =	vld [tilespmem:s28+$0xFFFFFC10]  }
0x227: {  	v18 =	vld [tilespmem:s26+$0xFFFFFC10]  }
0x228: {  	v19 =	vld [tilespmem:s28+$0xFFFFFC00]  }
0x229: {  	v20 =	vld [tilespmem:s28+$0xFFFFFC20]  }
0x22a: {  	v21 =	vld [tilespmem:s26+$0xFFFFFC20]  }
0x22b: {  	v22 =	vld [tilespmem:s28+$0xFFFFFC30]  }
0x22c: {  	v23 =	vld [tilespmem:s26+$0xFFFFFC30]  }
0x22d: {  	v17 =	vmul.f32 v17, v18;
	v16 =	vmul.f32 v19, v16;
	_ =	sdelay $0x1  }
0x22e: {  	v16 =	vadd.f32 v17, v16;
	v17 =	vmul.f32 v20, v21;
	_ =	sdelay $0x1  }
0x22f: {  	v16 =	vadd.f32 v17, v16;
	v17 =	vmul.f32 v22, v23;
	_ =	sdelay $0x1  }
0x230: {  	v16 =	vadd.f32 v17, v16;
	_ =	sdelay $0x1  }
0x231: {  	[tilespmem:$0x10600] =	vst v16  }
0x232: {  	v16 =	vld [tilespmem:s28+$0xFFFFFC90]  }
0x233: {  	v17 =	vld [tilespmem:s26+$0xFFFFFC80]  }
0x234: {  	v18 =	vld [tilespmem:s26+$0xFFFFFC90]  }
0x235: {  	v19 =	vld [tilespmem:s28+$0xFFFFFC80]  }
0x236: {  	v20 =	vld [tilespmem:s28+$0xFFFFFCA0]  }
0x237: {  	v21 =	vld [tilespmem:s26+$0xFFFFFCA0]  }
0x238: {  	v22 =	vld [tilespmem:s28+$0xFFFFFCB0]  }
0x239: {  	v23 =	vld [tilespmem:s26+$0xFFFFFCB0]  }
0x23a: {  	v16 =	vmul.f32 v16, v18;
	v17 =	vmul.f32 v19, v17;
	_ =	sdelay $0x1  }
0x23b: {  	v16 =	vadd.f32 v16, v17;
	v17 =	vmul.f32 v20, v21;
	_ =	sdelay $0x1  }
0x23c: {  	v16 =	vadd.f32 v17, v16;
	v17 =	vmul.f32 v22, v23;
	_ =	sdelay $0x1  }
0x23d: {  	v16 =	vadd.f32 v17, v16;
	_ =	sdelay $0x1  }
0x23e: {  	[tilespmem:$0x10611] =	vst v16  }
0x23f: {  	v16 =	vld [tilespmem:s26+$0xFFFFFD00]  }
0x240: {  	v17 =	vld [tilespmem:s28+$0xFFFFFD00]  }
0x241: {  	v18 =	vld [tilespmem:s28+$0xFFFFFD10]  }
0x242: {  	v19 =	vld [tilespmem:s26+$0xFFFFFD10]  }
0x243: {  	v20 =	vld [tilespmem:s28+$0xFFFFFD20]  }
0x244: {  	v21 =	vld [tilespmem:s26+$0xFFFFFD20]  }
0x245: {  	v22 =	vld [tilespmem:s28+$0xFFFFFD30]  }
0x246: {  	v23 =	vld [tilespmem:s26+$0xFFFFFD30]  }
0x247: {  	v16 =	vmul.f32 v17, v16;
	v17 =	vmul.f32 v18, v19;
	_ =	sdelay $0x1  }
0x248: {  	v16 =	vadd.f32 v17, v16;
	v17 =	vmul.f32 v20, v21;
	_ =	sdelay $0x1  }
0x249: {  	v16 =	vadd.f32 v17, v16;
	v17 =	vmul.f32 v22, v23;
	_ =	sdelay $0x1  }
0x24a: {  	v16 =	vadd.f32 v17, v16;
	_ =	sdelay $0x1  }
0x24b: {  	[tilespmem:$0x10622] =	vst v16  }
0x24c: {  	v16 =	vld [tilespmem:s28+$0xFFFFFD80]  }
0x24d: {  	v17 =	vld [tilespmem:s26+$0xFFFFFD80]  }
0x24e: {  	v18 =	vld [tilespmem:s26+$0xFFFFFD90]  }
0x24f: {  	v19 =	vld [tilespmem:s28+$0xFFFFFD90]  }
0x250: {  	v20 =	vld [tilespmem:s28+$0xFFFFFDA0]  }
0x251: {  	v21 =	vld [tilespmem:s26+$0xFFFFFDA0]  }
0x252: {  	v22 =	vld [tilespmem:s28+$0xFFFFFDB0]  }
0x253: {  	v23 =	vld [tilespmem:s26+$0xFFFFFDB0]  }
0x254: {  	v16 =	vmul.f32 v16, v17;
	v17 =	vmul.f32 v19, v18;
	_ =	sdelay $0x1  }
0x255: {  	v16 =	vadd.f32 v17, v16;
	v17 =	vmul.f32 v20, v21;
	_ =	sdelay $0x1  }
0x256: {  	v16 =	vadd.f32 v17, v16;
	v17 =	vmul.f32 v22, v23;
	_ =	sdelay $0x1  }
0x257: {  	v16 =	vadd.f32 v17, v16;
	_ =	sdelay $0x1  }
0x258: {  	[tilespmem:$0x10633] =	vst v16  }
0x259: {  	v16 =	vld [tilespmem:s28+$0xFFFFFE10]  }
0x25a: {  	v17 =	vld [tilespmem:s26+$0xFFFFFE00]  }
0x25b: {  	v18 =	vld [tilespmem:s28+$0xFFFFFE00]  }
0x25c: {  	v19 =	vld [tilespmem:s26+$0xFFFFFE10]  }
0x25d: {  	v20 =	vld [tilespmem:s28+$0xFFFFFE20]  }
0x25e: {  	v21 =	vld [tilespmem:s26+$0xFFFFFE20]  }
0x25f: {  	v22 =	vld [tilespmem:s28+$0xFFFFFE30]  }
0x260: {  	v23 =	vld [tilespmem:s26+$0xFFFFFE30]  }
0x261: {  	v17 =	vmul.f32 v18, v17;
	v16 =	vmul.f32 v16, v19;
	_ =	sdelay $0x1  }
0x262: {  	v16 =	vadd.f32 v16, v17;
	v17 =	vmul.f32 v20, v21;
	_ =	sdelay $0x1  }
0x263: {  	v16 =	vadd.f32 v17, v16;
	v17 =	vmul.f32 v22, v23;
	_ =	sdelay $0x1  }
0x264: {  	v16 =	vadd.f32 v17, v16;
	_ =	sdelay $0x1  }
0x265: {  	[tilespmem:$0x10644] =	vst v16  }
0x266: {  	v16 =	vld [tilespmem:s28+$0xFFFFFE90]  }
0x267: {  	v17 =	vld [tilespmem:s26+$0xFFFFFE80]  }
0x268: {  	v18 =	vld [tilespmem:s28+$0xFFFFFE80]  }
0x269: {  	v19 =	vld [tilespmem:s26+$0xFFFFFE90]  }
0x26a: {  	v20 =	vld [tilespmem:s28+$0xFFFFFEA0]  }
0x26b: {  	v21 =	vld [tilespmem:s26+$0xFFFFFEA0]  }
0x26c: {  	v22 =	vld [tilespmem:s28+$0xFFFFFEB0]  }
0x26d: {  	v23 =	vld [tilespmem:s26+$0xFFFFFEB0]  }
0x26e: {  	v17 =	vmul.f32 v18, v17;
	v16 =	vmul.f32 v16, v19;
	_ =	sdelay $0x1  }
0x26f: {  	v16 =	vadd.f32 v16, v17;
	v17 =	vmul.f32 v20, v21;
	_ =	sdelay $0x1  }
0x270: {  	v16 =	vadd.f32 v17, v16;
	v17 =	vmul.f32 v22, v23;
	_ =	sdelay $0x1  }
0x271: {  	v16 =	vadd.f32 v17, v16;
	_ =	sdelay $0x1  }
0x272: {  	[tilespmem:$0x10655] =	vst v16  }
0x273: {  	v16 =	vld [tilespmem:s28+$0xFFFFFF00]  }
0x274: {  	v17 =	vld [tilespmem:s28+$0xFFFFFF10]  }
0x275: {  	v18 =	vld [tilespmem:s26+$0xFFFFFF10]  }
0x276: {  	v19 =	vld [tilespmem:s26+$0xFFFFFF00]  }
0x277: {  	v20 =	vld [tilespmem:s28+$0xFFFFFF20]  }
0x278: {  	v21 =	vld [tilespmem:s26+$0xFFFFFF20]  }
0x279: {  	v22 =	vld [tilespmem:s28+$0xFFFFFF30]  }
0x27a: {  	v23 =	vld [tilespmem:s26+$0xFFFFFF30]  }
0x27b: {  	v17 =	vmul.f32 v17, v18;
	v16 =	vmul.f32 v16, v19;
	_ =	sdelay $0x1  }
0x27c: {  	v16 =	vadd.f32 v17, v16;
	v17 =	vmul.f32 v20, v21;
	_ =	sdelay $0x1  }
0x27d: {  	v16 =	vadd.f32 v17, v16;
	v17 =	vmul.f32 v22, v23;
	_ =	sdelay $0x1  }
0x27e: {  	v16 =	vadd.f32 v17, v16;
	_ =	sdelay $0x1  }
0x27f: {  	[tilespmem:$0x10666] =	vst v16  }
0x280: {  	v16 =	vld [tilespmem:s28+$0xFFFFFF90]  }
0x281: {  	v17 =	vld [tilespmem:s28+$0xFFFFFF80]  }
0x282: {  	v18 =	vld [tilespmem:s26+$0xFFFFFF80]  }
0x283: {  	v19 =	vld [tilespmem:s26+$0xFFFFFF90]  }
0x284: {  	v20 =	vld [tilespmem:s28+$0xFFFFFFA0]  }
0x285: {  	v21 =	vld [tilespmem:s26+$0xFFFFFFA0]  }
0x286: {  	v22 =	vld [tilespmem:s28+$0xFFFFFFB0]  }
0x287: {  	v23 =	vld [tilespmem:s26+$0xFFFFFFB0]  }
0x288: {  	v17 =	vmul.f32 v17, v18;
	v16 =	vmul.f32 v16, v19;
	_ =	sdelay $0x1  }
0x289: {  	v16 =	vadd.f32 v16, v17;
	v17 =	vmul.f32 v20, v21;
	_ =	sdelay $0x1  }
0x28a: {  	v16 =	vadd.f32 v17, v16;
	v17 =	vmul.f32 v22, v23;
	_ =	sdelay $0x1  }
0x28b: {  	v16 =	vadd.f32 v17, v16;
	_ =	sdelay $0x1  }
0x28c: {  	[tilespmem:$0x10677] =	vst v16  }
0x28d: {  	v16 =	vld [tilespmem:s28+$0x0]  }
0x28e: {  	v17 =	vld [tilespmem:s28+$0x10]  }
0x28f: {  	v18 =	vld [tilespmem:s26+$0x0]  }
0x290: {  	v19 =	vld [tilespmem:s26+$0x10]  }
0x291: {  	v20 =	vld [tilespmem:s28+$0x20]  }
0x292: {  	v21 =	vld [tilespmem:s26+$0x20]  }
0x293: {  	v22 =	vld [tilespmem:s28+$0x30]  }
0x294: {  	v23 =	vld [tilespmem:s26+$0x30]  }
0x295: {  	v16 =	vmul.f32 v16, v18;
	v17 =	vmul.f32 v17, v19;
	_ =	sdelay $0x1  }
0x296: {  	v16 =	vadd.f32 v17, v16;
	v17 =	vmul.f32 v20, v21;
	_ =	sdelay $0x1  }
0x297: {  	v16 =	vadd.f32 v17, v16;
	v17 =	vmul.f32 v22, v23;
	_ =	sdelay $0x1  }
0x298: {  	v16 =	vadd.f32 v17, v16;
	_ =	sdelay $0x1  }
0x299: {  	[tilespmem:$0x10688] =	vst v16  }
0x29a: {  	v16 =	vld [tilespmem:s28+$0x80]  }
0x29b: {  	v17 =	vld [tilespmem:s28+$0x90]  }
0x29c: {  	v18 =	vld [tilespmem:s26+$0x80]  }
0x29d: {  	v19 =	vld [tilespmem:s26+$0x90]  }
0x29e: {  	v20 =	vld [tilespmem:s26+$0xA0]  }
0x29f: {  	v21 =	vld [tilespmem:s28+$0xA0]  }
0x2a0: {  	v22 =	vld [tilespmem:s26+$0xB0]  }
0x2a1: {  	v23 =	vld [tilespmem:s28+$0xB0]  }
0x2a2: {  	v16 =	vmul.f32 v16, v18;
	v17 =	vmul.f32 v17, v19;
	_ =	sdelay $0x1  }
0x2a3: {  	v16 =	vadd.f32 v17, v16;
	v17 =	vmul.f32 v21, v20;
	_ =	sdelay $0x1  }
0x2a4: {  	v16 =	vadd.f32 v17, v16;
	v17 =	vmul.f32 v23, v22;
	_ =	sdelay $0x1  }
0x2a5: {  	v16 =	vadd.f32 v17, v16;
	_ =	sdelay $0x1  }
0x2a6: {  	[tilespmem:$0x10699] =	vst v16  }
0x2a7: {  	v16 =	vld [tilespmem:s28+$0x100]  }
0x2a8: {  	v17 =	vld [tilespmem:s28+$0x110]  }
0x2a9: {  	v18 =	vld [tilespmem:s26+$0x100]  }
0x2aa: {  	v19 =	vld [tilespmem:s26+$0x110]  }
0x2ab: {  	v20 =	vld [tilespmem:s26+$0x120]  }
0x2ac: {  	v21 =	vld [tilespmem:s28+$0x120]  }
0x2ad: {  	v22 =	vld [tilespmem:s26+$0x130]  }
0x2ae: {  	v23 =	vld [tilespmem:s28+$0x130]  }
0x2af: {  	v16 =	vmul.f32 v16, v18;
	v17 =	vmul.f32 v17, v19;
	_ =	sdelay $0x1  }
0x2b0: {  	v16 =	vadd.f32 v17, v16;
	v17 =	vmul.f32 v21, v20;
	_ =	sdelay $0x1  }
0x2b1: {  	v16 =	vadd.f32 v17, v16;
	v17 =	vmul.f32 v23, v22;
	_ =	sdelay $0x1  }
0x2b2: {  	v16 =	vadd.f32 v17, v16;
	_ =	sdelay $0x1  }
0x2b3: {  	[tilespmem:$0x106AA] =	vst v16  }
0x2b4: {  	v16 =	vld [tilespmem:s28+$0x180]  }
0x2b5: {  	v17 =	vld [tilespmem:s28+$0x190]  }
0x2b6: {  	v18 =	vld [tilespmem:s26+$0x180]  }
0x2b7: {  	v19 =	vld [tilespmem:s26+$0x190]  }
0x2b8: {  	v20 =	vld [tilespmem:s26+$0x1A0]  }
0x2b9: {  	v21 =	vld [tilespmem:s28+$0x1A0]  }
0x2ba: {  	v22 =	vld [tilespmem:s26+$0x1B0]  }
0x2bb: {  	v23 =	vld [tilespmem:s28+$0x1B0]  }
0x2bc: {  	v16 =	vmul.f32 v16, v18;
	v17 =	vmul.f32 v17, v19;
	_ =	sdelay $0x1  }
0x2bd: {  	v16 =	vadd.f32 v17, v16;
	v17 =	vmul.f32 v21, v20;
	_ =	sdelay $0x1  }
0x2be: {  	v16 =	vadd.f32 v17, v16;
	v17 =	vmul.f32 v23, v22;
	_ =	sdelay $0x1  }
0x2bf: {  	v16 =	vadd.f32 v17, v16;
	_ =	sdelay $0x1  }
0x2c0: {  	[tilespmem:$0x106BB] =	vst v16  }
0x2c1: {  	v16 =	vld [tilespmem:s28+$0x200]  }
0x2c2: {  	v17 =	vld [tilespmem:s28+$0x210]  }
0x2c3: {  	v18 =	vld [tilespmem:s26+$0x200]  }
0x2c4: {  	v19 =	vld [tilespmem:s26+$0x210]  }
0x2c5: {  	v20 =	vld [tilespmem:s26+$0x220]  }
0x2c6: {  	v21 =	vld [tilespmem:s28+$0x220]  }
0x2c7: {  	v22 =	vld [tilespmem:s26+$0x230]  }
0x2c8: {  	v23 =	vld [tilespmem:s28+$0x230]  }
0x2c9: {  	v16 =	vmul.f32 v16, v18;
	v17 =	vmul.f32 v17, v19;
	_ =	sdelay $0x1  }
0x2ca: {  	v16 =	vadd.f32 v17, v16;
	v17 =	vmul.f32 v21, v20;
	_ =	sdelay $0x1  }
0x2cb: {  	v16 =	vadd.f32 v17, v16;
	v17 =	vmul.f32 v23, v22;
	_ =	sdelay $0x1  }
0x2cc: {  	v16 =	vadd.f32 v17, v16;
	_ =	sdelay $0x1  }
0x2cd: {  	[tilespmem:$0x106CC] =	vst v16  }
0x2ce: {  	v16 =	vld [tilespmem:s28+$0x280]  }
0x2cf: {  	v17 =	vld [tilespmem:s28+$0x290]  }
0x2d0: {  	v18 =	vld [tilespmem:s26+$0x280]  }
0x2d1: {  	v19 =	vld [tilespmem:s26+$0x290]  }
0x2d2: {  	v20 =	vld [tilespmem:s26+$0x2A0]  }
0x2d3: {  	v21 =	vld [tilespmem:s28+$0x2A0]  }
0x2d4: {  	v22 =	vld [tilespmem:s26+$0x2B0]  }
0x2d5: {  	v23 =	vld [tilespmem:s28+$0x2B0]  }
0x2d6: {  	v16 =	vmul.f32 v16, v18;
	v17 =	vmul.f32 v17, v19;
	_ =	sdelay $0x1  }
0x2d7: {  	v16 =	vadd.f32 v17, v16;
	v17 =	vmul.f32 v21, v20;
	_ =	sdelay $0x1  }
0x2d8: {  	v16 =	vadd.f32 v17, v16;
	v17 =	vmul.f32 v23, v22;
	_ =	sdelay $0x1  }
0x2d9: {  	v16 =	vadd.f32 v17, v16;
	_ =	sdelay $0x1  }
0x2da: {  	[tilespmem:$0x106DD] =	vst v16  }
0x2db: {  	v16 =	vld [tilespmem:s28+$0x300]  }
0x2dc: {  	v17 =	vld [tilespmem:s28+$0x310]  }
0x2dd: {  	v18 =	vld [tilespmem:s26+$0x310]  }
0x2de: {  	v19 =	vld [tilespmem:s26+$0x300]  }
0x2df: {  	v20 =	vld [tilespmem:s26+$0x320]  }
0x2e0: {  	v21 =	vld [tilespmem:s28+$0x320]  }
0x2e1: {  	v22 =	vld [tilespmem:s26+$0x330]  }
0x2e2: {  	v23 =	vld [tilespmem:s28+$0x330]  }
0x2e3: {  	v17 =	vmul.f32 v17, v18;
	v16 =	vmul.f32 v16, v19;
	_ =	sdelay $0x1  }
0x2e4: {  	v16 =	vadd.f32 v17, v16;
	v17 =	vmul.f32 v21, v20;
	_ =	sdelay $0x1  }
0x2e5: {  	v16 =	vadd.f32 v17, v16;
	v17 =	vmul.f32 v23, v22;
	_ =	sdelay $0x1  }
0x2e6: {  	v16 =	vadd.f32 v17, v16;
	_ =	sdelay $0x1  }
0x2e7: {  	[tilespmem:$0x106EE] =	vst v16  }
0x2e8: {  	v16 =	vld [tilespmem:s26+$0x380]  }
0x2e9: {  	v17 =	vld [tilespmem:s28+$0x380]  }
0x2ea: {  	v18 =	vld [tilespmem:s28+$0x390]  }
0x2eb: {  	v19 =	vld [tilespmem:s26+$0x390]  }
0x2ec: {  	v20 =	vld [tilespmem:s26+$0x3A0]  }
0x2ed: {  	v21 =	vld [tilespmem:s28+$0x3A0]  }
0x2ee: {  	v22 =	vld [tilespmem:s26+$0x3B0]  }
0x2ef: {  	v23 =	vld [tilespmem:s28+$0x3B0]  }
0x2f0: {  	v16 =	vmul.f32 v17, v16;
	v17 =	vmul.f32 v18, v19;
	_ =	sdelay $0x1  }
0x2f1: {  	v16 =	vadd.f32 v17, v16;
	v17 =	vmul.f32 v21, v20;
	_ =	sdelay $0x1  }
0x2f2: {  	v16 =	vadd.f32 v17, v16;
	v17 =	vmul.f32 v23, v22;
	_ =	sdelay $0x1  }
0x2f3: {  	v16 =	vadd.f32 v17, v16;
	_ =	sdelay $0x1  }
0x2f4: {  	[tilespmem:$0x106FF] =	vst v16  }
0x2f5: {  	v16 =	vld.idx.msk [tilespmem:v0+s19+$0x0], $0xffff  }
0x2f6: {  	v17 =	vld.idx.msk [tilespmem:v1+s19+$0x0], $0xffff  }
0x2f7: {  	v18 =	vld.idx.msk [tilespmem:v2+s19+$0x0], $0xffff  }
0x2f8: {  	v19 =	vld.idx.msk [tilespmem:v3+s19+$0x0], $0xffff  }
0x2f9: {  	v23 =	vld.idx.msk [tilespmem:v4+s19+$0x0], $0xffff  }
0x2fa: {  	v24 =	vld.idx.msk [tilespmem:v5+s19+$0x0], $0xffff  }
0x2fb: {  	v25 =	vld.idx.msk [tilespmem:v6+s19+$0x0], $0xffff  }
0x2fc: {  	v20 =	vld.idx.msk [tilespmem:v7+s19+$0x0], $0xffff;
	v17 =	vadd.f32 v17, v16  }
0x2fd: {  	v21 =	vld.idx.msk [tilespmem:v9+s19+$0x0], $0xffff  }
0x2fe: {  	v22 =	vld.idx.msk [tilespmem:v11+s19+$0x0], $0xffff;
	v18 =	vadd.f32 v18, v17  }
0x2ff: {  	v16 =	vld.idx.msk [tilespmem:v8+s19+$0x0], $0xffff  }
0x300: {  	v17 =	vld.idx.msk [tilespmem:v10+s19+$0x0], $0xffff;
	v19 =	vadd.f32 v19, v18  }
0x301: {  	v18 =	vld.idx.msk [tilespmem:v12+s19+$0x0], $0xffff  }
0x302: {  	v26 =	vadd.f32 v23, v19;
	v23 =	vld.idx.msk [tilespmem:v13+s19+$0x0], $0xffff  }
0x303: {  	v19 =	vld.idx.msk [tilespmem:v14+s19+$0x0], $0xffff  }
0x304: {  	s29 =	simm.s32 $0x0;
	s30 =	simm.s32 $0x10;
	v26 =	vadd.f32 v24, v26;
	v24 =	vld.idx.msk [tilespmem:v15+s19+$0x0], $0xffff  }
.LBB2_4:
0x305: {  	_ = 	snop  }
0x306: {  	p0 =	sne.s32 s30, $0xF0;
	s26 =	sadd.s32 $0x800, s26;
	s28 =	sadd.s32 $0x800, s28;
	v25 =	vadd.f32 v25, v26  }
0x307: {  	s31 =	smov.u32 s30;
	s30 =	sadd.s32 $0x10, s30  }
0x308: {  	v20 =	vadd.f32 v20, v25;
	_ =	sdelay $0x1  }
0x309: {  	v16 =	vadd.f32 v16, v20;
	_ =	sdelay $0x1  }
0x30a: {  	v16 =	vadd.f32 v21, v16;
	_ =	sdelay $0x1  }
0x30b: {  	v16 =	vadd.f32 v17, v16;
	_ =	sdelay $0x1  }
0x30c: {  	v16 =	vadd.f32 v22, v16;
	_ =	sdelay $0x1  }
0x30d: {  	v16 =	vadd.f32 v18, v16;
	_ =	sdelay $0x1  }
0x30e: {  	v16 =	vadd.f32 v23, v16;
	_ =	sdelay $0x1  }
0x30f: {  	v16 =	vadd.f32 v19, v16;
	_ =	sdelay $0x1  }
0x310: {  	v16 =	vadd.f32 v24, v16;
	_ =	sdelay $0x1  }
0x311: {  	v16 =	vsub.f32 $0.0e+00, v16;
	_ =	sdelay $0x1  }
0x312: {  	v16 =	vmul.f32 $1.442695020e+00, v16;
	_ =	sdelay $0x1  }
0x313: {  	(erf) = vpow2.f32 v16;
	_ =	sdelay $0x8  }
0x314: {  	v16 =	vpop (erf)  }
0x315: {  	v16 =	vadd.f32 $1.000000000e+00, v16;
	_ =	sdelay $0x1  }
0x316: {  	(erf) = vrcp.f32 v16;
	_ =	sdelay $0x7  }
0x317: {  	s0 =	sand.u32 $0xF0, s29;
	s29 =	smov.u32 s31  }
0x318: {  	v16 =	vpop (erf)  }
0x319: {  	[tilespmem:s0+$0x10500] =	vst v16  }
0x31a: {  	v16 =	vld [tilespmem:s26+$0xFFFFFC00]  }
0x31b: {  	v17 =	vld [tilespmem:s28+$0xFFFFFC10]  }
0x31c: {  	v18 =	vld [tilespmem:s26+$0xFFFFFC10]  }
0x31d: {  	v19 =	vld [tilespmem:s28+$0xFFFFFC00]  }
0x31e: {  	v20 =	vld [tilespmem:s28+$0xFFFFFC20]  }
0x31f: {  	v21 =	vld [tilespmem:s26+$0xFFFFFC20]  }
0x320: {  	v22 =	vld [tilespmem:s28+$0xFFFFFC30]  }
0x321: {  	v17 =	vmul.f32 v17, v18;
	v18 =	vld [tilespmem:s26+$0xFFFFFC30]  }
0x322: {  	v16 =	vmul.f32 v19, v16;
	_ =	sdelay $0x1  }
0x323: {  	v16 =	vadd.f32 v17, v16;
	v17 =	vmul.f32 v20, v21;
	_ =	sdelay $0x1  }
0x324: {  	v16 =	vadd.f32 v17, v16;
	v17 =	vmul.f32 v22, v18;
	_ =	sdelay $0x1  }
0x325: {  	v16 =	vadd.f32 v17, v16;
	_ =	sdelay $0x1  }
0x326: {  	[tilespmem:$0x10600] =	vst v16  }
0x327: {  	v16 =	vld [tilespmem:s28+$0xFFFFFC90]  }
0x328: {  	v17 =	vld [tilespmem:s26+$0xFFFFFC80]  }
0x329: {  	v18 =	vld [tilespmem:s26+$0xFFFFFC90]  }
0x32a: {  	v19 =	vld [tilespmem:s28+$0xFFFFFC80]  }
0x32b: {  	v20 =	vld [tilespmem:s28+$0xFFFFFCA0]  }
0x32c: {  	v21 =	vld [tilespmem:s26+$0xFFFFFCA0]  }
0x32d: {  	v22 =	vld [tilespmem:s28+$0xFFFFFCB0]  }
0x32e: {  	v16 =	vmul.f32 v16, v18;
	v18 =	vld [tilespmem:s26+$0xFFFFFCB0]  }
0x32f: {  	v17 =	vmul.f32 v19, v17;
	_ =	sdelay $0x1  }
0x330: {  	v16 =	vadd.f32 v16, v17;
	v17 =	vmul.f32 v20, v21;
	_ =	sdelay $0x1  }
0x331: {  	v16 =	vadd.f32 v17, v16;
	v17 =	vmul.f32 v22, v18;
	_ =	sdelay $0x1  }
0x332: {  	v16 =	vadd.f32 v17, v16;
	_ =	sdelay $0x1  }
0x333: {  	[tilespmem:$0x10611] =	vst v16  }
0x334: {  	v16 =	vld [tilespmem:s26+$0xFFFFFD00]  }
0x335: {  	v17 =	vld [tilespmem:s28+$0xFFFFFD00]  }
0x336: {  	v18 =	vld [tilespmem:s28+$0xFFFFFD10]  }
0x337: {  	v19 =	vld [tilespmem:s26+$0xFFFFFD10]  }
0x338: {  	v20 =	vld [tilespmem:s28+$0xFFFFFD20]  }
0x339: {  	v21 =	vld [tilespmem:s26+$0xFFFFFD20]  }
0x33a: {  	v16 =	vmul.f32 v17, v16;
	v17 =	vld [tilespmem:s28+$0xFFFFFD30]  }
0x33b: {  	v22 =	vld [tilespmem:s26+$0xFFFFFD30]  }
0x33c: {  	v18 =	vmul.f32 v18, v19;
	_ =	sdelay $0x1  }
0x33d: {  	v16 =	vadd.f32 v18, v16;
	v18 =	vmul.f32 v20, v21;
	_ =	sdelay $0x1  }
0x33e: {  	v16 =	vadd.f32 v18, v16;
	v17 =	vmul.f32 v17, v22;
	_ =	sdelay $0x1  }
0x33f: {  	v16 =	vadd.f32 v17, v16;
	_ =	sdelay $0x1  }
0x340: {  	[tilespmem:$0x10622] =	vst v16  }
0x341: {  	v16 =	vld [tilespmem:s28+$0xFFFFFD80]  }
0x342: {  	v17 =	vld [tilespmem:s26+$0xFFFFFD80]  }
0x343: {  	v18 =	vld [tilespmem:s26+$0xFFFFFD90]  }
0x344: {  	v19 =	vld [tilespmem:s28+$0xFFFFFD90]  }
0x345: {  	v20 =	vld [tilespmem:s28+$0xFFFFFDA0]  }
0x346: {  	v21 =	vld [tilespmem:s26+$0xFFFFFDA0]  }
0x347: {  	v16 =	vmul.f32 v16, v17;
	v17 =	vld [tilespmem:s28+$0xFFFFFDB0]  }
0x348: {  	v22 =	vld [tilespmem:s26+$0xFFFFFDB0]  }
0x349: {  	v18 =	vmul.f32 v19, v18;
	_ =	sdelay $0x1  }
0x34a: {  	v16 =	vadd.f32 v18, v16;
	v18 =	vmul.f32 v20, v21;
	_ =	sdelay $0x1  }
0x34b: {  	v16 =	vadd.f32 v18, v16;
	v17 =	vmul.f32 v17, v22;
	_ =	sdelay $0x1  }
0x34c: {  	v16 =	vadd.f32 v17, v16;
	_ =	sdelay $0x1  }
0x34d: {  	[tilespmem:$0x10633] =	vst v16  }
0x34e: {  	v16 =	vld [tilespmem:s28+$0xFFFFFE10]  }
0x34f: {  	v17 =	vld [tilespmem:s26+$0xFFFFFE00]  }
0x350: {  	v18 =	vld [tilespmem:s28+$0xFFFFFE00]  }
0x351: {  	v19 =	vld [tilespmem:s26+$0xFFFFFE10]  }
0x352: {  	v20 =	vld [tilespmem:s28+$0xFFFFFE20]  }
0x353: {  	v21 =	vld [tilespmem:s26+$0xFFFFFE20]  }
0x354: {  	v22 =	vld [tilespmem:s28+$0xFFFFFE30]  }
0x355: {  	v17 =	vmul.f32 v18, v17;
	v18 =	vld [tilespmem:s26+$0xFFFFFE30]  }
0x356: {  	v16 =	vmul.f32 v16, v19;
	_ =	sdelay $0x1  }
0x357: {  	v16 =	vadd.f32 v16, v17;
	v17 =	vmul.f32 v20, v21;
	_ =	sdelay $0x1  }
0x358: {  	v16 =	vadd.f32 v17, v16;
	v17 =	vmul.f32 v22, v18;
	_ =	sdelay $0x1  }
0x359: {  	v16 =	vadd.f32 v17, v16;
	_ =	sdelay $0x1  }
0x35a: {  	[tilespmem:$0x10644] =	vst v16  }
0x35b: {  	v16 =	vld [tilespmem:s28+$0xFFFFFE90]  }
0x35c: {  	v17 =	vld [tilespmem:s26+$0xFFFFFE80]  }
0x35d: {  	v18 =	vld [tilespmem:s28+$0xFFFFFE80]  }
0x35e: {  	v19 =	vld [tilespmem:s26+$0xFFFFFE90]  }
0x35f: {  	v20 =	vld [tilespmem:s28+$0xFFFFFEA0]  }
0x360: {  	v21 =	vld [tilespmem:s26+$0xFFFFFEA0]  }
0x361: {  	v22 =	vld [tilespmem:s28+$0xFFFFFEB0]  }
0x362: {  	v17 =	vmul.f32 v18, v17;
	v18 =	vld [tilespmem:s26+$0xFFFFFEB0]  }
0x363: {  	v16 =	vmul.f32 v16, v19;
	_ =	sdelay $0x1  }
0x364: {  	v16 =	vadd.f32 v16, v17;
	v17 =	vmul.f32 v20, v21;
	_ =	sdelay $0x1  }
0x365: {  	v16 =	vadd.f32 v17, v16;
	v17 =	vmul.f32 v22, v18;
	_ =	sdelay $0x1  }
0x366: {  	v16 =	vadd.f32 v17, v16;
	_ =	sdelay $0x1  }
0x367: {  	[tilespmem:$0x10655] =	vst v16  }
0x368: {  	v16 =	vld [tilespmem:s28+$0xFFFFFF00]  }
0x369: {  	v17 =	vld [tilespmem:s28+$0xFFFFFF10]  }
0x36a: {  	v18 =	vld [tilespmem:s26+$0xFFFFFF10]  }
0x36b: {  	v19 =	vld [tilespmem:s26+$0xFFFFFF00]  }
0x36c: {  	v20 =	vld [tilespmem:s28+$0xFFFFFF20]  }
0x36d: {  	v21 =	vld [tilespmem:s26+$0xFFFFFF20]  }
0x36e: {  	v22 =	vld [tilespmem:s28+$0xFFFFFF30]  }
0x36f: {  	v17 =	vmul.f32 v17, v18;
	v18 =	vld [tilespmem:s26+$0xFFFFFF30]  }
0x370: {  	v16 =	vmul.f32 v16, v19;
	_ =	sdelay $0x1  }
0x371: {  	v16 =	vadd.f32 v17, v16;
	v17 =	vmul.f32 v20, v21;
	_ =	sdelay $0x1  }
0x372: {  	v16 =	vadd.f32 v17, v16;
	v17 =	vmul.f32 v22, v18;
	_ =	sdelay $0x1  }
0x373: {  	v16 =	vadd.f32 v17, v16;
	_ =	sdelay $0x1  }
0x374: {  	[tilespmem:$0x10666] =	vst v16  }
0x375: {  	v16 =	vld [tilespmem:s28+$0xFFFFFF90]  }
0x376: {  	v17 =	vld [tilespmem:s28+$0xFFFFFF80]  }
0x377: {  	v18 =	vld [tilespmem:s26+$0xFFFFFF80]  }
0x378: {  	v19 =	vld [tilespmem:s26+$0xFFFFFF90]  }
0x379: {  	v20 =	vld [tilespmem:s28+$0xFFFFFFA0]  }
0x37a: {  	v21 =	vld [tilespmem:s26+$0xFFFFFFA0]  }
0x37b: {  	v22 =	vld [tilespmem:s28+$0xFFFFFFB0]  }
0x37c: {  	v17 =	vmul.f32 v17, v18;
	v18 =	vld [tilespmem:s26+$0xFFFFFFB0]  }
0x37d: {  	v16 =	vmul.f32 v16, v19;
	_ =	sdelay $0x1  }
0x37e: {  	v16 =	vadd.f32 v16, v17;
	v17 =	vmul.f32 v20, v21;
	_ =	sdelay $0x1  }
0x37f: {  	v16 =	vadd.f32 v17, v16;
	v17 =	vmul.f32 v22, v18;
	_ =	sdelay $0x1  }
0x380: {  	v16 =	vadd.f32 v17, v16;
	_ =	sdelay $0x1  }
0x381: {  	[tilespmem:$0x10677] =	vst v16  }
0x382: {  	v16 =	vld [tilespmem:s28+$0x0]  }
0x383: {  	v17 =	vld [tilespmem:s28+$0x10]  }
0x384: {  	v18 =	vld [tilespmem:s26+$0x0]  }
0x385: {  	v19 =	vld [tilespmem:s26+$0x10]  }
0x386: {  	v20 =	vld [tilespmem:s28+$0x20]  }
0x387: {  	v21 =	vld [tilespmem:s26+$0x20]  }
0x388: {  	v22 =	vld [tilespmem:s28+$0x30]  }
0x389: {  	v16 =	vmul.f32 v16, v18;
	v18 =	vld [tilespmem:s26+$0x30]  }
0x38a: {  	v17 =	vmul.f32 v17, v19;
	_ =	sdelay $0x1  }
0x38b: {  	v16 =	vadd.f32 v17, v16;
	v17 =	vmul.f32 v20, v21;
	_ =	sdelay $0x1  }
0x38c: {  	v16 =	vadd.f32 v17, v16;
	v17 =	vmul.f32 v22, v18;
	_ =	sdelay $0x1  }
0x38d: {  	v16 =	vadd.f32 v17, v16;
	_ =	sdelay $0x1  }
0x38e: {  	[tilespmem:$0x10688] =	vst v16  }
0x38f: {  	v16 =	vld [tilespmem:s28+$0x80]  }
0x390: {  	v17 =	vld [tilespmem:s28+$0x90]  }
0x391: {  	v18 =	vld [tilespmem:s26+$0x80]  }
0x392: {  	v19 =	vld [tilespmem:s26+$0x90]  }
0x393: {  	v20 =	vld [tilespmem:s26+$0xA0]  }
0x394: {  	v21 =	vld [tilespmem:s28+$0xA0]  }
0x395: {  	v22 =	vld [tilespmem:s26+$0xB0]  }
0x396: {  	v16 =	vmul.f32 v16, v18;
	v18 =	vld [tilespmem:s28+$0xB0]  }
0x397: {  	v17 =	vmul.f32 v17, v19;
	_ =	sdelay $0x1  }
0x398: {  	v16 =	vadd.f32 v17, v16;
	v17 =	vmul.f32 v21, v20;
	_ =	sdelay $0x1  }
0x399: {  	v16 =	vadd.f32 v17, v16;
	v17 =	vmul.f32 v18, v22;
	_ =	sdelay $0x1  }
0x39a: {  	v16 =	vadd.f32 v17, v16;
	_ =	sdelay $0x1  }
0x39b: {  	[tilespmem:$0x10699] =	vst v16  }
0x39c: {  	v16 =	vld [tilespmem:s28+$0x100]  }
0x39d: {  	v17 =	vld [tilespmem:s28+$0x110]  }
0x39e: {  	v18 =	vld [tilespmem:s26+$0x100]  }
0x39f: {  	v19 =	vld [tilespmem:s26+$0x110]  }
0x3a0: {  	v20 =	vld [tilespmem:s26+$0x120]  }
0x3a1: {  	v21 =	vld [tilespmem:s28+$0x120]  }
0x3a2: {  	v22 =	vld [tilespmem:s26+$0x130]  }
0x3a3: {  	v16 =	vmul.f32 v16, v18;
	v18 =	vld [tilespmem:s28+$0x130]  }
0x3a4: {  	v17 =	vmul.f32 v17, v19;
	_ =	sdelay $0x1  }
0x3a5: {  	v16 =	vadd.f32 v17, v16;
	v17 =	vmul.f32 v21, v20;
	_ =	sdelay $0x1  }
0x3a6: {  	v16 =	vadd.f32 v17, v16;
	v17 =	vmul.f32 v18, v22;
	_ =	sdelay $0x1  }
0x3a7: {  	v16 =	vadd.f32 v17, v16;
	_ =	sdelay $0x1  }
0x3a8: {  	[tilespmem:$0x106AA] =	vst v16  }
0x3a9: {  	v16 =	vld [tilespmem:s28+$0x180]  }
0x3aa: {  	v17 =	vld [tilespmem:s28+$0x190]  }
0x3ab: {  	v18 =	vld [tilespmem:s26+$0x180]  }
0x3ac: {  	v19 =	vld [tilespmem:s26+$0x190]  }
0x3ad: {  	v20 =	vld [tilespmem:s26+$0x1A0]  }
0x3ae: {  	v21 =	vld [tilespmem:s28+$0x1A0]  }
0x3af: {  	v22 =	vld [tilespmem:s26+$0x1B0]  }
0x3b0: {  	v16 =	vmul.f32 v16, v18;
	v18 =	vld [tilespmem:s28+$0x1B0]  }
0x3b1: {  	v17 =	vmul.f32 v17, v19;
	_ =	sdelay $0x1  }
0x3b2: {  	v16 =	vadd.f32 v17, v16;
	v17 =	vmul.f32 v21, v20;
	_ =	sdelay $0x1  }
0x3b3: {  	v16 =	vadd.f32 v17, v16;
	v17 =	vmul.f32 v18, v22;
	_ =	sdelay $0x1  }
0x3b4: {  	v16 =	vadd.f32 v17, v16;
	_ =	sdelay $0x1  }
0x3b5: {  	[tilespmem:$0x106BB] =	vst v16  }
0x3b6: {  	v16 =	vld [tilespmem:s28+$0x200]  }
0x3b7: {  	v17 =	vld [tilespmem:s28+$0x210]  }
0x3b8: {  	v18 =	vld [tilespmem:s26+$0x200]  }
0x3b9: {  	v19 =	vld [tilespmem:s26+$0x210]  }
0x3ba: {  	v20 =	vld [tilespmem:s26+$0x220]  }
0x3bb: {  	v21 =	vld [tilespmem:s28+$0x220]  }
0x3bc: {  	v22 =	vld [tilespmem:s26+$0x230]  }
0x3bd: {  	v16 =	vmul.f32 v16, v18;
	v18 =	vld [tilespmem:s28+$0x230]  }
0x3be: {  	v17 =	vmul.f32 v17, v19;
	_ =	sdelay $0x1  }
0x3bf: {  	v16 =	vadd.f32 v17, v16;
	v17 =	vmul.f32 v21, v20;
	_ =	sdelay $0x1  }
0x3c0: {  	v16 =	vadd.f32 v17, v16;
	v17 =	vmul.f32 v18, v22;
	_ =	sdelay $0x1  }
0x3c1: {  	v16 =	vadd.f32 v17, v16;
	_ =	sdelay $0x1  }
0x3c2: {  	[tilespmem:$0x106CC] =	vst v16  }
0x3c3: {  	v16 =	vld [tilespmem:s28+$0x280]  }
0x3c4: {  	v17 =	vld [tilespmem:s28+$0x290]  }
0x3c5: {  	v18 =	vld [tilespmem:s26+$0x280]  }
0x3c6: {  	v19 =	vld [tilespmem:s26+$0x290]  }
0x3c7: {  	v20 =	vld [tilespmem:s26+$0x2A0]  }
0x3c8: {  	v21 =	vld [tilespmem:s28+$0x2A0]  }
0x3c9: {  	v22 =	vld [tilespmem:s26+$0x2B0]  }
0x3ca: {  	v16 =	vmul.f32 v16, v18;
	v18 =	vld [tilespmem:s28+$0x2B0]  }
0x3cb: {  	v17 =	vmul.f32 v17, v19;
	_ =	sdelay $0x1  }
0x3cc: {  	v16 =	vadd.f32 v17, v16;
	v17 =	vmul.f32 v21, v20;
	_ =	sdelay $0x1  }
0x3cd: {  	v16 =	vadd.f32 v17, v16;
	v17 =	vmul.f32 v18, v22;
	_ =	sdelay $0x1  }
0x3ce: {  	v16 =	vadd.f32 v17, v16;
	_ =	sdelay $0x1  }
0x3cf: {  	[tilespmem:$0x106DD] =	vst v16  }
0x3d0: {  	v16 =	vld [tilespmem:s28+$0x300]  }
0x3d1: {  	v17 =	vld [tilespmem:s28+$0x310]  }
0x3d2: {  	v18 =	vld [tilespmem:s26+$0x310]  }
0x3d3: {  	v19 =	vld [tilespmem:s26+$0x300]  }
0x3d4: {  	v20 =	vld [tilespmem:s26+$0x320]  }
0x3d5: {  	v21 =	vld [tilespmem:s28+$0x320]  }
0x3d6: {  	v22 =	vld [tilespmem:s26+$0x330]  }
0x3d7: {  	v17 =	vmul.f32 v17, v18;
	v18 =	vld [tilespmem:s28+$0x330]  }
0x3d8: {  	v16 =	vmul.f32 v16, v19;
	_ =	sdelay $0x1  }
0x3d9: {  	v16 =	vadd.f32 v17, v16;
	v17 =	vmul.f32 v21, v20;
	_ =	sdelay $0x1  }
0x3da: {  	v16 =	vadd.f32 v17, v16;
	v17 =	vmul.f32 v18, v22;
	_ =	sdelay $0x1  }
0x3db: {  	v16 =	vadd.f32 v17, v16;
	_ =	sdelay $0x1  }
0x3dc: {  	[tilespmem:$0x106EE] =	vst v16  }
0x3dd: {  	v16 =	vld [tilespmem:s26+$0x380]  }
0x3de: {  	v17 =	vld [tilespmem:s28+$0x380]  }
0x3df: {  	v18 =	vld [tilespmem:s28+$0x390]  }
0x3e0: {  	v19 =	vld [tilespmem:s26+$0x390]  }
0x3e1: {  	v20 =	vld [tilespmem:s26+$0x3A0]  }
0x3e2: {  	v21 =	vld [tilespmem:s28+$0x3A0]  }
0x3e3: {  	v16 =	vmul.f32 v17, v16;
	v17 =	vld [tilespmem:s26+$0x3B0]  }
0x3e4: {  	v22 =	vld [tilespmem:s28+$0x3B0]  }
0x3e5: {  	v18 =	vmul.f32 v18, v19;
	_ =	sdelay $0x1  }
0x3e6: {  	v16 =	vadd.f32 v18, v16;
	v18 =	vmul.f32 v21, v20;
	_ =	sdelay $0x1  }
0x3e7: {  	v16 =	vadd.f32 v18, v16;
	v17 =	vmul.f32 v22, v17;
	_ =	sdelay $0x1  }
0x3e8: {  	v16 =	vadd.f32 v17, v16;
	_ =	sdelay $0x1  }
0x3e9: {  	[tilespmem:$0x106FF] =	vst v16  }
0x3ea: {  	v16 =	vld.idx.msk [tilespmem:v0+s19+$0x0], $0xffff  }
0x3eb: {  	v17 =	vld.idx.msk [tilespmem:v1+s19+$0x0], $0xffff  }
0x3ec: {  	v18 =	vld.idx.msk [tilespmem:v2+s19+$0x0], $0xffff  }
0x3ed: {  	v19 =	vld.idx.msk [tilespmem:v3+s19+$0x0], $0xffff  }
0x3ee: {  	v23 =	vld.idx.msk [tilespmem:v4+s19+$0x0], $0xffff  }
0x3ef: {  	v24 =	vld.idx.msk [tilespmem:v5+s19+$0x0], $0xffff  }
0x3f0: {  	v25 =	vld.idx.msk [tilespmem:v6+s19+$0x0], $0xffff  }
0x3f1: {  	v17 =	vadd.f32 v17, v16;
	v20 =	vld.idx.msk [tilespmem:v7+s19+$0x0], $0xffff  }
0x3f2: {  	v16 =	vld.idx.msk [tilespmem:v8+s19+$0x0], $0xffff  }
0x3f3: {  	v18 =	vadd.f32 v18, v17;
	v21 =	vld.idx.msk [tilespmem:v9+s19+$0x0], $0xffff  }
0x3f4: {  	v17 =	vld.idx.msk [tilespmem:v10+s19+$0x0], $0xffff  }
.Ltmp1:
0x3f5: {  	v19 =	vadd.f32 v19, v18;
	v22 =	vld.idx.msk [tilespmem:v11+s19+$0x0], $0xffff;
	(pc) =	sbr.rel @p0 .LBB2_4-.Ltmp1, $4  }
0x3f6: {  	v18 =	vld.idx.msk [tilespmem:v12+s19+$0x0], $0xffff  }
0x3f7: {  	v26 =	vadd.f32 v23, v19;
	v23 =	vld.idx.msk [tilespmem:v13+s19+$0x0], $0xffff  }
0x3f8: {  	v19 =	vld.idx.msk [tilespmem:v14+s19+$0x0], $0xffff  }
0x3f9: {  	v26 =	vadd.f32 v24, v26;
	v24 =	vld.idx.msk [tilespmem:v15+s19+$0x0], $0xffff  }
0x3fa: {  	_ = 	snop  }
0x3fb: {  	v25 =	vadd.f32 v25, v26;
	_ =	sdelay $0x1  }
0x3fc: {  	v20 =	vadd.f32 v20, v25;
	_ =	sdelay $0x1  }
0x3fd: {  	v16 =	vadd.f32 v16, v20;
	_ =	sdelay $0x1  }
0x3fe: {  	v16 =	vadd.f32 v21, v16;
	_ =	sdelay $0x1  }
0x3ff: {  	v16 =	vadd.f32 v17, v16;
	_ =	sdelay $0x1  }
0x400: {  	v16 =	vadd.f32 v22, v16;
	_ =	sdelay $0x1  }
0x401: {  	v16 =	vadd.f32 v18, v16;
	_ =	sdelay $0x1  }
0x402: {  	v16 =	vadd.f32 v23, v16;
	_ =	sdelay $0x1  }
0x403: {  	v16 =	vadd.f32 v19, v16;
	_ =	sdelay $0x1  }
0x404: {  	v16 =	vadd.f32 v24, v16;
	_ =	sdelay $0x1  }
0x405: {  	v16 =	vsub.f32 $0.0e+00, v16;
	_ =	sdelay $0x1  }
0x406: {  	v16 =	vmul.f32 $1.442695020e+00, v16;
	_ =	sdelay $0x1  }
0x407: {  	(erf) = vpow2.f32 v16;
	_ =	sdelay $0x8  }
0x408: {  	v16 =	vpop (erf)  }
0x409: {  	v16 =	vadd.f32 $1.000000000e+00, v16;
	_ =	sdelay $0x1  }
0x40a: {  	(erf) = vrcp.f32 v16;
	_ =	sdelay $0x7  }
0x40b: {  	s25 =	sadd.s32 $0x1, s25  }
0x40c: {  	s0 =	sand.u32 $0xF0, s29;
	p0 =	sne.s32 s25, s8;
	v16 =	vpop (erf)  }
.Ltmp2:
0x40d: {  	[tilespmem:s0+$0x10500] =	vst v16;
	(pc) =	sbr.rel @p0 .LBB2_1-.Ltmp2, $4  }
0x40e: {  	[hbm4b:s7+s1] =	stream.linear.scatter [tilespmem:s24], [sflag:$0x3], $0x200, $0x38;
	[tilespmem:$0x10780] =	vst v63  }
0x40f: {  	_ =	swait.ge [sflag:s9], $0x200  }
0x410: {  	[sflag:s9] =	ssyncset.done $0x0  }
0x411: {  	[sflag:s9] =	ssyncadd.s32 $0xFFFFFE00  }
0x412: {  	_ =	sfence.sel $0x180000  }
0x413: {  	[bflag:$0x0] =	sbarrier.arrive $0xFFFF  }
0x414: {  	_ =	strace $0x90000047  }
0x415: {  	[bflag:$0x2] =	sbarrier.arrive $0xFFFF  }
0x416: {  	p0 =	sne.s32 s2, $0x0;
	s0 =	rddreg [dreg:$0x4]  }
0x417: {  	s0 =	sadd.s32 @!p0 $0x100000, s0  }
0x418: {  	[sflag:s0] =	ssyncadd.tile.s32 @!p0 $0x1;
	_ =	shalt  }
.Lfunc_end2:
_tile_overlayer_lowered:
.L_overlay_start_2:
0x419: {  	(tag) =	ssettag $0x2  }
0x41a: {  	s0 =	rddreg [dreg:$0x0];
	s2 =	stileid.u32  }
0x41b: {  	s1 =	rddreg [dreg:$0x1];
	p0 =	sne.s32 s2, $0x0  }
0x41c: {  	s3 =	rddreg [dreg:$0x2];
	[bflag:$0x3] =	sbarrier.arrive $0xFFFF;
	s2 =	simm.s32 @!p0 $0x1C03  }
0x41d: {  	[timem:s3], [sflag:s2] =	dma.local @!p0 [hbm:s0], s1  }
0x41e: {  	s0 =	simm.s32 @!p0 $0x3  }
0x41f: {  	_ =	swait.ge @!p0 [sflag:s0], s1  }
0x420: {  	s1 =	ssub.s32 @!p0 $0x0, s1;
	[sflag:s0] =	ssyncset.done @!p0 $0x0  }
0x421: {  	[sflag:s0] =	ssyncadd.s32 @!p0 s1  }
0x422: {  	[bflag:$0x3] =	sbarrier.arrive $0xFFFF  }
0x423: {  	_ =	shalt  }

</sc_bundles>
